<compile_context>
chip_gen: v7x
topology: tpu7x:2x2x1
jax: 0.10.2.dev20260603
libtpu: 0.0.44.dev20260713+nightly
codegen_flags: <defaults>
</compile_context>

<pallas_src>
import functools

import jax
import jax.numpy as jnp
from jax import lax
from jax.experimental import pallas as pl
from jax.experimental.pallas import tpu as pltpu
from jax.experimental.pallas import tpu_sc as plsc

_NB, _NA, _NC, _NH, _NW = 16, 3, 80, 64, 64
_NT = 512
_STRIDE = 8.0
_THRESH = 0.5
_NCH = 85
_K = 88
_NWORK = 32
_CHUNK = 128
_NCHUNK = (_NT * _K) // (_NWORK * _CHUNK)


def _transpose_col_to_row(col, eye):
    return lax.dot_general(col, eye, (((0,), (0,)), ((), ())),
                           precision=lax.Precision.HIGHEST,
                           preferred_element_type=jnp.float32)


def _target_body(tgt_ref, anc_ref, idx_ref, aux_ref):
    t = tgt_ref[...]
    b_f = t[:, 0:1]
    lab_f = t[:, 1:2]
    gx = t[:, 2:3] * _NW
    gy = t[:, 3:4] * _NH
    gw = t[:, 4:5] * _NW
    gh = t[:, 5:6] * _NH

    saw = [anc_ref[a:a + 1, 0:1] / _STRIDE for a in range(_NA)]
    sah = [anc_ref[a:a + 1, 1:2] / _STRIDE for a in range(_NA)]

    ious = []
    for a in range(_NA):
        inter = jnp.minimum(saw[a], gw) * jnp.minimum(sah[a], gh)
        union = saw[a] * sah[a] + 1e-16 + gw * gh - inter
        ious.append(inter / union)
    m01 = jnp.maximum(ious[0], ious[1])
    best_f = jnp.where(ious[2] > m01, 2.0,
                       jnp.where(ious[1] > ious[0], 1.0, 0.0))
    best_i = best_f.astype(jnp.int32)

    aw_best = jnp.where(best_i == 0, saw[0],
                        jnp.where(best_i == 1, saw[1], saw[2]))
    ah_best = jnp.where(best_i == 0, sah[0],
                        jnp.where(best_i == 1, sah[1], sah[2]))

    gi_f = jnp.floor(gx)
    gj_f = jnp.floor(gy)
    tx = gx - gi_f
    ty = gy - gj_f
    tw = jnp.log(gw / aw_best + 1e-16)
    th = jnp.log(gh / ah_best + 1e-16)

    bi = b_f.astype(jnp.int32)
    li = lab_f.astype(jnp.int32)
    gii = gi_f.astype(jnp.int32)
    gjj = gj_f.astype(jnp.int32)

    eye = (lax.broadcasted_iota(jnp.int32, (_NT, _NT), 0)
           == lax.broadcasted_iota(jnp.int32, (_NT, _NT), 1)).astype(jnp.float32)
    row_i = lax.broadcasted_iota(jnp.int32, (_NT, _NT), 0)
    col_j = lax.broadcasted_iota(jnp.int32, (_NT, _NT), 1)

    key_best = (((bi * _NA + best_i) * _NH + gjj) * _NW + gii).astype(jnp.float32)
    key_row = _transpose_col_to_row(key_best, eye)
    eq = (key_best == key_row)
    has_later = jnp.max(jnp.where(eq & (col_j > row_i), 1.0, 0.0),
                        axis=1, keepdims=True)
    w_mask = 1.0 - has_later

    key2 = [(((bi * _NA + a) * _NH + gjj) * _NW + gii).astype(jnp.float32)
            for a in range(_NA)]
    flag = [jnp.where((best_i == a) | (ious[a] > _THRESH), 1.0, 0.0)
            for a in range(_NA)]
    key2_row = [_transpose_col_to_row(key2[a], eye) for a in range(_NA)]
    flag_row = [_transpose_col_to_row(flag[a], eye) for a in range(_NA)]
    r_mask = []
    for a in range(_NA):
        has_earlier = jnp.zeros((_NT, 1), jnp.float32)
        for ap in range(_NA):
            if ap < a:
                earlier = col_j <= row_i
            else:
                earlier = col_j < row_i
            m = (key2[a] == key2_row[ap]) & (flag_row[ap] > 0.5) & earlier
            has_earlier = jnp.maximum(
                has_earlier,
                jnp.max(jnp.where(m, 1.0, 0.0), axis=1, keepdims=True))
        r_mask.append(flag[a] * (1.0 - has_earlier))

    onehot = (li == lax.broadcasted_iota(jnp.int32, (_NT, _NC), 1)
              ).astype(jnp.float32)

    plane = _NH * _NW
    spatial = gjj * _NW + gii
    base_main = (bi * (_NA * _NCH) + best_i * _NCH) * plane + spatial
    cc = lax.broadcasted_iota(jnp.int32, (_NT, _NCH), 1)
    idx_main = base_main + cc * plane
    idx_conf = [ (bi * (_NA * _NCH) + a * _NCH + 4) * plane + spatial
                 for a in range(_NA)]
    idx_ref[...] = jnp.concatenate([idx_main] + idx_conf, axis=1)

    aux_ref[...] = jnp.concatenate(
        [tx, ty, tw, th, w_mask] + r_mask + [onehot], axis=1)


def _run_target_kernel(target, anchors):
    return pl.pallas_call(
        _target_body,
        out_shape=[jax.ShapeDtypeStruct((_NT, _K), jnp.int32),
                   jax.ShapeDtypeStruct((_NT, _K), jnp.float32)],
    )(target, anchors)


_LANES = 128
_NGRP = _CHUNK // 16


@functools.lru_cache(maxsize=1)
def _make_sc_gather():
    @functools.partial(
        pl.kernel,
        out_type=jax.ShapeDtypeStruct((_NWORK, _NCHUNK * _CHUNK, _LANES),
                                      jnp.float32),
        scratch_types=[pltpu.VMEM((_NCHUNK, _CHUNK), jnp.int32),
                       pltpu.VMEM((_CHUNK,), jnp.int32),
                       pltpu.VMEM((_CHUNK, _LANES), jnp.float32),
                       pltpu.SemaphoreType.DMA],
        mesh=plsc.VectorSubcoreMesh(core_axis_name="c", subcore_axis_name="s"),
    )
    def sc_gather(table_hbm, idx_hbm, out_hbm, idx_v, row_v, buf_v, sem):
        wid = lax.axis_index("s") * 2 + lax.axis_index("c")
        pltpu.sync_copy(idx_hbm.at[wid], idx_v)
        for j in range(_NCHUNK):
            for g in range(_NGRP):
                v = idx_v[j, pl.ds(g * 16, 16)]
                row_v[pl.ds(g * 16, 16)] = jnp.right_shift(v, 7)
            pltpu.async_copy(table_hbm.at[row_v], buf_v, sem).wait()
            pltpu.sync_copy(buf_v, out_hbm.at[wid, pl.ds(j * _CHUNK, _CHUNK)])

    return sc_gather


def _sc_gather(table, idx):
    return _make_sc_gather()(table, idx)


_XROWS = 1024


def _extract_body(rows_ref, idx_ref, out_ref):
    lane = jnp.bitwise_and(idx_ref[...], _LANES - 1)
    oh = lane == lax.broadcasted_iota(jnp.int32, (_XROWS, _LANES), 1)
    out_ref[...] = jnp.sum(jnp.where(oh, rows_ref[...], 0.0),
                           axis=1, keepdims=True)


def _run_extract_kernel(rows, idxflat):
    n = _NT * _K
    return pl.pallas_call(
        _extract_body,
        grid=(n // _XROWS,),
        in_specs=[pl.BlockSpec((_XROWS, _LANES), lambda i: (i, 0)),
                  pl.BlockSpec((_XROWS, 1), lambda i: (i, 0))],
        out_specs=pl.BlockSpec((_XROWS, 1), lambda i: (i, 0)),
        out_shape=jax.ShapeDtypeStruct((n, 1), jnp.float32),
    )(rows, idxflat)


def _bce1(z):
    p = jax.nn.sigmoid(z)
    return -jnp.clip(jnp.log(p), -100.0)


def _bce0(z):
    p = jax.nn.sigmoid(z)
    return -jnp.clip(jnp.log(1.0 - p), -100.0)


def _dense_body(conf_ref, acc_ref):
    i = pl.program_id(0)

    @pl.when(i == 0)
    def _():
        acc_ref[...] = jnp.zeros((1, 1), jnp.float32)

    dense = jnp.sum(_bce0(conf_ref[:, 0]))
    acc_ref[...] += jnp.reshape(0.5 * dense / _NB, (1, 1))


def _run_dense_kernel(output):
    return pl.pallas_call(
        _dense_body,
        grid=(_NA,),
        in_specs=[pl.BlockSpec((_NB, 1, _NH, _NW),
                               lambda a: (0, a * _NCH + 4, 0, 0))],
        out_specs=pl.BlockSpec((1, 1), lambda a: (0, 0)),
        out_shape=jax.ShapeDtypeStruct((1, 1), jnp.float32),
    )(output)


def _final_body(g_ref, aux_ref, dense_ref, acc_ref):
    g = g_ref[...]
    a = aux_ref[...]
    tx, ty = a[:, 0:1], a[:, 1:2]
    tw, th = a[:, 2:3], a[:, 3:4]
    wm = a[:, 4:5]
    rm = a[:, 5:8]
    onehot = a[:, 8:_K]
    xs = jax.nn.sigmoid(g[:, 0:1])
    ys = jax.nn.sigmoid(g[:, 1:2])
    coord = ((xs - tx) ** 2 + (ys - ty) ** 2
             + (g[:, 2:3] - tw) ** 2 + (g[:, 3:4] - th) ** 2)
    conf_obj = _bce1(g[:, 4:5])
    cls_log = g[:, 5:_NCH]
    cls_all0 = jnp.sum(_bce0(cls_log), axis=1, keepdims=True)
    z_lab = jnp.sum(onehot * cls_log, axis=1, keepdims=True)
    cls_term = cls_all0 + _bce1(z_lab) - _bce0(z_lab)
    corr = jnp.sum(rm * _bce0(g[:, _NCH:_K]))
    tpart = jnp.sum(wm * (coord + conf_obj + cls_term)) - 0.5 * corr
    acc_ref[...] = dense_ref[...] + jnp.reshape(tpart / _NB, (1, 1))


def _run_final_kernel(g, aux, dense):
    return pl.pallas_call(
        _final_body,
        out_shape=jax.ShapeDtypeStruct((1, 1), jnp.float32),
    )(g, aux, dense)


def kernel(output, target, anchors):
    idx, aux = _run_target_kernel(target, anchors)
    table2d = output.reshape(-1, _LANES)
    rows = _sc_gather(table2d, idx.reshape(_NWORK, _NCHUNK, _CHUNK))
    dense = _run_dense_kernel(output)
    g = _run_extract_kernel(rows.reshape(_NT * _K, _LANES),
                            idx.reshape(_NT * _K, 1))
    g = g.reshape(_NT, _K)
    tot = _run_final_kernel(g, aux, dense)
    return tot[0, 0]

# --- scband reference (transcript-rebuilt; emitter-appended) ---
"""Pipeline reference for scband-yolov3-loss-new-23252952941303 (READ-ONLY COPY).

The authoritative reference and input builder live on the scoring server;
editing this copy changes nothing except your own understanding.
"""

import jax, jax.numpy as jnp
import numpy as np


def _bce(p, t):
    return -(t * jnp.clip(jnp.log(p), -100.0) + (1.0 - t) * jnp.clip(jnp.log(1.0 - p), -100.0))


def _bbox_wh_iou(anchors, gwh):
    # anchors [nA,2], gwh [nT,2] -> [nA,nT]
    w1 = anchors[:, 0:1]
    h1 = anchors[:, 1:2]
    w2 = gwh[:, 0][None, :]
    h2 = gwh[:, 1][None, :]
    inter = jnp.minimum(w1, w2) * jnp.minimum(h1, h2)
    union = w1 * h1 + 1e-16 + w2 * h2 - inter
    return inter / union


def _bbox_iou_xywh(box1, box2):
    b1_x1 = box1[:, 0] - box1[:, 2] / 2
    b1_x2 = box1[:, 0] + box1[:, 2] / 2
    b1_y1 = box1[:, 1] - box1[:, 3] / 2
    b1_y2 = box1[:, 1] + box1[:, 3] / 2
    b2_x1 = box2[:, 0] - box2[:, 2] / 2
    b2_x2 = box2[:, 0] + box2[:, 2] / 2
    b2_y1 = box2[:, 1] - box2[:, 3] / 2
    b2_y2 = box2[:, 1] + box2[:, 3] / 2
    ix1 = jnp.maximum(b1_x1, b2_x1)
    iy1 = jnp.maximum(b1_y1, b2_y1)
    ix2 = jnp.minimum(b1_x2, b2_x2)
    iy2 = jnp.minimum(b1_y2, b2_y2)
    inter = jnp.clip(ix2 - ix1 + 1, 0) * jnp.clip(iy2 - iy1 + 1, 0)
    a1 = (b1_x2 - b1_x1 + 1) * (b1_y2 - b1_y1 + 1)
    a2 = (b2_x2 - b2_x1 + 1) * (b2_y2 - b2_y1 + 1)
    return inter / (a1 + a2 - inter + 1e-16)


def _forward(output, target, anchors, num_classes=80, num_anchors=3, stride=8, thresh=0.5):
    sg = jax.lax.stop_gradient
    nB = output.shape[0]
    nA = num_anchors
    nC = num_classes
    nH = output.shape[2]
    nW = output.shape[3]
    out = output.reshape(nB, nA, 5 + nC, nH, nW).transpose(0, 1, 3, 4, 2)
    x = jax.nn.sigmoid(out[..., 0])
    y = jax.nn.sigmoid(out[..., 1])
    w = out[..., 2]
    h = out[..., 3]
    pred_conf = jax.nn.sigmoid(out[..., 4])
    pred_cls = jax.nn.sigmoid(out[..., 5:])
    grid_x = jnp.arange(nW, dtype=jnp.float32).reshape(1, 1, 1, nW)
    grid_y = jnp.arange(nH, dtype=jnp.float32).reshape(1, 1, nH, 1)
    scaled_anchors = anchors / stride
    anchor_w = scaled_anchors[:, 0].reshape(1, nA, 1, 1)
    anchor_h = scaled_anchors[:, 1].reshape(1, nA, 1, 1)
    pred_boxes = jnp.stack([
        sg(x) + jnp.broadcast_to(grid_x, x.shape),
        sg(y) + jnp.broadcast_to(grid_y, y.shape),
        jnp.exp(sg(w)) * jnp.broadcast_to(anchor_w, w.shape),
        jnp.exp(sg(h)) * jnp.broadcast_to(anchor_h, h.shape),
    ], axis=-1)
    # build_targets
    scale = jnp.array([nW, nH, nW, nH], dtype=jnp.float32)
    target_boxes = target[:, 2:6] * scale
    gxy = target_boxes[:, :2]
    gwh = target_boxes[:, 2:]
    ious = _bbox_wh_iou(scaled_anchors, gwh)  # [nA, nT]
    best_n = jnp.argmax(ious, axis=0)
    b = sg(target[:, 0]).astype(jnp.int32)
    labels = sg(target[:, 1]).astype(jnp.int32)
    gi = jnp.floor(sg(gxy[:, 0])).astype(jnp.int32)
    gj = jnp.floor(sg(gxy[:, 1])).astype(jnp.int32)
    nT = target.shape[0]
    obj_mask = jnp.zeros((nB, nA, nH, nW), dtype=bool).at[b, best_n, gj, gi].set(True)
    noobj = jnp.ones((nB, nA, nH, nW), dtype=jnp.float32)
    noobj = noobj.at[b, best_n, gj, gi].min(0.0)
    over = (ious.T > thresh).astype(jnp.float32)  # [nT, nA]
    aidx = jnp.broadcast_to(jnp.arange(nA, dtype=jnp.int32)[None, :], (nT, nA))
    noobj = noobj.at[
        jnp.broadcast_to(b[:, None], (nT, nA)), aidx,
        jnp.broadcast_to(gj[:, None], (nT, nA)),
        jnp.broadcast_to(gi[:, None], (nT, nA))
    ].min(1.0 - over)
    noobj_mask = noobj > 0.5
    zf = jnp.zeros((nB, nA, nH, nW), dtype=jnp.float32)
    tx = zf.at[b, best_n, gj, gi].set(gxy[:, 0] - jnp.floor(gxy[:, 0]))
    ty = zf.at[b, best_n, gj, gi].set(gxy[:, 1] - jnp.floor(gxy[:, 1]))
    tw = zf.at[b, best_n, gj, gi].set(jnp.log(gwh[:, 0] / scaled_anchors[best_n, 0] + 1e-16))
    th = zf.at[b, best_n, gj, gi].set(jnp.log(gwh[:, 1] / scaled_anchors[best_n, 1] + 1e-16))
    tcls = jnp.zeros((nB, nA, nH, nW, nC), dtype=jnp.float32).at[b, best_n, gj, gi, labels].set(1.0)
    tconf = obj_mask.astype(jnp.float32)
    # metrics-only tensor, kept for faithfulness (unused by loss)
    pb_sel = pred_boxes[b, best_n, gj, gi]
    iou_scores = zf.at[b, best_n, gj, gi].set(_bbox_iou_xywh(pb_sel, target_boxes))
    del iou_scores
    objf = obj_mask.astype(jnp.float32)
    noobjf = noobj_mask.astype(jnp.float32)
    loss_x = jnp.sum(objf * (x - tx) ** 2)
    loss_y = jnp.sum(objf * (y - ty) ** 2)
    loss_w = jnp.sum(objf * (w - tw) ** 2)
    loss_h = jnp.sum(objf * (h - th) ** 2)
    loss_conf_obj = jnp.sum(objf * _bce(pred_conf, tconf))
    loss_conf_noobj = jnp.sum(noobjf * _bce(pred_conf, tconf))
    loss_conf = 1.0 * loss_conf_obj + 0.5 * loss_conf_noobj
    loss_cls = jnp.sum(objf[..., None] * _bce(pred_cls, tcls))
    total_loss = loss_x + loss_y + loss_w + loss_h + loss_conf + loss_cls
    return total_loss / nB


def setup_inputs(seed: int = 0) -> dict:
    key = jax.random.key(seed)
    k1, k2, k3, k4, k5 = jax.random.split(key, 5)
    nB, nA, nC, nH, nW = 16, 3, 80, 64, 64
    output = jax.random.normal(k1, (nB, nA * (5 + nC), nH, nW), dtype=jnp.float32) * 0.5
    nT = 512
    tb = jax.random.randint(k2, (nT,), 0, nB).astype(jnp.float32)
    tl = jax.random.randint(k3, (nT,), 0, nC).astype(jnp.float32)
    xy = jax.random.uniform(k4, (nT, 2), minval=0.02, maxval=0.98, dtype=jnp.float32)
    wh = jax.random.uniform(k5, (nT, 2), minval=0.02, maxval=0.5, dtype=jnp.float32)
    target = jnp.concatenate([tb[:, None], tl[:, None], xy, wh], axis=1)
    anchors = jnp.array([[10.0, 13.0], [16.0, 30.0], [33.0, 23.0]], dtype=jnp.float32)
    return {"output": output, "target": target, "anchors": anchors}


def reference(output, target, anchors):
    return _forward(output, target, anchors, num_classes=80, num_anchors=3, stride=8, thresh=0.5)

if __name__ == "__main__":
    import jax
    _d = setup_inputs()
    print(jax.jit(kernel)(*tuple(_d.values())))

</pallas_src>

<mosaic_0001>
#map = affine_map<(d0, d1) -> (0, 0)>
#map1 = affine_map<(d0, d1) -> (0, 0, 0)>
module attributes {stable_mosaic.version = 14 : i64} {
  func.func @sc_gather(%arg0: i32, %arg1: i32, %arg2: memref<130560x128xf32, #tpu.memory_space<hbm>>, %arg3: memref<32x11x128xi32, #tpu.memory_space<hbm>>, %arg4: memref<32x1408x128xf32, #tpu.memory_space<hbm>>, %arg5: memref<11x128xi32, #tpu.memory_space<vmem>>, %arg6: memref<128xi32, #tpu.memory_space<vmem>>, %arg7: memref<128x128xf32, #tpu.memory_space<vmem>>, %arg8: memref<!tpu.dma_semaphore, #tpu.memory_space<semaphore_mem>>) attributes {dimension_semantics = [#tpu.dimension_semantics<core_parallel>, #tpu.dimension_semantics<subcore_parallel>], iteration_bounds = array<i64: 2, 16>, scalar_prefetch = 0 : i64, scratch_operands = 4 : i64, tpu.core_type = #tpu.core_type<sc_vector_subcore>, window_params = [{transform_indices = #map}, {transform_indices = #map1}, {transform_indices = #map1}]} {
    %mul3A = arith.constant 2 : i32
    %mul3A_0 = arith.muli %arg1, %mul3A : i32
    %add3A = arith.addi %mul3A_0, %arg0 : i32
    "tpu.region"() ({
      %run_scoped3A = tpu.sem_alloc : memref<!tpu.dma_semaphore, #tpu.memory_space<semaphore_mem>>
      %dma_start3A_1118 = arith.constant 0 : i32
      %dma_start3A_1119 = arith.constant 0 : i32
      %dma_start3A_1120 = tpu.memref_slice %arg3[%add3A, %dma_start3A_1118, %dma_start3A_1119] : memref<32x11x128xi32, #tpu.memory_space<hbm>> -> memref<1x11x128xi32, #tpu.memory_space<hbm>>
      %dma_start3A_1121 = tpu.memref_squeeze %dma_start3A_1120 : memref<1x11x128xi32, #tpu.memory_space<hbm>> -> memref<11x128xi32, #tpu.memory_space<hbm>>
      %dma_start3A_1122 = arith.constant 0 : i32
      %dma_start3A_1123 = arith.constant 0 : i32
      %dma_start3A_1124 = tpu.memref_slice %arg3[%add3A, %dma_start3A_1122, %dma_start3A_1123] : memref<32x11x128xi32, #tpu.memory_space<hbm>> -> memref<1x11x128xi32, #tpu.memory_space<hbm>>
      %dma_start3A_1125 = tpu.memref_squeeze %dma_start3A_1124 : memref<1x11x128xi32, #tpu.memory_space<hbm>> -> memref<11x128xi32, #tpu.memory_space<hbm>>
      tpu.enqueue_dma source(%dma_start3A_1125 : memref<11x128xi32, #tpu.memory_space<hbm>>) target(%arg5 : memref<11x128xi32, #tpu.memory_space<vmem>>) target_semaphore(%run_scoped3A : memref<!tpu.dma_semaphore, #tpu.memory_space<semaphore_mem>>)
      %dma_wait3A_1126 = arith.constant 0 : i32
      %dma_wait3A_1127 = arith.constant 0 : i32
      %dma_wait3A_1128 = tpu.memref_slice %arg3[%add3A, %dma_wait3A_1126, %dma_wait3A_1127] : memref<32x11x128xi32, #tpu.memory_space<hbm>> -> memref<1x11x128xi32, #tpu.memory_space<hbm>>
      %dma_wait3A_1129 = tpu.memref_squeeze %dma_wait3A_1128 : memref<1x11x128xi32, #tpu.memory_space<hbm>> -> memref<11x128xi32, #tpu.memory_space<hbm>>
      %dma_wait3A_1130 = arith.constant 0 : i32
      %dma_wait3A_1131 = arith.constant 0 : i32
      %dma_wait3A_1132 = tpu.memref_slice %arg3[%add3A, %dma_wait3A_1130, %dma_wait3A_1131] : memref<32x11x128xi32, #tpu.memory_space<hbm>> -> memref<1x11x128xi32, #tpu.memory_space<hbm>>
      %dma_wait3A_1133 = tpu.memref_squeeze %dma_wait3A_1132 : memref<1x11x128xi32, #tpu.memory_space<hbm>> -> memref<11x128xi32, #tpu.memory_space<hbm>>
      tpu.wait_dma2 semaphore(%run_scoped3A : memref<!tpu.dma_semaphore, #tpu.memory_space<semaphore_mem>>) src(%dma_wait3A_1133 : memref<11x128xi32, #tpu.memory_space<hbm>>) dst(%arg5 : memref<11x128xi32, #tpu.memory_space<vmem>>)
      tpu.yield
    }) : () -> ()
    %get3A = arith.constant 0 : i32
    %get3A_1 = arith.index_cast %get3A : i32 to index
    %get3A_2 = arith.constant 0 : index
    %get3A_3 = tpu.vector_load %arg5[%get3A_1, %get3A_2] {strides = array<i32>} : memref<11x128xi32, #tpu.memory_space<vmem>>, vector<1x16xi32>,
    %get3A_4 = vector.shape_cast %get3A_3 : vector<1x16xi32> to vector<16xi32>
    %shift_right_arithmetic3A = arith.constant 7 : i32
    %shift_right_arithmetic3A_5 = vector.broadcast %shift_right_arithmetic3A : i32 to vector<16xi32>
    %shift_right_arithmetic3A_6 = arith.shrsi %get3A_4, %shift_right_arithmetic3A_5 : vector<16xi32>
    %swap3A = arith.constant 0 : index
    %swap3A_7 = tpu.vector_load %arg6[%swap3A] {strides = array<i32>} : memref<128xi32, #tpu.memory_space<vmem>>, vector<16xi32>,
    %swap3A_8 = vector.shape_cast %swap3A_7 : vector<16xi32> to vector<16xi32>
    %swap3A_9 = vector.shape_cast %shift_right_arithmetic3A_6 : vector<16xi32> to vector<16xi32>
    tpu.vector_store %arg6[%swap3A], %swap3A_9 {strides = array<i32>} : memref<128xi32, #tpu.memory_space<vmem>>, vector<16xi32>,
    %get3A_10 = arith.constant 0 : i32
    %get3A_11 = arith.index_cast %get3A_10 : i32 to index
    %get3A_12 = arith.constant 16 : index
    %get3A_13 = tpu.vector_load %arg5[%get3A_11, %get3A_12] {strides = array<i32>} : memref<11x128xi32, #tpu.memory_space<vmem>>, vector<1x16xi32>,
    %get3A_14 = vector.shape_cast %get3A_13 : vector<1x16xi32> to vector<16xi32>
    %shift_right_arithmetic3A_15 = arith.constant 7 : i32
    %shift_right_arithmetic3A_16 = vector.broadcast %shift_right_arithmetic3A_15 : i32 to vector<16xi32>
    %shift_right_arithmetic3A_17 = arith.shrsi %get3A_14, %shift_right_arithmetic3A_16 : vector<16xi32>
    %swap3A_18 = arith.constant 16 : index
    %swap3A_19 = tpu.vector_load %arg6[%swap3A_18] {strides = array<i32>} : memref<128xi32, #tpu.memory_space<vmem>>, vector<16xi32>,
    %swap3A_20 = vector.shape_cast %swap3A_19 : vector<16xi32> to vector<16xi32>
    %swap3A_21 = vector.shape_cast %shift_right_arithmetic3A_17 : vector<16xi32> to vector<16xi32>
    tpu.vector_store %arg6[%swap3A_18], %swap3A_21 {strides = array<i32>} : memref<128xi32, #tpu.memory_space<vmem>>, vector<16xi32>,
    %get3A_22 = arith.constant 0 : i32
    %get3A_23 = arith.index_cast %get3A_22 : i32 to index
    %get3A_24 = arith.constant 32 : index
    %get3A_25 = tpu.vector_load %arg5[%get3A_23, %get3A_24] {strides = array<i32>} : memref<11x128xi32, #tpu.memory_space<vmem>>, vector<1x16xi32>,
    %get3A_26 = vector.shape_cast %get3A_25 : vector<1x16xi32> to vector<16xi32>
    %shift_right_arithmetic3A_27 = arith.constant 7 : i32
    %shift_right_arithmetic3A_28 = vector.broadcast %shift_right_arithmetic3A_27 : i32 to vector<16xi32>
    %shift_right_arithmetic3A_29 = arith.shrsi %get3A_26, %shift_right_arithmetic3A_28 : vector<16xi32>
    %swap3A_30 = arith.constant 32 : index
    %swap3A_31 = tpu.vector_load %arg6[%swap3A_30] {strides = array<i32>} : memref<128xi32, #tpu.memory_space<vmem>>, vector<16xi32>,
    %swap3A_32 = vector.shape_cast %swap3A_31 : vector<16xi32> to vector<16xi32>
    %swap3A_33 = vector.shape_cast %shift_right_arithmetic3A_29 : vector<16xi32> to vector<16xi32>
    tpu.vector_store %arg6[%swap3A_30], %swap3A_33 {strides = array<i32>} : memref<128xi32, #tpu.memory_space<vmem>>, vector<16xi32>,
    %get3A_34 = arith.constant 0 : i32
    %get3A_35 = arith.index_cast %get3A_34 : i32 to index
    %get3A_36 = arith.constant 48 : index
    %get3A_37 = tpu.vector_load %arg5[%get3A_35, %get3A_36] {strides = array<i32>} : memref<11x128xi32, #tpu.memory_space<vmem>>, vector<1x16xi32>,
    %get3A_38 = vector.shape_cast %get3A_37 : vector<1x16xi32> to vector<16xi32>
    %shift_right_arithmetic3A_39 = arith.constant 7 : i32
    %shift_right_arithmetic3A_40 = vector.broadcast %shift_right_arithmetic3A_39 : i32 to vector<16xi32>
    %shift_right_arithmetic3A_41 = arith.shrsi %get3A_38, %shift_right_arithmetic3A_40 : vector<16xi32>
    %swap3A_42 = arith.constant 48 : index
    %swap3A_43 = tpu.vector_load %arg6[%swap3A_42] {strides = array<i32>} : memref<128xi32, #tpu.memory_space<vmem>>, vector<16xi32>,
    %swap3A_44 = vector.shape_cast %swap3A_43 : vector<16xi32> to vector<16xi32>
    %swap3A_45 = vector.shape_cast %shift_right_arithmetic3A_41 : vector<16xi32> to vector<16xi32>
    tpu.vector_store %arg6[%swap3A_42], %swap3A_45 {strides = array<i32>} : memref<128xi32, #tpu.memory_space<vmem>>, vector<16xi32>,
    %get3A_46 = arith.constant 0 : i32
    %get3A_47 = arith.index_cast %get3A_46 : i32 to index
    %get3A_48 = arith.constant 64 : index
    %get3A_49 = tpu.vector_load %arg5[%get3A_47, %get3A_48] {strides = array<i32>} : memref<11x128xi32, #tpu.memory_space<vmem>>, vector<1x16xi32>,
    %get3A_50 = vector.shape_cast %get3A_49 : vector<1x16xi32> to vector<16xi32>
    %shift_right_arithmetic3A_51 = arith.constant 7 : i32
    %shift_right_arithmetic3A_52 = vector.broadcast %shift_right_arithmetic3A_51 : i32 to vector<16xi32>
    %shift_right_arithmetic3A_53 = arith.shrsi %get3A_50, %shift_right_arithmetic3A_52 : vector<16xi32>
    %swap3A_54 = arith.constant 64 : index
    %swap3A_55 = tpu.vector_load %arg6[%swap3A_54] {strides = array<i32>} : memref<128xi32, #tpu.memory_space<vmem>>, vector<16xi32>,
    %swap3A_56 = vector.shape_cast %swap3A_55 : vector<16xi32> to vector<16xi32>
    %swap3A_57 = vector.shape_cast %shift_right_arithmetic3A_53 : vector<16xi32> to vector<16xi32>
    tpu.vector_store %arg6[%swap3A_54], %swap3A_57 {strides = array<i32>} : memref<128xi32, #tpu.memory_space<vmem>>, vector<16xi32>,
    %get3A_58 = arith.constant 0 : i32
    %get3A_59 = arith.index_cast %get3A_58 : i32 to index
    %get3A_60 = arith.constant 80 : index
    %get3A_61 = tpu.vector_load %arg5[%get3A_59, %get3A_60] {strides = array<i32>} : memref<11x128xi32, #tpu.memory_space<vmem>>, vector<1x16xi32>,
    %get3A_62 = vector.shape_cast %get3A_61 : vector<1x16xi32> to vector<16xi32>
    %shift_right_arithmetic3A_63 = arith.constant 7 : i32
    %shift_right_arithmetic3A_64 = vector.broadcast %shift_right_arithmetic3A_63 : i32 to vector<16xi32>
    %shift_right_arithmetic3A_65 = arith.shrsi %get3A_62, %shift_right_arithmetic3A_64 : vector<16xi32>
    %swap3A_66 = arith.constant 80 : index
    %swap3A_67 = tpu.vector_load %arg6[%swap3A_66] {strides = array<i32>} : memref<128xi32, #tpu.memory_space<vmem>>, vector<16xi32>,
    %swap3A_68 = vector.shape_cast %swap3A_67 : vector<16xi32> to vector<16xi32>
    %swap3A_69 = vector.shape_cast %shift_right_arithmetic3A_65 : vector<16xi32> to vector<16xi32>
    tpu.vector_store %arg6[%swap3A_66], %swap3A_69 {strides = array<i32>} : memref<128xi32, #tpu.memory_space<vmem>>, vector<16xi32>,
    %get3A_70 = arith.constant 0 : i32
    %get3A_71 = arith.index_cast %get3A_70 : i32 to index
    %get3A_72 = arith.constant 96 : index
    %get3A_73 = tpu.vector_load %arg5[%get3A_71, %get3A_72] {strides = array<i32>} : memref<11x128xi32, #tpu.memory_space<vmem>>, vector<1x16xi32>,
    %get3A_74 = vector.shape_cast %get3A_73 : vector<1x16xi32> to vector<16xi32>
    %shift_right_arithmetic3A_75 = arith.constant 7 : i32
    %shift_right_arithmetic3A_76 = vector.broadcast %shift_right_arithmetic3A_75 : i32 to vector<16xi32>
    %shift_right_arithmetic3A_77 = arith.shrsi %get3A_74, %shift_right_arithmetic3A_76 : vector<16xi32>
    %swap3A_78 = arith.constant 96 : index
    %swap3A_79 = tpu.vector_load %arg6[%swap3A_78] {strides = array<i32>} : memref<128xi32, #tpu.memory_space<vmem>>, vector<16xi32>,
    %swap3A_80 = vector.shape_cast %swap3A_79 : vector<16xi32> to vector<16xi32>
    %swap3A_81 = vector.shape_cast %shift_right_arithmetic3A_77 : vector<16xi32> to vector<16xi32>
    tpu.vector_store %arg6[%swap3A_78], %swap3A_81 {strides = array<i32>} : memref<128xi32, #tpu.memory_space<vmem>>, vector<16xi32>,
    %get3A_82 = arith.constant 0 : i32
    %get3A_83 = arith.index_cast %get3A_82 : i32 to index
    %get3A_84 = arith.constant 112 : index
    %get3A_85 = tpu.vector_load %arg5[%get3A_83, %get3A_84] {strides = array<i32>} : memref<11x128xi32, #tpu.memory_space<vmem>>, vector<1x16xi32>,
    %get3A_86 = vector.shape_cast %get3A_85 : vector<1x16xi32> to vector<16xi32>
    %shift_right_arithmetic3A_87 = arith.constant 7 : i32
    %shift_right_arithmetic3A_88 = vector.broadcast %shift_right_arithmetic3A_87 : i32 to vector<16xi32>
    %shift_right_arithmetic3A_89 = arith.shrsi %get3A_86, %shift_right_arithmetic3A_88 : vector<16xi32>
    %swap3A_90 = arith.constant 112 : index
    %swap3A_91 = tpu.vector_load %arg6[%swap3A_90] {strides = array<i32>} : memref<128xi32, #tpu.memory_space<vmem>>, vector<16xi32>,
    %swap3A_92 = vector.shape_cast %swap3A_91 : vector<16xi32> to vector<16xi32>
    %swap3A_93 = vector.shape_cast %shift_right_arithmetic3A_89 : vector<16xi32> to vector<16xi32>
    tpu.vector_store %arg6[%swap3A_90], %swap3A_93 {strides = array<i32>} : memref<128xi32, #tpu.memory_space<vmem>>, vector<16xi32>,
    %dma_start3A = arith.constant 0 : i32
    %dma_start3A_94 = arith.constant 0 : i32
    %dma_start3A_95 = tpu.memref_slice %arg2[%dma_start3A, %dma_start3A_94] : memref<130560x128xf32, #tpu.memory_space<hbm>> -> memref<130560x128xf32, #tpu.memory_space<hbm>>
    tpu.enqueue_indirect_dma source(%dma_start3A_95 : memref<130560x128xf32, #tpu.memory_space<hbm>>) target(%arg7 : memref<128x128xf32, #tpu.memory_space<vmem>>) offsets(%arg6 : memref<128xi32, #tpu.memory_space<vmem>>) semaphore(%arg8 : memref<!tpu.dma_semaphore, #tpu.memory_space<semaphore_mem>>)
    %dma_wait3A = arith.constant 0 : i32
    %dma_wait3A_96 = arith.constant 0 : i32
    %dma_wait3A_97 = tpu.memref_slice %arg2[%dma_wait3A, %dma_wait3A_96] : memref<130560x128xf32, #tpu.memory_space<hbm>> -> memref<130560x128xf32, #tpu.memory_space<hbm>>
    tpu.wait_indirect_dma semaphore(%arg8 : memref<!tpu.dma_semaphore, #tpu.memory_space<semaphore_mem>>) src(%dma_wait3A_97 : memref<130560x128xf32, #tpu.memory_space<hbm>>) dst(%arg7 : memref<128x128xf32, #tpu.memory_space<vmem>>)
    "tpu.region"() ({
      %run_scoped3A = tpu.sem_alloc : memref<!tpu.dma_semaphore, #tpu.memory_space<semaphore_mem>>
      %dma_start3A_1118 = arith.constant 0 : i32
      %dma_start3A_1119 = arith.constant 0 : i32
      %dma_start3A_1120 = tpu.memref_slice %arg4[%add3A, %dma_start3A_1118, %dma_start3A_1119] : memref<32x1408x128xf32, #tpu.memory_space<hbm>> -> memref<1x128x128xf32, #tpu.memory_space<hbm>>
      %dma_start3A_1121 = tpu.memref_squeeze %dma_start3A_1120 : memref<1x128x128xf32, #tpu.memory_space<hbm>> -> memref<128x128xf32, #tpu.memory_space<hbm>>
      %dma_start3A_1122 = arith.constant 0 : i32
      %dma_start3A_1123 = arith.constant 0 : i32
      %dma_start3A_1124 = tpu.memref_slice %arg4[%add3A, %dma_start3A_1122, %dma_start3A_1123] : memref<32x1408x128xf32, #tpu.memory_space<hbm>> -> memref<1x128x128xf32, #tpu.memory_space<hbm>>
      %dma_start3A_1125 = tpu.memref_squeeze %dma_start3A_1124 : memref<1x128x128xf32, #tpu.memory_space<hbm>> -> memref<128x128xf32, #tpu.memory_space<hbm>>
      tpu.enqueue_dma source(%arg7 : memref<128x128xf32, #tpu.memory_space<vmem>>) target(%dma_start3A_1125 : memref<128x128xf32, #tpu.memory_space<hbm>>) target_semaphore(%run_scoped3A : memref<!tpu.dma_semaphore, #tpu.memory_space<semaphore_mem>>)
      %dma_wait3A_1126 = arith.constant 0 : i32
      %dma_wait3A_1127 = arith.constant 0 : i32
      %dma_wait3A_1128 = tpu.memref_slice %arg4[%add3A, %dma_wait3A_1126, %dma_wait3A_1127] : memref<32x1408x128xf32, #tpu.memory_space<hbm>> -> memref<1x128x128xf32, #tpu.memory_space<hbm>>
      %dma_wait3A_1129 = tpu.memref_squeeze %dma_wait3A_1128 : memref<1x128x128xf32, #tpu.memory_space<hbm>> -> memref<128x128xf32, #tpu.memory_space<hbm>>
      %dma_wait3A_1130 = arith.constant 0 : i32
      %dma_wait3A_1131 = arith.constant 0 : i32
      %dma_wait3A_1132 = tpu.memref_slice %arg4[%add3A, %dma_wait3A_1130, %dma_wait3A_1131] : memref<32x1408x128xf32, #tpu.memory_space<hbm>> -> memref<1x128x128xf32, #tpu.memory_space<hbm>>
      %dma_wait3A_1133 = tpu.memref_squeeze %dma_wait3A_1132 : memref<1x128x128xf32, #tpu.memory_space<hbm>> -> memref<128x128xf32, #tpu.memory_space<hbm>>
      tpu.wait_dma2 semaphore(%run_scoped3A : memref<!tpu.dma_semaphore, #tpu.memory_space<semaphore_mem>>) src(%arg7 : memref<128x128xf32, #tpu.memory_space<vmem>>) dst(%dma_wait3A_1133 : memref<128x128xf32, #tpu.memory_space<hbm>>)
      tpu.yield
    }) : () -> ()
    %get3A_98 = arith.constant 1 : i32
    %get3A_99 = arith.index_cast %get3A_98 : i32 to index
    %get3A_100 = arith.constant 0 : index
    %get3A_101 = tpu.vector_load %arg5[%get3A_99, %get3A_100] {strides = array<i32>} : memref<11x128xi32, #tpu.memory_space<vmem>>, vector<1x16xi32>,
    %get3A_102 = vector.shape_cast %get3A_101 : vector<1x16xi32> to vector<16xi32>
    %shift_right_arithmetic3A_103 = arith.constant 7 : i32
    %shift_right_arithmetic3A_104 = vector.broadcast %shift_right_arithmetic3A_103 : i32 to vector<16xi32>
    %shift_right_arithmetic3A_105 = arith.shrsi %get3A_102, %shift_right_arithmetic3A_104 : vector<16xi32>
    %swap3A_106 = arith.constant 0 : index
    %swap3A_107 = tpu.vector_load %arg6[%swap3A_106] {strides = array<i32>} : memref<128xi32, #tpu.memory_space<vmem>>, vector<16xi32>,
    %swap3A_108 = vector.shape_cast %swap3A_107 : vector<16xi32> to vector<16xi32>
    %swap3A_109 = vector.shape_cast %shift_right_arithmetic3A_105 : vector<16xi32> to vector<16xi32>
    tpu.vector_store %arg6[%swap3A_106], %swap3A_109 {strides = array<i32>} : memref<128xi32, #tpu.memory_space<vmem>>, vector<16xi32>,
    %get3A_110 = arith.constant 1 : i32
    %get3A_111 = arith.index_cast %get3A_110 : i32 to index
    %get3A_112 = arith.constant 16 : index
    %get3A_113 = tpu.vector_load %arg5[%get3A_111, %get3A_112] {strides = array<i32>} : memref<11x128xi32, #tpu.memory_space<vmem>>, vector<1x16xi32>,
    %get3A_114 = vector.shape_cast %get3A_113 : vector<1x16xi32> to vector<16xi32>
    %shift_right_arithmetic3A_115 = arith.constant 7 : i32
    %shift_right_arithmetic3A_116 = vector.broadcast %shift_right_arithmetic3A_115 : i32 to vector<16xi32>
    %shift_right_arithmetic3A_117 = arith.shrsi %get3A_114, %shift_right_arithmetic3A_116 : vector<16xi32>
    %swap3A_118 = arith.constant 16 : index
    %swap3A_119 = tpu.vector_load %arg6[%swap3A_118] {strides = array<i32>} : memref<128xi32, #tpu.memory_space<vmem>>, vector<16xi32>,
    %swap3A_120 = vector.shape_cast %swap3A_119 : vector<16xi32> to vector<16xi32>
    %swap3A_121 = vector.shape_cast %shift_right_arithmetic3A_117 : vector<16xi32> to vector<16xi32>
    tpu.vector_store %arg6[%swap3A_118], %swap3A_121 {strides = array<i32>} : memref<128xi32, #tpu.memory_space<vmem>>, vector<16xi32>,
    %get3A_122 = arith.constant 1 : i32
    %get3A_123 = arith.index_cast %get3A_122 : i32 to index
    %get3A_124 = arith.constant 32 : index
    %get3A_125 = tpu.vector_load %arg5[%get3A_123, %get3A_124] {strides = array<i32>} : memref<11x128xi32, #tpu.memory_space<vmem>>, vector<1x16xi32>,
    %get3A_126 = vector.shape_cast %get3A_125 : vector<1x16xi32> to vector<16xi32>
    %shift_right_arithmetic3A_127 = arith.constant 7 : i32
    %shift_right_arithmetic3A_128 = vector.broadcast %shift_right_arithmetic3A_127 : i32 to vector<16xi32>
    %shift_right_arithmetic3A_129 = arith.shrsi %get3A_126, %shift_right_arithmetic3A_128 : vector<16xi32>
    %swap3A_130 = arith.constant 32 : index
    %swap3A_131 = tpu.vector_load %arg6[%swap3A_130] {strides = array<i32>} : memref<128xi32, #tpu.memory_space<vmem>>, vector<16xi32>,
    %swap3A_132 = vector.shape_cast %swap3A_131 : vector<16xi32> to vector<16xi32>
    %swap3A_133 = vector.shape_cast %shift_right_arithmetic3A_129 : vector<16xi32> to vector<16xi32>
    tpu.vector_store %arg6[%swap3A_130], %swap3A_133 {strides = array<i32>} : memref<128xi32, #tpu.memory_space<vmem>>, vector<16xi32>,
    %get3A_134 = arith.constant 1 : i32
    %get3A_135 = arith.index_cast %get3A_134 : i32 to index
    %get3A_136 = arith.constant 48 : index
    %get3A_137 = tpu.vector_load %arg5[%get3A_135, %get3A_136] {strides = array<i32>} : memref<11x128xi32, #tpu.memory_space<vmem>>, vector<1x16xi32>,
    %get3A_138 = vector.shape_cast %get3A_137 : vector<1x16xi32> to vector<16xi32>
    %shift_right_arithmetic3A_139 = arith.constant 7 : i32
    %shift_right_arithmetic3A_140 = vector.broadcast %shift_right_arithmetic3A_139 : i32 to vector<16xi32>
    %shift_right_arithmetic3A_141 = arith.shrsi %get3A_138, %shift_right_arithmetic3A_140 : vector<16xi32>
    %swap3A_142 = arith.constant 48 : index
    %swap3A_143 = tpu.vector_load %arg6[%swap3A_142] {strides = array<i32>} : memref<128xi32, #tpu.memory_space<vmem>>, vector<16xi32>,
    %swap3A_144 = vector.shape_cast %swap3A_143 : vector<16xi32> to vector<16xi32>
    %swap3A_145 = vector.shape_cast %shift_right_arithmetic3A_141 : vector<16xi32> to vector<16xi32>
    tpu.vector_store %arg6[%swap3A_142], %swap3A_145 {strides = array<i32>} : memref<128xi32, #tpu.memory_space<vmem>>, vector<16xi32>,
    %get3A_146 = arith.constant 1 : i32
    %get3A_147 = arith.index_cast %get3A_146 : i32 to index
    %get3A_148 = arith.constant 64 : index
    %get3A_149 = tpu.vector_load %arg5[%get3A_147, %get3A_148] {strides = array<i32>} : memref<11x128xi32, #tpu.memory_space<vmem>>, vector<1x16xi32>,
    %get3A_150 = vector.shape_cast %get3A_149 : vector<1x16xi32> to vector<16xi32>
    %shift_right_arithmetic3A_151 = arith.constant 7 : i32
    %shift_right_arithmetic3A_152 = vector.broadcast %shift_right_arithmetic3A_151 : i32 to vector<16xi32>
    %shift_right_arithmetic3A_153 = arith.shrsi %get3A_150, %shift_right_arithmetic3A_152 : vector<16xi32>
    %swap3A_154 = arith.constant 64 : index
    %swap3A_155 = tpu.vector_load %arg6[%swap3A_154] {strides = array<i32>} : memref<128xi32, #tpu.memory_space<vmem>>, vector<16xi32>,
    %swap3A_156 = vector.shape_cast %swap3A_155 : vector<16xi32> to vector<16xi32>
    %swap3A_157 = vector.shape_cast %shift_right_arithmetic3A_153 : vector<16xi32> to vector<16xi32>
    tpu.vector_store %arg6[%swap3A_154], %swap3A_157 {strides = array<i32>} : memref<128xi32, #tpu.memory_space<vmem>>, vector<16xi32>,
    %get3A_158 = arith.constant 1 : i32
    %get3A_159 = arith.index_cast %get3A_158 : i32 to index
    %get3A_160 = arith.constant 80 : index
    %get3A_161 = tpu.vector_load %arg5[%get3A_159, %get3A_160] {strides = array<i32>} : memref<11x128xi32, #tpu.memory_space<vmem>>, vector<1x16xi32>,
    %get3A_162 = vector.shape_cast %get3A_161 : vector<1x16xi32> to vector<16xi32>
    %shift_right_arithmetic3A_163 = arith.constant 7 : i32
    %shift_right_arithmetic3A_164 = vector.broadcast %shift_right_arithmetic3A_163 : i32 to vector<16xi32>
    %shift_right_arithmetic3A_165 = arith.shrsi %get3A_162, %shift_right_arithmetic3A_164 : vector<16xi32>
    %swap3A_166 = arith.constant 80 : index
    %swap3A_167 = tpu.vector_load %arg6[%swap3A_166] {strides = array<i32>} : memref<128xi32, #tpu.memory_space<vmem>>, vector<16xi32>,
    %swap3A_168 = vector.shape_cast %swap3A_167 : vector<16xi32> to vector<16xi32>
    %swap3A_169 = vector.shape_cast %shift_right_arithmetic3A_165 : vector<16xi32> to vector<16xi32>
    tpu.vector_store %arg6[%swap3A_166], %swap3A_169 {strides = array<i32>} : memref<128xi32, #tpu.memory_space<vmem>>, vector<16xi32>,
    %get3A_170 = arith.constant 1 : i32
    %get3A_171 = arith.index_cast %get3A_170 : i32 to index
    %get3A_172 = arith.constant 96 : index
    %get3A_173 = tpu.vector_load %arg5[%get3A_171, %get3A_172] {strides = array<i32>} : memref<11x128xi32, #tpu.memory_space<vmem>>, vector<1x16xi32>,
    %get3A_174 = vector.shape_cast %get3A_173 : vector<1x16xi32> to vector<16xi32>
    %shift_right_arithmetic3A_175 = arith.constant 7 : i32
    %shift_right_arithmetic3A_176 = vector.broadcast %shift_right_arithmetic3A_175 : i32 to vector<16xi32>
    %shift_right_arithmetic3A_177 = arith.shrsi %get3A_174, %shift_right_arithmetic3A_176 : vector<16xi32>
    %swap3A_178 = arith.constant 96 : index
    %swap3A_179 = tpu.vector_load %arg6[%swap3A_178] {strides = array<i32>} : memref<128xi32, #tpu.memory_space<vmem>>, vector<16xi32>,
    %swap3A_180 = vector.shape_cast %swap3A_179 : vector<16xi32> to vector<16xi32>
    %swap3A_181 = vector.shape_cast %shift_right_arithmetic3A_177 : vector<16xi32> to vector<16xi32>
    tpu.vector_store %arg6[%swap3A_178], %swap3A_181 {strides = array<i32>} : memref<128xi32, #tpu.memory_space<vmem>>, vector<16xi32>,
    %get3A_182 = arith.constant 1 : i32
    %get3A_183 = arith.index_cast %get3A_182 : i32 to index
    %get3A_184 = arith.constant 112 : index
    %get3A_185 = tpu.vector_load %arg5[%get3A_183, %get3A_184] {strides = array<i32>} : memref<11x128xi32, #tpu.memory_space<vmem>>, vector<1x16xi32>,
    %get3A_186 = vector.shape_cast %get3A_185 : vector<1x16xi32> to vector<16xi32>
    %shift_right_arithmetic3A_187 = arith.constant 7 : i32
    %shift_right_arithmetic3A_188 = vector.broadcast %shift_right_arithmetic3A_187 : i32 to vector<16xi32>
    %shift_right_arithmetic3A_189 = arith.shrsi %get3A_186, %shift_right_arithmetic3A_188 : vector<16xi32>
    %swap3A_190 = arith.constant 112 : index
    %swap3A_191 = tpu.vector_load %arg6[%swap3A_190] {strides = array<i32>} : memref<128xi32, #tpu.memory_space<vmem>>, vector<16xi32>,
    %swap3A_192 = vector.shape_cast %swap3A_191 : vector<16xi32> to vector<16xi32>
    %swap3A_193 = vector.shape_cast %shift_right_arithmetic3A_189 : vector<16xi32> to vector<16xi32>
    tpu.vector_store %arg6[%swap3A_190], %swap3A_193 {strides = array<i32>} : memref<128xi32, #tpu.memory_space<vmem>>, vector<16xi32>,
    %dma_start3A_194 = arith.constant 0 : i32
    %dma_start3A_195 = arith.constant 0 : i32
    %dma_start3A_196 = tpu.memref_slice %arg2[%dma_start3A_194, %dma_start3A_195] : memref<130560x128xf32, #tpu.memory_space<hbm>> -> memref<130560x128xf32, #tpu.memory_space<hbm>>
    tpu.enqueue_indirect_dma source(%dma_start3A_196 : memref<130560x128xf32, #tpu.memory_space<hbm>>) target(%arg7 : memref<128x128xf32, #tpu.memory_space<vmem>>) offsets(%arg6 : memref<128xi32, #tpu.memory_space<vmem>>) semaphore(%arg8 : memref<!tpu.dma_semaphore, #tpu.memory_space<semaphore_mem>>)
    %dma_wait3A_197 = arith.constant 0 : i32
    %dma_wait3A_198 = arith.constant 0 : i32
    %dma_wait3A_199 = tpu.memref_slice %arg2[%dma_wait3A_197, %dma_wait3A_198] : memref<130560x128xf32, #tpu.memory_space<hbm>> -> memref<130560x128xf32, #tpu.memory_space<hbm>>
    tpu.wait_indirect_dma semaphore(%arg8 : memref<!tpu.dma_semaphore, #tpu.memory_space<semaphore_mem>>) src(%dma_wait3A_199 : memref<130560x128xf32, #tpu.memory_space<hbm>>) dst(%arg7 : memref<128x128xf32, #tpu.memory_space<vmem>>)
    "tpu.region"() ({
      %run_scoped3A = tpu.sem_alloc : memref<!tpu.dma_semaphore, #tpu.memory_space<semaphore_mem>>
      %dma_start3A_1118 = arith.constant 128 : i32
      %dma_start3A_1119 = arith.constant 0 : i32
      %dma_start3A_1120 = tpu.memref_slice %arg4[%add3A, %dma_start3A_1118, %dma_start3A_1119] : memref<32x1408x128xf32, #tpu.memory_space<hbm>> -> memref<1x128x128xf32, #tpu.memory_space<hbm>>
      %dma_start3A_1121 = tpu.memref_squeeze %dma_start3A_1120 : memref<1x128x128xf32, #tpu.memory_space<hbm>> -> memref<128x128xf32, #tpu.memory_space<hbm>>
      %dma_start3A_1122 = arith.constant 128 : i32
      %dma_start3A_1123 = arith.constant 0 : i32
      %dma_start3A_1124 = tpu.memref_slice %arg4[%add3A, %dma_start3A_1122, %dma_start3A_1123] : memref<32x1408x128xf32, #tpu.memory_space<hbm>> -> memref<1x128x128xf32, #tpu.memory_space<hbm>>
      %dma_start3A_1125 = tpu.memref_squeeze %dma_start3A_1124 : memref<1x128x128xf32, #tpu.memory_space<hbm>> -> memref<128x128xf32, #tpu.memory_space<hbm>>
      tpu.enqueue_dma source(%arg7 : memref<128x128xf32, #tpu.memory_space<vmem>>) target(%dma_start3A_1125 : memref<128x128xf32, #tpu.memory_space<hbm>>) target_semaphore(%run_scoped3A : memref<!tpu.dma_semaphore, #tpu.memory_space<semaphore_mem>>)
      %dma_wait3A_1126 = arith.constant 128 : i32
      %dma_wait3A_1127 = arith.constant 0 : i32
      %dma_wait3A_1128 = tpu.memref_slice %arg4[%add3A, %dma_wait3A_1126, %dma_wait3A_1127] : memref<32x1408x128xf32, #tpu.memory_space<hbm>> -> memref<1x128x128xf32, #tpu.memory_space<hbm>>
      %dma_wait3A_1129 = tpu.memref_squeeze %dma_wait3A_1128 : memref<1x128x128xf32, #tpu.memory_space<hbm>> -> memref<128x128xf32, #tpu.memory_space<hbm>>
      %dma_wait3A_1130 = arith.constant 128 : i32
      %dma_wait3A_1131 = arith.constant 0 : i32
      %dma_wait3A_1132 = tpu.memref_slice %arg4[%add3A, %dma_wait3A_1130, %dma_wait3A_1131] : memref<32x1408x128xf32, #tpu.memory_space<hbm>> -> memref<1x128x128xf32, #tpu.memory_space<hbm>>
      %dma_wait3A_1133 = tpu.memref_squeeze %dma_wait3A_1132 : memref<1x128x128xf32, #tpu.memory_space<hbm>> -> memref<128x128xf32, #tpu.memory_space<hbm>>
      tpu.wait_dma2 semaphore(%run_scoped3A : memref<!tpu.dma_semaphore, #tpu.memory_space<semaphore_mem>>) src(%arg7 : memref<128x128xf32, #tpu.memory_space<vmem>>) dst(%dma_wait3A_1133 : memref<128x128xf32, #tpu.memory_space<hbm>>)
      tpu.yield
    }) : () -> ()
    %get3A_200 = arith.constant 2 : i32
    %get3A_201 = arith.index_cast %get3A_200 : i32 to index
    %get3A_202 = arith.constant 0 : index
    %get3A_203 = tpu.vector_load %arg5[%get3A_201, %get3A_202] {strides = array<i32>} : memref<11x128xi32, #tpu.memory_space<vmem>>, vector<1x16xi32>,
    %get3A_204 = vector.shape_cast %get3A_203 : vector<1x16xi32> to vector<16xi32>
    %shift_right_arithmetic3A_205 = arith.constant 7 : i32
    %shift_right_arithmetic3A_206 = vector.broadcast %shift_right_arithmetic3A_205 : i32 to vector<16xi32>
    %shift_right_arithmetic3A_207 = arith.shrsi %get3A_204, %shift_right_arithmetic3A_206 : vector<16xi32>
    %swap3A_208 = arith.constant 0 : index
    %swap3A_209 = tpu.vector_load %arg6[%swap3A_208] {strides = array<i32>} : memref<128xi32, #tpu.memory_space<vmem>>, vector<16xi32>,
    %swap3A_210 = vector.shape_cast %swap3A_209 : vector<16xi32> to vector<16xi32>
    %swap3A_211 = vector.shape_cast %shift_right_arithmetic3A_207 : vector<16xi32> to vector<16xi32>
    tpu.vector_store %arg6[%swap3A_208], %swap3A_211 {strides = array<i32>} : memref<128xi32, #tpu.memory_space<vmem>>, vector<16xi32>,
    %get3A_212 = arith.constant 2 : i32
    %get3A_213 = arith.index_cast %get3A_212 : i32 to index
    %get3A_214 = arith.constant 16 : index
    %get3A_215 = tpu.vector_load %arg5[%get3A_213, %get3A_214] {strides = array<i32>} : memref<11x128xi32, #tpu.memory_space<vmem>>, vector<1x16xi32>,
    %get3A_216 = vector.shape_cast %get3A_215 : vector<1x16xi32> to vector<16xi32>
    %shift_right_arithmetic3A_217 = arith.constant 7 : i32
    %shift_right_arithmetic3A_218 = vector.broadcast %shift_right_arithmetic3A_217 : i32 to vector<16xi32>
    %shift_right_arithmetic3A_219 = arith.shrsi %get3A_216, %shift_right_arithmetic3A_218 : vector<16xi32>
    %swap3A_220 = arith.constant 16 : index
    %swap3A_221 = tpu.vector_load %arg6[%swap3A_220] {strides = array<i32>} : memref<128xi32, #tpu.memory_space<vmem>>, vector<16xi32>,
    %swap3A_222 = vector.shape_cast %swap3A_221 : vector<16xi32> to vector<16xi32>
    %swap3A_223 = vector.shape_cast %shift_right_arithmetic3A_219 : vector<16xi32> to vector<16xi32>
    tpu.vector_store %arg6[%swap3A_220], %swap3A_223 {strides = array<i32>} : memref<128xi32, #tpu.memory_space<vmem>>, vector<16xi32>,
    %get3A_224 = arith.constant 2 : i32
    %get3A_225 = arith.index_cast %get3A_224 : i32 to index
    %get3A_226 = arith.constant 32 : index
    %get3A_227 = tpu.vector_load %arg5[%get3A_225, %get3A_226] {strides = array<i32>} : memref<11x128xi32, #tpu.memory_space<vmem>>, vector<1x16xi32>,
    %get3A_228 = vector.shape_cast %get3A_227 : vector<1x16xi32> to vector<16xi32>
    %shift_right_arithmetic3A_229 = arith.constant 7 : i32
    %shift_right_arithmetic3A_230 = vector.broadcast %shift_right_arithmetic3A_229 : i32 to vector<16xi32>
    %shift_right_arithmetic3A_231 = arith.shrsi %get3A_228, %shift_right_arithmetic3A_230 : vector<16xi32>
    %swap3A_232 = arith.constant 32 : index
    %swap3A_233 = tpu.vector_load %arg6[%swap3A_232] {strides = array<i32>} : memref<128xi32, #tpu.memory_space<vmem>>, vector<16xi32>,
    %swap3A_234 = vector.shape_cast %swap3A_233 : vector<16xi32> to vector<16xi32>
    %swap3A_235 = vector.shape_cast %shift_right_arithmetic3A_231 : vector<16xi32> to vector<16xi32>
    tpu.vector_store %arg6[%swap3A_232], %swap3A_235 {strides = array<i32>} : memref<128xi32, #tpu.memory_space<vmem>>, vector<16xi32>,
    %get3A_236 = arith.constant 2 : i32
    %get3A_237 = arith.index_cast %get3A_236 : i32 to index
    %get3A_238 = arith.constant 48 : index
    %get3A_239 = tpu.vector_load %arg5[%get3A_237, %get3A_238] {strides = array<i32>} : memref<11x128xi32, #tpu.memory_space<vmem>>, vector<1x16xi32>,
    %get3A_240 = vector.shape_cast %get3A_239 : vector<1x16xi32> to vector<16xi32>
    %shift_right_arithmetic3A_241 = arith.constant 7 : i32
    %shift_right_arithmetic3A_242 = vector.broadcast %shift_right_arithmetic3A_241 : i32 to vector<16xi32>
    %shift_right_arithmetic3A_243 = arith.shrsi %get3A_240, %shift_right_arithmetic3A_242 : vector<16xi32>
    %swap3A_244 = arith.constant 48 : index
    %swap3A_245 = tpu.vector_load %arg6[%swap3A_244] {strides = array<i32>} : memref<128xi32, #tpu.memory_space<vmem>>, vector<16xi32>,
    %swap3A_246 = vector.shape_cast %swap3A_245 : vector<16xi32> to vector<16xi32>
    %swap3A_247 = vector.shape_cast %shift_right_arithmetic3A_243 : vector<16xi32> to vector<16xi32>
    tpu.vector_store %arg6[%swap3A_244], %swap3A_247 {strides = array<i32>} : memref<128xi32, #tpu.memory_space<vmem>>, vector<16xi32>,
    %get3A_248 = arith.constant 2 : i32
    %get3A_249 = arith.index_cast %get3A_248 : i32 to index
    %get3A_250 = arith.constant 64 : index
    %get3A_251 = tpu.vector_load %arg5[%get3A_249, %get3A_250] {strides = array<i32>} : memref<11x128xi32, #tpu.memory_space<vmem>>, vector<1x16xi32>,
    %get3A_252 = vector.shape_cast %get3A_251 : vector<1x16xi32> to vector<16xi32>
    %shift_right_arithmetic3A_253 = arith.constant 7 : i32
    %shift_right_arithmetic3A_254 = vector.broadcast %shift_right_arithmetic3A_253 : i32 to vector<16xi32>
    %shift_right_arithmetic3A_255 = arith.shrsi %get3A_252, %shift_right_arithmetic3A_254 : vector<16xi32>
    %swap3A_256 = arith.constant 64 : index
    %swap3A_257 = tpu.vector_load %arg6[%swap3A_256] {strides = array<i32>} : memref<128xi32, #tpu.memory_space<vmem>>, vector<16xi32>,
    %swap3A_258 = vector.shape_cast %swap3A_257 : vector<16xi32> to vector<16xi32>
    %swap3A_259 = vector.shape_cast %shift_right_arithmetic3A_255 : vector<16xi32> to vector<16xi32>
    tpu.vector_store %arg6[%swap3A_256], %swap3A_259 {strides = array<i32>} : memref<128xi32, #tpu.memory_space<vmem>>, vector<16xi32>,
    %get3A_260 = arith.constant 2 : i32
    %get3A_261 = arith.index_cast %get3A_260 : i32 to index
    %get3A_262 = arith.constant 80 : index
    %get3A_263 = tpu.vector_load %arg5[%get3A_261, %get3A_262] {strides = array<i32>} : memref<11x128xi32, #tpu.memory_space<vmem>>, vector<1x16xi32>,
    %get3A_264 = vector.shape_cast %get3A_263 : vector<1x16xi32> to vector<16xi32>
    %shift_right_arithmetic3A_265 = arith.constant 7 : i32
    %shift_right_arithmetic3A_266 = vector.broadcast %shift_right_arithmetic3A_265 : i32 to vector<16xi32>
    %shift_right_arithmetic3A_267 = arith.shrsi %get3A_264, %shift_right_arithmetic3A_266 : vector<16xi32>
    %swap3A_268 = arith.constant 80 : index
    %swap3A_269 = tpu.vector_load %arg6[%swap3A_268] {strides = array<i32>} : memref<128xi32, #tpu.memory_space<vmem>>, vector<16xi32>,
    %swap3A_270 = vector.shape_cast %swap3A_269 : vector<16xi32> to vector<16xi32>
    %swap3A_271 = vector.shape_cast %shift_right_arithmetic3A_267 : vector<16xi32> to vector<16xi32>
    tpu.vector_store %arg6[%swap3A_268], %swap3A_271 {strides = array<i32>} : memref<128xi32, #tpu.memory_space<vmem>>, vector<16xi32>,
    %get3A_272 = arith.constant 2 : i32
    %get3A_273 = arith.index_cast %get3A_272 : i32 to index
    %get3A_274 = arith.constant 96 : index
    %get3A_275 = tpu.vector_load %arg5[%get3A_273, %get3A_274] {strides = array<i32>} : memref<11x128xi32, #tpu.memory_space<vmem>>, vector<1x16xi32>,
    %get3A_276 = vector.shape_cast %get3A_275 : vector<1x16xi32> to vector<16xi32>
    %shift_right_arithmetic3A_277 = arith.constant 7 : i32
    %shift_right_arithmetic3A_278 = vector.broadcast %shift_right_arithmetic3A_277 : i32 to vector<16xi32>
    %shift_right_arithmetic3A_279 = arith.shrsi %get3A_276, %shift_right_arithmetic3A_278 : vector<16xi32>
    %swap3A_280 = arith.constant 96 : index
    %swap3A_281 = tpu.vector_load %arg6[%swap3A_280] {strides = array<i32>} : memref<128xi32, #tpu.memory_space<vmem>>, vector<16xi32>,
    %swap3A_282 = vector.shape_cast %swap3A_281 : vector<16xi32> to vector<16xi32>
    %swap3A_283 = vector.shape_cast %shift_right_arithmetic3A_279 : vector<16xi32> to vector<16xi32>
    tpu.vector_store %arg6[%swap3A_280], %swap3A_283 {strides = array<i32>} : memref<128xi32, #tpu.memory_space<vmem>>, vector<16xi32>,
    %get3A_284 = arith.constant 2 : i32
    %get3A_285 = arith.index_cast %get3A_284 : i32 to index
    %get3A_286 = arith.constant 112 : index
    %get3A_287 = tpu.vector_load %arg5[%get3A_285, %get3A_286] {strides = array<i32>} : memref<11x128xi32, #tpu.memory_space<vmem>>, vector<1x16xi32>,
    %get3A_288 = vector.shape_cast %get3A_287 : vector<1x16xi32> to vector<16xi32>
    %shift_right_arithmetic3A_289 = arith.constant 7 : i32
    %shift_right_arithmetic3A_290 = vector.broadcast %shift_right_arithmetic3A_289 : i32 to vector<16xi32>
    %shift_right_arithmetic3A_291 = arith.shrsi %get3A_288, %shift_right_arithmetic3A_290 : vector<16xi32>
    %swap3A_292 = arith.constant 112 : index
    %swap3A_293 = tpu.vector_load %arg6[%swap3A_292] {strides = array<i32>} : memref<128xi32, #tpu.memory_space<vmem>>, vector<16xi32>,
    %swap3A_294 = vector.shape_cast %swap3A_293 : vector<16xi32> to vector<16xi32>
    %swap3A_295 = vector.shape_cast %shift_right_arithmetic3A_291 : vector<16xi32> to vector<16xi32>
    tpu.vector_store %arg6[%swap3A_292], %swap3A_295 {strides = array<i32>} : memref<128xi32, #tpu.memory_space<vmem>>, vector<16xi32>,
    %dma_start3A_296 = arith.constant 0 : i32
    %dma_start3A_297 = arith.constant 0 : i32
    %dma_start3A_298 = tpu.memref_slice %arg2[%dma_start3A_296, %dma_start3A_297] : memref<130560x128xf32, #tpu.memory_space<hbm>> -> memref<130560x128xf32, #tpu.memory_space<hbm>>
    tpu.enqueue_indirect_dma source(%dma_start3A_298 : memref<130560x128xf32, #tpu.memory_space<hbm>>) target(%arg7 : memref<128x128xf32, #tpu.memory_space<vmem>>) offsets(%arg6 : memref<128xi32, #tpu.memory_space<vmem>>) semaphore(%arg8 : memref<!tpu.dma_semaphore, #tpu.memory_space<semaphore_mem>>)
    %dma_wait3A_299 = arith.constant 0 : i32
    %dma_wait3A_300 = arith.constant 0 : i32
    %dma_wait3A_301 = tpu.memref_slice %arg2[%dma_wait3A_299, %dma_wait3A_300] : memref<130560x128xf32, #tpu.memory_space<hbm>> -> memref<130560x128xf32, #tpu.memory_space<hbm>>
    tpu.wait_indirect_dma semaphore(%arg8 : memref<!tpu.dma_semaphore, #tpu.memory_space<semaphore_mem>>) src(%dma_wait3A_301 : memref<130560x128xf32, #tpu.memory_space<hbm>>) dst(%arg7 : memref<128x128xf32, #tpu.memory_space<vmem>>)
    "tpu.region"() ({
      %run_scoped3A = tpu.sem_alloc : memref<!tpu.dma_semaphore, #tpu.memory_space<semaphore_mem>>
      %dma_start3A_1118 = arith.constant 256 : i32
      %dma_start3A_1119 = arith.constant 0 : i32
      %dma_start3A_1120 = tpu.memref_slice %arg4[%add3A, %dma_start3A_1118, %dma_start3A_1119] : memref<32x1408x128xf32, #tpu.memory_space<hbm>> -> memref<1x128x128xf32, #tpu.memory_space<hbm>>
      %dma_start3A_1121 = tpu.memref_squeeze %dma_start3A_1120 : memref<1x128x128xf32, #tpu.memory_space<hbm>> -> memref<128x128xf32, #tpu.memory_space<hbm>>
      %dma_start3A_1122 = arith.constant 256 : i32
      %dma_start3A_1123 = arith.constant 0 : i32
      %dma_start3A_1124 = tpu.memref_slice %arg4[%add3A, %dma_start3A_1122, %dma_start3A_1123] : memref<32x1408x128xf32, #tpu.memory_space<hbm>> -> memref<1x128x128xf32, #tpu.memory_space<hbm>>
      %dma_start3A_1125 = tpu.memref_squeeze %dma_start3A_1124 : memref<1x128x128xf32, #tpu.memory_space<hbm>> -> memref<128x128xf32, #tpu.memory_space<hbm>>
      tpu.enqueue_dma source(%arg7 : memref<128x128xf32, #tpu.memory_space<vmem>>) target(%dma_start3A_1125 : memref<128x128xf32, #tpu.memory_space<hbm>>) target_semaphore(%run_scoped3A : memref<!tpu.dma_semaphore, #tpu.memory_space<semaphore_mem>>)
      %dma_wait3A_1126 = arith.constant 256 : i32
      %dma_wait3A_1127 = arith.constant 0 : i32
      %dma_wait3A_1128 = tpu.memref_slice %arg4[%add3A, %dma_wait3A_1126, %dma_wait3A_1127] : memref<32x1408x128xf32, #tpu.memory_space<hbm>> -> memref<1x128x128xf32, #tpu.memory_space<hbm>>
      %dma_wait3A_1129 = tpu.memref_squeeze %dma_wait3A_1128 : memref<1x128x128xf32, #tpu.memory_space<hbm>> -> memref<128x128xf32, #tpu.memory_space<hbm>>
      %dma_wait3A_1130 = arith.constant 256 : i32
      %dma_wait3A_1131 = arith.constant 0 : i32
      %dma_wait3A_1132 = tpu.memref_slice %arg4[%add3A, %dma_wait3A_1130, %dma_wait3A_1131] : memref<32x1408x128xf32, #tpu.memory_space<hbm>> -> memref<1x128x128xf32, #tpu.memory_space<hbm>>
      %dma_wait3A_1133 = tpu.memref_squeeze %dma_wait3A_1132 : memref<1x128x128xf32, #tpu.memory_space<hbm>> -> memref<128x128xf32, #tpu.memory_space<hbm>>
      tpu.wait_dma2 semaphore(%run_scoped3A : memref<!tpu.dma_semaphore, #tpu.memory_space<semaphore_mem>>) src(%arg7 : memref<128x128xf32, #tpu.memory_space<vmem>>) dst(%dma_wait3A_1133 : memref<128x128xf32, #tpu.memory_space<hbm>>)
      tpu.yield
    }) : () -> ()
    %get3A_302 = arith.constant 3 : i32
    %get3A_303 = arith.index_cast %get3A_302 : i32 to index
    %get3A_304 = arith.constant 0 : index
    %get3A_305 = tpu.vector_load %arg5[%get3A_303, %get3A_304] {strides = array<i32>} : memref<11x128xi32, #tpu.memory_space<vmem>>, vector<1x16xi32>,
    %get3A_306 = vector.shape_cast %get3A_305 : vector<1x16xi32> to vector<16xi32>
    %shift_right_arithmetic3A_307 = arith.constant 7 : i32
    %shift_right_arithmetic3A_308 = vector.broadcast %shift_right_arithmetic3A_307 : i32 to vector<16xi32>
    %shift_right_arithmetic3A_309 = arith.shrsi %get3A_306, %shift_right_arithmetic3A_308 : vector<16xi32>
    %swap3A_310 = arith.constant 0 : index
    %swap3A_311 = tpu.vector_load %arg6[%swap3A_310] {strides = array<i32>} : memref<128xi32, #tpu.memory_space<vmem>>, vector<16xi32>,
    %swap3A_312 = vector.shape_cast %swap3A_311 : vector<16xi32> to vector<16xi32>
    %swap3A_313 = vector.shape_cast %shift_right_arithmetic3A_309 : vector<16xi32> to vector<16xi32>
    tpu.vector_store %arg6[%swap3A_310], %swap3A_313 {strides = array<i32>} : memref<128xi32, #tpu.memory_space<vmem>>, vector<16xi32>,
    %get3A_314 = arith.constant 3 : i32
    %get3A_315 = arith.index_cast %get3A_314 : i32 to index
    %get3A_316 = arith.constant 16 : index
    %get3A_317 = tpu.vector_load %arg5[%get3A_315, %get3A_316] {strides = array<i32>} : memref<11x128xi32, #tpu.memory_space<vmem>>, vector<1x16xi32>,
    %get3A_318 = vector.shape_cast %get3A_317 : vector<1x16xi32> to vector<16xi32>
    %shift_right_arithmetic3A_319 = arith.constant 7 : i32
    %shift_right_arithmetic3A_320 = vector.broadcast %shift_right_arithmetic3A_319 : i32 to vector<16xi32>
    %shift_right_arithmetic3A_321 = arith.shrsi %get3A_318, %shift_right_arithmetic3A_320 : vector<16xi32>
    %swap3A_322 = arith.constant 16 : index
    %swap3A_323 = tpu.vector_load %arg6[%swap3A_322] {strides = array<i32>} : memref<128xi32, #tpu.memory_space<vmem>>, vector<16xi32>,
    %swap3A_324 = vector.shape_cast %swap3A_323 : vector<16xi32> to vector<16xi32>
    %swap3A_325 = vector.shape_cast %shift_right_arithmetic3A_321 : vector<16xi32> to vector<16xi32>
    tpu.vector_store %arg6[%swap3A_322], %swap3A_325 {strides = array<i32>} : memref<128xi32, #tpu.memory_space<vmem>>, vector<16xi32>,
    %get3A_326 = arith.constant 3 : i32
    %get3A_327 = arith.index_cast %get3A_326 : i32 to index
    %get3A_328 = arith.constant 32 : index
    %get3A_329 = tpu.vector_load %arg5[%get3A_327, %get3A_328] {strides = array<i32>} : memref<11x128xi32, #tpu.memory_space<vmem>>, vector<1x16xi32>,
    %get3A_330 = vector.shape_cast %get3A_329 : vector<1x16xi32> to vector<16xi32>
    %shift_right_arithmetic3A_331 = arith.constant 7 : i32
    %shift_right_arithmetic3A_332 = vector.broadcast %shift_right_arithmetic3A_331 : i32 to vector<16xi32>
    %shift_right_arithmetic3A_333 = arith.shrsi %get3A_330, %shift_right_arithmetic3A_332 : vector<16xi32>
    %swap3A_334 = arith.constant 32 : index
    %swap3A_335 = tpu.vector_load %arg6[%swap3A_334] {strides = array<i32>} : memref<128xi32, #tpu.memory_space<vmem>>, vector<16xi32>,
    %swap3A_336 = vector.shape_cast %swap3A_335 : vector<16xi32> to vector<16xi32>
    %swap3A_337 = vector.shape_cast %shift_right_arithmetic3A_333 : vector<16xi32> to vector<16xi32>
    tpu.vector_store %arg6[%swap3A_334], %swap3A_337 {strides = array<i32>} : memref<128xi32, #tpu.memory_space<vmem>>, vector<16xi32>,
    %get3A_338 = arith.constant 3 : i32
    %get3A_339 = arith.index_cast %get3A_338 : i32 to index
    %get3A_340 = arith.constant 48 : index
    %get3A_341 = tpu.vector_load %arg5[%get3A_339, %get3A_340] {strides = array<i32>} : memref<11x128xi32, #tpu.memory_space<vmem>>, vector<1x16xi32>,
    %get3A_342 = vector.shape_cast %get3A_341 : vector<1x16xi32> to vector<16xi32>
    %shift_right_arithmetic3A_343 = arith.constant 7 : i32
    %shift_right_arithmetic3A_344 = vector.broadcast %shift_right_arithmetic3A_343 : i32 to vector<16xi32>
    %shift_right_arithmetic3A_345 = arith.shrsi %get3A_342, %shift_right_arithmetic3A_344 : vector<16xi32>
    %swap3A_346 = arith.constant 48 : index
    %swap3A_347 = tpu.vector_load %arg6[%swap3A_346] {strides = array<i32>} : memref<128xi32, #tpu.memory_space<vmem>>, vector<16xi32>,
    %swap3A_348 = vector.shape_cast %swap3A_347 : vector<16xi32> to vector<16xi32>
    %swap3A_349 = vector.shape_cast %shift_right_arithmetic3A_345 : vector<16xi32> to vector<16xi32>
    tpu.vector_store %arg6[%swap3A_346], %swap3A_349 {strides = array<i32>} : memref<128xi32, #tpu.memory_space<vmem>>, vector<16xi32>,
    %get3A_350 = arith.constant 3 : i32
    %get3A_351 = arith.index_cast %get3A_350 : i32 to index
    %get3A_352 = arith.constant 64 : index
    %get3A_353 = tpu.vector_load %arg5[%get3A_351, %get3A_352] {strides = array<i32>} : memref<11x128xi32, #tpu.memory_space<vmem>>, vector<1x16xi32>,
    %get3A_354 = vector.shape_cast %get3A_353 : vector<1x16xi32> to vector<16xi32>
    %shift_right_arithmetic3A_355 = arith.constant 7 : i32
    %shift_right_arithmetic3A_356 = vector.broadcast %shift_right_arithmetic3A_355 : i32 to vector<16xi32>
    %shift_right_arithmetic3A_357 = arith.shrsi %get3A_354, %shift_right_arithmetic3A_356 : vector<16xi32>
    %swap3A_358 = arith.constant 64 : index
    %swap3A_359 = tpu.vector_load %arg6[%swap3A_358] {strides = array<i32>} : memref<128xi32, #tpu.memory_space<vmem>>, vector<16xi32>,
    %swap3A_360 = vector.shape_cast %swap3A_359 : vector<16xi32> to vector<16xi32>
    %swap3A_361 = vector.shape_cast %shift_right_arithmetic3A_357 : vector<16xi32> to vector<16xi32>
    tpu.vector_store %arg6[%swap3A_358], %swap3A_361 {strides = array<i32>} : memref<128xi32, #tpu.memory_space<vmem>>, vector<16xi32>,
    %get3A_362 = arith.constant 3 : i32
    %get3A_363 = arith.index_cast %get3A_362 : i32 to index
    %get3A_364 = arith.constant 80 : index
    %get3A_365 = tpu.vector_load %arg5[%get3A_363, %get3A_364] {strides = array<i32>} : memref<11x128xi32, #tpu.memory_space<vmem>>, vector<1x16xi32>,
    %get3A_366 = vector.shape_cast %get3A_365 : vector<1x16xi32> to vector<16xi32>
    %shift_right_arithmetic3A_367 = arith.constant 7 : i32
    %shift_right_arithmetic3A_368 = vector.broadcast %shift_right_arithmetic3A_367 : i32 to vector<16xi32>
    %shift_right_arithmetic3A_369 = arith.shrsi %get3A_366, %shift_right_arithmetic3A_368 : vector<16xi32>
    %swap3A_370 = arith.constant 80 : index
    %swap3A_371 = tpu.vector_load %arg6[%swap3A_370] {strides = array<i32>} : memref<128xi32, #tpu.memory_space<vmem>>, vector<16xi32>,
    %swap3A_372 = vector.shape_cast %swap3A_371 : vector<16xi32> to vector<16xi32>
    %swap3A_373 = vector.shape_cast %shift_right_arithmetic3A_369 : vector<16xi32> to vector<16xi32>
    tpu.vector_store %arg6[%swap3A_370], %swap3A_373 {strides = array<i32>} : memref<128xi32, #tpu.memory_space<vmem>>, vector<16xi32>,
    %get3A_374 = arith.constant 3 : i32
    %get3A_375 = arith.index_cast %get3A_374 : i32 to index
    %get3A_376 = arith.constant 96 : index
    %get3A_377 = tpu.vector_load %arg5[%get3A_375, %get3A_376] {strides = array<i32>} : memref<11x128xi32, #tpu.memory_space<vmem>>, vector<1x16xi32>,
    %get3A_378 = vector.shape_cast %get3A_377 : vector<1x16xi32> to vector<16xi32>
    %shift_right_arithmetic3A_379 = arith.constant 7 : i32
    %shift_right_arithmetic3A_380 = vector.broadcast %shift_right_arithmetic3A_379 : i32 to vector<16xi32>
    %shift_right_arithmetic3A_381 = arith.shrsi %get3A_378, %shift_right_arithmetic3A_380 : vector<16xi32>
    %swap3A_382 = arith.constant 96 : index
    %swap3A_383 = tpu.vector_load %arg6[%swap3A_382] {strides = array<i32>} : memref<128xi32, #tpu.memory_space<vmem>>, vector<16xi32>,
    %swap3A_384 = vector.shape_cast %swap3A_383 : vector<16xi32> to vector<16xi32>
    %swap3A_385 = vector.shape_cast %shift_right_arithmetic3A_381 : vector<16xi32> to vector<16xi32>
    tpu.vector_store %arg6[%swap3A_382], %swap3A_385 {strides = array<i32>} : memref<128xi32, #tpu.memory_space<vmem>>, vector<16xi32>,
    %get3A_386 = arith.constant 3 : i32
    %get3A_387 = arith.index_cast %get3A_386 : i32 to index
    %get3A_388 = arith.constant 112 : index
    %get3A_389 = tpu.vector_load %arg5[%get3A_387, %get3A_388] {strides = array<i32>} : memref<11x128xi32, #tpu.memory_space<vmem>>, vector<1x16xi32>,
    %get3A_390 = vector.shape_cast %get3A_389 : vector<1x16xi32> to vector<16xi32>
    %shift_right_arithmetic3A_391 = arith.constant 7 : i32
    %shift_right_arithmetic3A_392 = vector.broadcast %shift_right_arithmetic3A_391 : i32 to vector<16xi32>
    %shift_right_arithmetic3A_393 = arith.shrsi %get3A_390, %shift_right_arithmetic3A_392 : vector<16xi32>
    %swap3A_394 = arith.constant 112 : index
    %swap3A_395 = tpu.vector_load %arg6[%swap3A_394] {strides = array<i32>} : memref<128xi32, #tpu.memory_space<vmem>>, vector<16xi32>,
    %swap3A_396 = vector.shape_cast %swap3A_395 : vector<16xi32> to vector<16xi32>
    %swap3A_397 = vector.shape_cast %shift_right_arithmetic3A_393 : vector<16xi32> to vector<16xi32>
    tpu.vector_store %arg6[%swap3A_394], %swap3A_397 {strides = array<i32>} : memref<128xi32, #tpu.memory_space<vmem>>, vector<16xi32>,
    %dma_start3A_398 = arith.constant 0 : i32
    %dma_start3A_399 = arith.constant 0 : i32
    %dma_start3A_400 = tpu.memref_slice %arg2[%dma_start3A_398, %dma_start3A_399] : memref<130560x128xf32, #tpu.memory_space<hbm>> -> memref<130560x128xf32, #tpu.memory_space<hbm>>
    tpu.enqueue_indirect_dma source(%dma_start3A_400 : memref<130560x128xf32, #tpu.memory_space<hbm>>) target(%arg7 : memref<128x128xf32, #tpu.memory_space<vmem>>) offsets(%arg6 : memref<128xi32, #tpu.memory_space<vmem>>) semaphore(%arg8 : memref<!tpu.dma_semaphore, #tpu.memory_space<semaphore_mem>>)
    %dma_wait3A_401 = arith.constant 0 : i32
    %dma_wait3A_402 = arith.constant 0 : i32
    %dma_wait3A_403 = tpu.memref_slice %arg2[%dma_wait3A_401, %dma_wait3A_402] : memref<130560x128xf32, #tpu.memory_space<hbm>> -> memref<130560x128xf32, #tpu.memory_space<hbm>>
    tpu.wait_indirect_dma semaphore(%arg8 : memref<!tpu.dma_semaphore, #tpu.memory_space<semaphore_mem>>) src(%dma_wait3A_403 : memref<130560x128xf32, #tpu.memory_space<hbm>>) dst(%arg7 : memref<128x128xf32, #tpu.memory_space<vmem>>)
    "tpu.region"() ({
      %run_scoped3A = tpu.sem_alloc : memref<!tpu.dma_semaphore, #tpu.memory_space<semaphore_mem>>
      %dma_start3A_1118 = arith.constant 384 : i32
      %dma_start3A_1119 = arith.constant 0 : i32
      %dma_start3A_1120 = tpu.memref_slice %arg4[%add3A, %dma_start3A_1118, %dma_start3A_1119] : memref<32x1408x128xf32, #tpu.memory_space<hbm>> -> memref<1x128x128xf32, #tpu.memory_space<hbm>>
      %dma_start3A_1121 = tpu.memref_squeeze %dma_start3A_1120 : memref<1x128x128xf32, #tpu.memory_space<hbm>> -> memref<128x128xf32, #tpu.memory_space<hbm>>
      %dma_start3A_1122 = arith.constant 384 : i32
      %dma_start3A_1123 = arith.constant 0 : i32
      %dma_start3A_1124 = tpu.memref_slice %arg4[%add3A, %dma_start3A_1122, %dma_start3A_1123] : memref<32x1408x128xf32, #tpu.memory_space<hbm>> -> memref<1x128x128xf32, #tpu.memory_space<hbm>>
      %dma_start3A_1125 = tpu.memref_squeeze %dma_start3A_1124 : memref<1x128x128xf32, #tpu.memory_space<hbm>> -> memref<128x128xf32, #tpu.memory_space<hbm>>
      tpu.enqueue_dma source(%arg7 : memref<128x128xf32, #tpu.memory_space<vmem>>) target(%dma_start3A_1125 : memref<128x128xf32, #tpu.memory_space<hbm>>) target_semaphore(%run_scoped3A : memref<!tpu.dma_semaphore, #tpu.memory_space<semaphore_mem>>)
      %dma_wait3A_1126 = arith.constant 384 : i32
      %dma_wait3A_1127 = arith.constant 0 : i32
      %dma_wait3A_1128 = tpu.memref_slice %arg4[%add3A, %dma_wait3A_1126, %dma_wait3A_1127] : memref<32x1408x128xf32, #tpu.memory_space<hbm>> -> memref<1x128x128xf32, #tpu.memory_space<hbm>>
      %dma_wait3A_1129 = tpu.memref_squeeze %dma_wait3A_1128 : memref<1x128x128xf32, #tpu.memory_space<hbm>> -> memref<128x128xf32, #tpu.memory_space<hbm>>
      %dma_wait3A_1130 = arith.constant 384 : i32
      %dma_wait3A_1131 = arith.constant 0 : i32
      %dma_wait3A_1132 = tpu.memref_slice %arg4[%add3A, %dma_wait3A_1130, %dma_wait3A_1131] : memref<32x1408x128xf32, #tpu.memory_space<hbm>> -> memref<1x128x128xf32, #tpu.memory_space<hbm>>
      %dma_wait3A_1133 = tpu.memref_squeeze %dma_wait3A_1132 : memref<1x128x128xf32, #tpu.memory_space<hbm>> -> memref<128x128xf32, #tpu.memory_space<hbm>>
      tpu.wait_dma2 semaphore(%run_scoped3A : memref<!tpu.dma_semaphore, #tpu.memory_space<semaphore_mem>>) src(%arg7 : memref<128x128xf32, #tpu.memory_space<vmem>>) dst(%dma_wait3A_1133 : memref<128x128xf32, #tpu.memory_space<hbm>>)
      tpu.yield
    }) : () -> ()
    %get3A_404 = arith.constant 4 : i32
    %get3A_405 = arith.index_cast %get3A_404 : i32 to index
    %get3A_406 = arith.constant 0 : index
    %get3A_407 = tpu.vector_load %arg5[%get3A_405, %get3A_406] {strides = array<i32>} : memref<11x128xi32, #tpu.memory_space<vmem>>, vector<1x16xi32>,
    %get3A_408 = vector.shape_cast %get3A_407 : vector<1x16xi32> to vector<16xi32>
    %shift_right_arithmetic3A_409 = arith.constant 7 : i32
    %shift_right_arithmetic3A_410 = vector.broadcast %shift_right_arithmetic3A_409 : i32 to vector<16xi32>
    %shift_right_arithmetic3A_411 = arith.shrsi %get3A_408, %shift_right_arithmetic3A_410 : vector<16xi32>
    %swap3A_412 = arith.constant 0 : index
    %swap3A_413 = tpu.vector_load %arg6[%swap3A_412] {strides = array<i32>} : memref<128xi32, #tpu.memory_space<vmem>>, vector<16xi32>,
    %swap3A_414 = vector.shape_cast %swap3A_413 : vector<16xi32> to vector<16xi32>
    %swap3A_415 = vector.shape_cast %shift_right_arithmetic3A_411 : vector<16xi32> to vector<16xi32>
    tpu.vector_store %arg6[%swap3A_412], %swap3A_415 {strides = array<i32>} : memref<128xi32, #tpu.memory_space<vmem>>, vector<16xi32>,
    %get3A_416 = arith.constant 4 : i32
    %get3A_417 = arith.index_cast %get3A_416 : i32 to index
    %get3A_418 = arith.constant 16 : index
    %get3A_419 = tpu.vector_load %arg5[%get3A_417, %get3A_418] {strides = array<i32>} : memref<11x128xi32, #tpu.memory_space<vmem>>, vector<1x16xi32>,
    %get3A_420 = vector.shape_cast %get3A_419 : vector<1x16xi32> to vector<16xi32>
    %shift_right_arithmetic3A_421 = arith.constant 7 : i32
    %shift_right_arithmetic3A_422 = vector.broadcast %shift_right_arithmetic3A_421 : i32 to vector<16xi32>
    %shift_right_arithmetic3A_423 = arith.shrsi %get3A_420, %shift_right_arithmetic3A_422 : vector<16xi32>
    %swap3A_424 = arith.constant 16 : index
    %swap3A_425 = tpu.vector_load %arg6[%swap3A_424] {strides = array<i32>} : memref<128xi32, #tpu.memory_space<vmem>>, vector<16xi32>,
    %swap3A_426 = vector.shape_cast %swap3A_425 : vector<16xi32> to vector<16xi32>
    %swap3A_427 = vector.shape_cast %shift_right_arithmetic3A_423 : vector<16xi32> to vector<16xi32>
    tpu.vector_store %arg6[%swap3A_424], %swap3A_427 {strides = array<i32>} : memref<128xi32, #tpu.memory_space<vmem>>, vector<16xi32>,
    %get3A_428 = arith.constant 4 : i32
    %get3A_429 = arith.index_cast %get3A_428 : i32 to index
    %get3A_430 = arith.constant 32 : index
    %get3A_431 = tpu.vector_load %arg5[%get3A_429, %get3A_430] {strides = array<i32>} : memref<11x128xi32, #tpu.memory_space<vmem>>, vector<1x16xi32>,
    %get3A_432 = vector.shape_cast %get3A_431 : vector<1x16xi32> to vector<16xi32>
    %shift_right_arithmetic3A_433 = arith.constant 7 : i32
    %shift_right_arithmetic3A_434 = vector.broadcast %shift_right_arithmetic3A_433 : i32 to vector<16xi32>
    %shift_right_arithmetic3A_435 = arith.shrsi %get3A_432, %shift_right_arithmetic3A_434 : vector<16xi32>
    %swap3A_436 = arith.constant 32 : index
    %swap3A_437 = tpu.vector_load %arg6[%swap3A_436] {strides = array<i32>} : memref<128xi32, #tpu.memory_space<vmem>>, vector<16xi32>,
    %swap3A_438 = vector.shape_cast %swap3A_437 : vector<16xi32> to vector<16xi32>
    %swap3A_439 = vector.shape_cast %shift_right_arithmetic3A_435 : vector<16xi32> to vector<16xi32>
    tpu.vector_store %arg6[%swap3A_436], %swap3A_439 {strides = array<i32>} : memref<128xi32, #tpu.memory_space<vmem>>, vector<16xi32>,
    %get3A_440 = arith.constant 4 : i32
    %get3A_441 = arith.index_cast %get3A_440 : i32 to index
    %get3A_442 = arith.constant 48 : index
    %get3A_443 = tpu.vector_load %arg5[%get3A_441, %get3A_442] {strides = array<i32>} : memref<11x128xi32, #tpu.memory_space<vmem>>, vector<1x16xi32>,
    %get3A_444 = vector.shape_cast %get3A_443 : vector<1x16xi32> to vector<16xi32>
    %shift_right_arithmetic3A_445 = arith.constant 7 : i32
    %shift_right_arithmetic3A_446 = vector.broadcast %shift_right_arithmetic3A_445 : i32 to vector<16xi32>
    %shift_right_arithmetic3A_447 = arith.shrsi %get3A_444, %shift_right_arithmetic3A_446 : vector<16xi32>
    %swap3A_448 = arith.constant 48 : index
    %swap3A_449 = tpu.vector_load %arg6[%swap3A_448] {strides = array<i32>} : memref<128xi32, #tpu.memory_space<vmem>>, vector<16xi32>,
    %swap3A_450 = vector.shape_cast %swap3A_449 : vector<16xi32> to vector<16xi32>
    %swap3A_451 = vector.shape_cast %shift_right_arithmetic3A_447 : vector<16xi32> to vector<16xi32>
    tpu.vector_store %arg6[%swap3A_448], %swap3A_451 {strides = array<i32>} : memref<128xi32, #tpu.memory_space<vmem>>, vector<16xi32>,
    %get3A_452 = arith.constant 4 : i32
    %get3A_453 = arith.index_cast %get3A_452 : i32 to index
    %get3A_454 = arith.constant 64 : index
    %get3A_455 = tpu.vector_load %arg5[%get3A_453, %get3A_454] {strides = array<i32>} : memref<11x128xi32, #tpu.memory_space<vmem>>, vector<1x16xi32>,
    %get3A_456 = vector.shape_cast %get3A_455 : vector<1x16xi32> to vector<16xi32>
    %shift_right_arithmetic3A_457 = arith.constant 7 : i32
    %shift_right_arithmetic3A_458 = vector.broadcast %shift_right_arithmetic3A_457 : i32 to vector<16xi32>
    %shift_right_arithmetic3A_459 = arith.shrsi %get3A_456, %shift_right_arithmetic3A_458 : vector<16xi32>
    %swap3A_460 = arith.constant 64 : index
    %swap3A_461 = tpu.vector_load %arg6[%swap3A_460] {strides = array<i32>} : memref<128xi32, #tpu.memory_space<vmem>>, vector<16xi32>,
    %swap3A_462 = vector.shape_cast %swap3A_461 : vector<16xi32> to vector<16xi32>
    %swap3A_463 = vector.shape_cast %shift_right_arithmetic3A_459 : vector<16xi32> to vector<16xi32>
    tpu.vector_store %arg6[%swap3A_460], %swap3A_463 {strides = array<i32>} : memref<128xi32, #tpu.memory_space<vmem>>, vector<16xi32>,
    %get3A_464 = arith.constant 4 : i32
    %get3A_465 = arith.index_cast %get3A_464 : i32 to index
    %get3A_466 = arith.constant 80 : index
    %get3A_467 = tpu.vector_load %arg5[%get3A_465, %get3A_466] {strides = array<i32>} : memref<11x128xi32, #tpu.memory_space<vmem>>, vector<1x16xi32>,
    %get3A_468 = vector.shape_cast %get3A_467 : vector<1x16xi32> to vector<16xi32>
    %shift_right_arithmetic3A_469 = arith.constant 7 : i32
    %shift_right_arithmetic3A_470 = vector.broadcast %shift_right_arithmetic3A_469 : i32 to vector<16xi32>
    %shift_right_arithmetic3A_471 = arith.shrsi %get3A_468, %shift_right_arithmetic3A_470 : vector<16xi32>
    %swap3A_472 = arith.constant 80 : index
    %swap3A_473 = tpu.vector_load %arg6[%swap3A_472] {strides = array<i32>} : memref<128xi32, #tpu.memory_space<vmem>>, vector<16xi32>,
    %swap3A_474 = vector.shape_cast %swap3A_473 : vector<16xi32> to vector<16xi32>
    %swap3A_475 = vector.shape_cast %shift_right_arithmetic3A_471 : vector<16xi32> to vector<16xi32>
    tpu.vector_store %arg6[%swap3A_472], %swap3A_475 {strides = array<i32>} : memref<128xi32, #tpu.memory_space<vmem>>, vector<16xi32>,
    %get3A_476 = arith.constant 4 : i32
    %get3A_477 = arith.index_cast %get3A_476 : i32 to index
    %get3A_478 = arith.constant 96 : index
    %get3A_479 = tpu.vector_load %arg5[%get3A_477, %get3A_478] {strides = array<i32>} : memref<11x128xi32, #tpu.memory_space<vmem>>, vector<1x16xi32>,
    %get3A_480 = vector.shape_cast %get3A_479 : vector<1x16xi32> to vector<16xi32>
    %shift_right_arithmetic3A_481 = arith.constant 7 : i32
    %shift_right_arithmetic3A_482 = vector.broadcast %shift_right_arithmetic3A_481 : i32 to vector<16xi32>
    %shift_right_arithmetic3A_483 = arith.shrsi %get3A_480, %shift_right_arithmetic3A_482 : vector<16xi32>
    %swap3A_484 = arith.constant 96 : index
    %swap3A_485 = tpu.vector_load %arg6[%swap3A_484] {strides = array<i32>} : memref<128xi32, #tpu.memory_space<vmem>>, vector<16xi32>,
    %swap3A_486 = vector.shape_cast %swap3A_485 : vector<16xi32> to vector<16xi32>
    %swap3A_487 = vector.shape_cast %shift_right_arithmetic3A_483 : vector<16xi32> to vector<16xi32>
    tpu.vector_store %arg6[%swap3A_484], %swap3A_487 {strides = array<i32>} : memref<128xi32, #tpu.memory_space<vmem>>, vector<16xi32>,
    %get3A_488 = arith.constant 4 : i32
    %get3A_489 = arith.index_cast %get3A_488 : i32 to index
    %get3A_490 = arith.constant 112 : index
    %get3A_491 = tpu.vector_load %arg5[%get3A_489, %get3A_490] {strides = array<i32>} : memref<11x128xi32, #tpu.memory_space<vmem>>, vector<1x16xi32>,
    %get3A_492 = vector.shape_cast %get3A_491 : vector<1x16xi32> to vector<16xi32>
    %shift_right_arithmetic3A_493 = arith.constant 7 : i32
    %shift_right_arithmetic3A_494 = vector.broadcast %shift_right_arithmetic3A_493 : i32 to vector<16xi32>
    %shift_right_arithmetic3A_495 = arith.shrsi %get3A_492, %shift_right_arithmetic3A_494 : vector<16xi32>
    %swap3A_496 = arith.constant 112 : index
    %swap3A_497 = tpu.vector_load %arg6[%swap3A_496] {strides = array<i32>} : memref<128xi32, #tpu.memory_space<vmem>>, vector<16xi32>,
    %swap3A_498 = vector.shape_cast %swap3A_497 : vector<16xi32> to vector<16xi32>
    %swap3A_499 = vector.shape_cast %shift_right_arithmetic3A_495 : vector<16xi32> to vector<16xi32>
    tpu.vector_store %arg6[%swap3A_496], %swap3A_499 {strides = array<i32>} : memref<128xi32, #tpu.memory_space<vmem>>, vector<16xi32>,
    %dma_start3A_500 = arith.constant 0 : i32
    %dma_start3A_501 = arith.constant 0 : i32
    %dma_start3A_502 = tpu.memref_slice %arg2[%dma_start3A_500, %dma_start3A_501] : memref<130560x128xf32, #tpu.memory_space<hbm>> -> memref<130560x128xf32, #tpu.memory_space<hbm>>
    tpu.enqueue_indirect_dma source(%dma_start3A_502 : memref<130560x128xf32, #tpu.memory_space<hbm>>) target(%arg7 : memref<128x128xf32, #tpu.memory_space<vmem>>) offsets(%arg6 : memref<128xi32, #tpu.memory_space<vmem>>) semaphore(%arg8 : memref<!tpu.dma_semaphore, #tpu.memory_space<semaphore_mem>>)
    %dma_wait3A_503 = arith.constant 0 : i32
    %dma_wait3A_504 = arith.constant 0 : i32
    %dma_wait3A_505 = tpu.memref_slice %arg2[%dma_wait3A_503, %dma_wait3A_504] : memref<130560x128xf32, #tpu.memory_space<hbm>> -> memref<130560x128xf32, #tpu.memory_space<hbm>>
    tpu.wait_indirect_dma semaphore(%arg8 : memref<!tpu.dma_semaphore, #tpu.memory_space<semaphore_mem>>) src(%dma_wait3A_505 : memref<130560x128xf32, #tpu.memory_space<hbm>>) dst(%arg7 : memref<128x128xf32, #tpu.memory_space<vmem>>)
    "tpu.region"() ({
      %run_scoped3A = tpu.sem_alloc : memref<!tpu.dma_semaphore, #tpu.memory_space<semaphore_mem>>
      %dma_start3A_1118 = arith.constant 512 : i32
      %dma_start3A_1119 = arith.constant 0 : i32
      %dma_start3A_1120 = tpu.memref_slice %arg4[%add3A, %dma_start3A_1118, %dma_start3A_1119] : memref<32x1408x128xf32, #tpu.memory_space<hbm>> -> memref<1x128x128xf32, #tpu.memory_space<hbm>>
      %dma_start3A_1121 = tpu.memref_squeeze %dma_start3A_1120 : memref<1x128x128xf32, #tpu.memory_space<hbm>> -> memref<128x128xf32, #tpu.memory_space<hbm>>
      %dma_start3A_1122 = arith.constant 512 : i32
      %dma_start3A_1123 = arith.constant 0 : i32
      %dma_start3A_1124 = tpu.memref_slice %arg4[%add3A, %dma_start3A_1122, %dma_start3A_1123] : memref<32x1408x128xf32, #tpu.memory_space<hbm>> -> memref<1x128x128xf32, #tpu.memory_space<hbm>>
      %dma_start3A_1125 = tpu.memref_squeeze %dma_start3A_1124 : memref<1x128x128xf32, #tpu.memory_space<hbm>> -> memref<128x128xf32, #tpu.memory_space<hbm>>
      tpu.enqueue_dma source(%arg7 : memref<128x128xf32, #tpu.memory_space<vmem>>) target(%dma_start3A_1125 : memref<128x128xf32, #tpu.memory_space<hbm>>) target_semaphore(%run_scoped3A : memref<!tpu.dma_semaphore, #tpu.memory_space<semaphore_mem>>)
      %dma_wait3A_1126 = arith.constant 512 : i32
      %dma_wait3A_1127 = arith.constant 0 : i32
      %dma_wait3A_1128 = tpu.memref_slice %arg4[%add3A, %dma_wait3A_1126, %dma_wait3A_1127] : memref<32x1408x128xf32, #tpu.memory_space<hbm>> -> memref<1x128x128xf32, #tpu.memory_space<hbm>>
      %dma_wait3A_1129 = tpu.memref_squeeze %dma_wait3A_1128 : memref<1x128x128xf32, #tpu.memory_space<hbm>> -> memref<128x128xf32, #tpu.memory_space<hbm>>
      %dma_wait3A_1130 = arith.constant 512 : i32
      %dma_wait3A_1131 = arith.constant 0 : i32
      %dma_wait3A_1132 = tpu.memref_slice %arg4[%add3A, %dma_wait3A_1130, %dma_wait3A_1131] : memref<32x1408x128xf32, #tpu.memory_space<hbm>> -> memref<1x128x128xf32, #tpu.memory_space<hbm>>
      %dma_wait3A_1133 = tpu.memref_squeeze %dma_wait3A_1132 : memref<1x128x128xf32, #tpu.memory_space<hbm>> -> memref<128x128xf32, #tpu.memory_space<hbm>>
      tpu.wait_dma2 semaphore(%run_scoped3A : memref<!tpu.dma_semaphore, #tpu.memory_space<semaphore_mem>>) src(%arg7 : memref<128x128xf32, #tpu.memory_space<vmem>>) dst(%dma_wait3A_1133 : memref<128x128xf32, #tpu.memory_space<hbm>>)
      tpu.yield
    }) : () -> ()
    %get3A_506 = arith.constant 5 : i32
    %get3A_507 = arith.index_cast %get3A_506 : i32 to index
    %get3A_508 = arith.constant 0 : index
    %get3A_509 = tpu.vector_load %arg5[%get3A_507, %get3A_508] {strides = array<i32>} : memref<11x128xi32, #tpu.memory_space<vmem>>, vector<1x16xi32>,
    %get3A_510 = vector.shape_cast %get3A_509 : vector<1x16xi32> to vector<16xi32>
    %shift_right_arithmetic3A_511 = arith.constant 7 : i32
    %shift_right_arithmetic3A_512 = vector.broadcast %shift_right_arithmetic3A_511 : i32 to vector<16xi32>
    %shift_right_arithmetic3A_513 = arith.shrsi %get3A_510, %shift_right_arithmetic3A_512 : vector<16xi32>
    %swap3A_514 = arith.constant 0 : index
    %swap3A_515 = tpu.vector_load %arg6[%swap3A_514] {strides = array<i32>} : memref<128xi32, #tpu.memory_space<vmem>>, vector<16xi32>,
    %swap3A_516 = vector.shape_cast %swap3A_515 : vector<16xi32> to vector<16xi32>
    %swap3A_517 = vector.shape_cast %shift_right_arithmetic3A_513 : vector<16xi32> to vector<16xi32>
    tpu.vector_store %arg6[%swap3A_514], %swap3A_517 {strides = array<i32>} : memref<128xi32, #tpu.memory_space<vmem>>, vector<16xi32>,
    %get3A_518 = arith.constant 5 : i32
    %get3A_519 = arith.index_cast %get3A_518 : i32 to index
    %get3A_520 = arith.constant 16 : index
    %get3A_521 = tpu.vector_load %arg5[%get3A_519, %get3A_520] {strides = array<i32>} : memref<11x128xi32, #tpu.memory_space<vmem>>, vector<1x16xi32>,
    %get3A_522 = vector.shape_cast %get3A_521 : vector<1x16xi32> to vector<16xi32>
    %shift_right_arithmetic3A_523 = arith.constant 7 : i32
    %shift_right_arithmetic3A_524 = vector.broadcast %shift_right_arithmetic3A_523 : i32 to vector<16xi32>
    %shift_right_arithmetic3A_525 = arith.shrsi %get3A_522, %shift_right_arithmetic3A_524 : vector<16xi32>
    %swap3A_526 = arith.constant 16 : index
    %swap3A_527 = tpu.vector_load %arg6[%swap3A_526] {strides = array<i32>} : memref<128xi32, #tpu.memory_space<vmem>>, vector<16xi32>,
    %swap3A_528 = vector.shape_cast %swap3A_527 : vector<16xi32> to vector<16xi32>
    %swap3A_529 = vector.shape_cast %shift_right_arithmetic3A_525 : vector<16xi32> to vector<16xi32>
    tpu.vector_store %arg6[%swap3A_526], %swap3A_529 {strides = array<i32>} : memref<128xi32, #tpu.memory_space<vmem>>, vector<16xi32>,
    %get3A_530 = arith.constant 5 : i32
    %get3A_531 = arith.index_cast %get3A_530 : i32 to index
    %get3A_532 = arith.constant 32 : index
    %get3A_533 = tpu.vector_load %arg5[%get3A_531, %get3A_532] {strides = array<i32>} : memref<11x128xi32, #tpu.memory_space<vmem>>, vector<1x16xi32>,
    %get3A_534 = vector.shape_cast %get3A_533 : vector<1x16xi32> to vector<16xi32>
    %shift_right_arithmetic3A_535 = arith.constant 7 : i32
    %shift_right_arithmetic3A_536 = vector.broadcast %shift_right_arithmetic3A_535 : i32 to vector<16xi32>
    %shift_right_arithmetic3A_537 = arith.shrsi %get3A_534, %shift_right_arithmetic3A_536 : vector<16xi32>
    %swap3A_538 = arith.constant 32 : index
    %swap3A_539 = tpu.vector_load %arg6[%swap3A_538] {strides = array<i32>} : memref<128xi32, #tpu.memory_space<vmem>>, vector<16xi32>,
    %swap3A_540 = vector.shape_cast %swap3A_539 : vector<16xi32> to vector<16xi32>
    %swap3A_541 = vector.shape_cast %shift_right_arithmetic3A_537 : vector<16xi32> to vector<16xi32>
    tpu.vector_store %arg6[%swap3A_538], %swap3A_541 {strides = array<i32>} : memref<128xi32, #tpu.memory_space<vmem>>, vector<16xi32>,
    %get3A_542 = arith.constant 5 : i32
    %get3A_543 = arith.index_cast %get3A_542 : i32 to index
    %get3A_544 = arith.constant 48 : index
    %get3A_545 = tpu.vector_load %arg5[%get3A_543, %get3A_544] {strides = array<i32>} : memref<11x128xi32, #tpu.memory_space<vmem>>, vector<1x16xi32>,
    %get3A_546 = vector.shape_cast %get3A_545 : vector<1x16xi32> to vector<16xi32>
    %shift_right_arithmetic3A_547 = arith.constant 7 : i32
    %shift_right_arithmetic3A_548 = vector.broadcast %shift_right_arithmetic3A_547 : i32 to vector<16xi32>
    %shift_right_arithmetic3A_549 = arith.shrsi %get3A_546, %shift_right_arithmetic3A_548 : vector<16xi32>
    %swap3A_550 = arith.constant 48 : index
    %swap3A_551 = tpu.vector_load %arg6[%swap3A_550] {strides = array<i32>} : memref<128xi32, #tpu.memory_space<vmem>>, vector<16xi32>,
    %swap3A_552 = vector.shape_cast %swap3A_551 : vector<16xi32> to vector<16xi32>
    %swap3A_553 = vector.shape_cast %shift_right_arithmetic3A_549 : vector<16xi32> to vector<16xi32>
    tpu.vector_store %arg6[%swap3A_550], %swap3A_553 {strides = array<i32>} : memref<128xi32, #tpu.memory_space<vmem>>, vector<16xi32>,
    %get3A_554 = arith.constant 5 : i32
    %get3A_555 = arith.index_cast %get3A_554 : i32 to index
    %get3A_556 = arith.constant 64 : index
    %get3A_557 = tpu.vector_load %arg5[%get3A_555, %get3A_556] {strides = array<i32>} : memref<11x128xi32, #tpu.memory_space<vmem>>, vector<1x16xi32>,
    %get3A_558 = vector.shape_cast %get3A_557 : vector<1x16xi32> to vector<16xi32>
    %shift_right_arithmetic3A_559 = arith.constant 7 : i32
    %shift_right_arithmetic3A_560 = vector.broadcast %shift_right_arithmetic3A_559 : i32 to vector<16xi32>
    %shift_right_arithmetic3A_561 = arith.shrsi %get3A_558, %shift_right_arithmetic3A_560 : vector<16xi32>
    %swap3A_562 = arith.constant 64 : index
    %swap3A_563 = tpu.vector_load %arg6[%swap3A_562] {strides = array<i32>} : memref<128xi32, #tpu.memory_space<vmem>>, vector<16xi32>,
    %swap3A_564 = vector.shape_cast %swap3A_563 : vector<16xi32> to vector<16xi32>
    %swap3A_565 = vector.shape_cast %shift_right_arithmetic3A_561 : vector<16xi32> to vector<16xi32>
    tpu.vector_store %arg6[%swap3A_562], %swap3A_565 {strides = array<i32>} : memref<128xi32, #tpu.memory_space<vmem>>, vector<16xi32>,
    %get3A_566 = arith.constant 5 : i32
    %get3A_567 = arith.index_cast %get3A_566 : i32 to index
    %get3A_568 = arith.constant 80 : index
    %get3A_569 = tpu.vector_load %arg5[%get3A_567, %get3A_568] {strides = array<i32>} : memref<11x128xi32, #tpu.memory_space<vmem>>, vector<1x16xi32>,
    %get3A_570 = vector.shape_cast %get3A_569 : vector<1x16xi32> to vector<16xi32>
    %shift_right_arithmetic3A_571 = arith.constant 7 : i32
    %shift_right_arithmetic3A_572 = vector.broadcast %shift_right_arithmetic3A_571 : i32 to vector<16xi32>
    %shift_right_arithmetic3A_573 = arith.shrsi %get3A_570, %shift_right_arithmetic3A_572 : vector<16xi32>
    %swap3A_574 = arith.constant 80 : index
    %swap3A_575 = tpu.vector_load %arg6[%swap3A_574] {strides = array<i32>} : memref<128xi32, #tpu.memory_space<vmem>>, vector<16xi32>,
    %swap3A_576 = vector.shape_cast %swap3A_575 : vector<16xi32> to vector<16xi32>
    %swap3A_577 = vector.shape_cast %shift_right_arithmetic3A_573 : vector<16xi32> to vector<16xi32>
    tpu.vector_store %arg6[%swap3A_574], %swap3A_577 {strides = array<i32>} : memref<128xi32, #tpu.memory_space<vmem>>, vector<16xi32>,
    %get3A_578 = arith.constant 5 : i32
    %get3A_579 = arith.index_cast %get3A_578 : i32 to index
    %get3A_580 = arith.constant 96 : index
    %get3A_581 = tpu.vector_load %arg5[%get3A_579, %get3A_580] {strides = array<i32>} : memref<11x128xi32, #tpu.memory_space<vmem>>, vector<1x16xi32>,
    %get3A_582 = vector.shape_cast %get3A_581 : vector<1x16xi32> to vector<16xi32>
    %shift_right_arithmetic3A_583 = arith.constant 7 : i32
    %shift_right_arithmetic3A_584 = vector.broadcast %shift_right_arithmetic3A_583 : i32 to vector<16xi32>
    %shift_right_arithmetic3A_585 = arith.shrsi %get3A_582, %shift_right_arithmetic3A_584 : vector<16xi32>
    %swap3A_586 = arith.constant 96 : index
    %swap3A_587 = tpu.vector_load %arg6[%swap3A_586] {strides = array<i32>} : memref<128xi32, #tpu.memory_space<vmem>>, vector<16xi32>,
    %swap3A_588 = vector.shape_cast %swap3A_587 : vector<16xi32> to vector<16xi32>
    %swap3A_589 = vector.shape_cast %shift_right_arithmetic3A_585 : vector<16xi32> to vector<16xi32>
    tpu.vector_store %arg6[%swap3A_586], %swap3A_589 {strides = array<i32>} : memref<128xi32, #tpu.memory_space<vmem>>, vector<16xi32>,
    %get3A_590 = arith.constant 5 : i32
    %get3A_591 = arith.index_cast %get3A_590 : i32 to index
    %get3A_592 = arith.constant 112 : index
    %get3A_593 = tpu.vector_load %arg5[%get3A_591, %get3A_592] {strides = array<i32>} : memref<11x128xi32, #tpu.memory_space<vmem>>, vector<1x16xi32>,
    %get3A_594 = vector.shape_cast %get3A_593 : vector<1x16xi32> to vector<16xi32>
    %shift_right_arithmetic3A_595 = arith.constant 7 : i32
    %shift_right_arithmetic3A_596 = vector.broadcast %shift_right_arithmetic3A_595 : i32 to vector<16xi32>
    %shift_right_arithmetic3A_597 = arith.shrsi %get3A_594, %shift_right_arithmetic3A_596 : vector<16xi32>
    %swap3A_598 = arith.constant 112 : index
    %swap3A_599 = tpu.vector_load %arg6[%swap3A_598] {strides = array<i32>} : memref<128xi32, #tpu.memory_space<vmem>>, vector<16xi32>,
    %swap3A_600 = vector.shape_cast %swap3A_599 : vector<16xi32> to vector<16xi32>
    %swap3A_601 = vector.shape_cast %shift_right_arithmetic3A_597 : vector<16xi32> to vector<16xi32>
    tpu.vector_store %arg6[%swap3A_598], %swap3A_601 {strides = array<i32>} : memref<128xi32, #tpu.memory_space<vmem>>, vector<16xi32>,
    %dma_start3A_602 = arith.constant 0 : i32
    %dma_start3A_603 = arith.constant 0 : i32
    %dma_start3A_604 = tpu.memref_slice %arg2[%dma_start3A_602, %dma_start3A_603] : memref<130560x128xf32, #tpu.memory_space<hbm>> -> memref<130560x128xf32, #tpu.memory_space<hbm>>
    tpu.enqueue_indirect_dma source(%dma_start3A_604 : memref<130560x128xf32, #tpu.memory_space<hbm>>) target(%arg7 : memref<128x128xf32, #tpu.memory_space<vmem>>) offsets(%arg6 : memref<128xi32, #tpu.memory_space<vmem>>) semaphore(%arg8 : memref<!tpu.dma_semaphore, #tpu.memory_space<semaphore_mem>>)
    %dma_wait3A_605 = arith.constant 0 : i32
    %dma_wait3A_606 = arith.constant 0 : i32
    %dma_wait3A_607 = tpu.memref_slice %arg2[%dma_wait3A_605, %dma_wait3A_606] : memref<130560x128xf32, #tpu.memory_space<hbm>> -> memref<130560x128xf32, #tpu.memory_space<hbm>>
    tpu.wait_indirect_dma semaphore(%arg8 : memref<!tpu.dma_semaphore, #tpu.memory_space<semaphore_mem>>) src(%dma_wait3A_607 : memref<130560x128xf32, #tpu.memory_space<hbm>>) dst(%arg7 : memref<128x128xf32, #tpu.memory_space<vmem>>)
    "tpu.region"() ({
      %run_scoped3A = tpu.sem_alloc : memref<!tpu.dma_semaphore, #tpu.memory_space<semaphore_mem>>
      %dma_start3A_1118 = arith.constant 640 : i32
      %dma_start3A_1119 = arith.constant 0 : i32
      %dma_start3A_1120 = tpu.memref_slice %arg4[%add3A, %dma_start3A_1118, %dma_start3A_1119] : memref<32x1408x128xf32, #tpu.memory_space<hbm>> -> memref<1x128x128xf32, #tpu.memory_space<hbm>>
      %dma_start3A_1121 = tpu.memref_squeeze %dma_start3A_1120 : memref<1x128x128xf32, #tpu.memory_space<hbm>> -> memref<128x128xf32, #tpu.memory_space<hbm>>
      %dma_start3A_1122 = arith.constant 640 : i32
      %dma_start3A_1123 = arith.constant 0 : i32
      %dma_start3A_1124 = tpu.memref_slice %arg4[%add3A, %dma_start3A_1122, %dma_start3A_1123] : memref<32x1408x128xf32, #tpu.memory_space<hbm>> -> memref<1x128x128xf32, #tpu.memory_space<hbm>>
      %dma_start3A_1125 = tpu.memref_squeeze %dma_start3A_1124 : memref<1x128x128xf32, #tpu.memory_space<hbm>> -> memref<128x128xf32, #tpu.memory_space<hbm>>
      tpu.enqueue_dma source(%arg7 : memref<128x128xf32, #tpu.memory_space<vmem>>) target(%dma_start3A_1125 : memref<128x128xf32, #tpu.memory_space<hbm>>) target_semaphore(%run_scoped3A : memref<!tpu.dma_semaphore, #tpu.memory_space<semaphore_mem>>)
      %dma_wait3A_1126 = arith.constant 640 : i32
      %dma_wait3A_1127 = arith.constant 0 : i32
      %dma_wait3A_1128 = tpu.memref_slice %arg4[%add3A, %dma_wait3A_1126, %dma_wait3A_1127] : memref<32x1408x128xf32, #tpu.memory_space<hbm>> -> memref<1x128x128xf32, #tpu.memory_space<hbm>>
      %dma_wait3A_1129 = tpu.memref_squeeze %dma_wait3A_1128 : memref<1x128x128xf32, #tpu.memory_space<hbm>> -> memref<128x128xf32, #tpu.memory_space<hbm>>
      %dma_wait3A_1130 = arith.constant 640 : i32
      %dma_wait3A_1131 = arith.constant 0 : i32
      %dma_wait3A_1132 = tpu.memref_slice %arg4[%add3A, %dma_wait3A_1130, %dma_wait3A_1131] : memref<32x1408x128xf32, #tpu.memory_space<hbm>> -> memref<1x128x128xf32, #tpu.memory_space<hbm>>
      %dma_wait3A_1133 = tpu.memref_squeeze %dma_wait3A_1132 : memref<1x128x128xf32, #tpu.memory_space<hbm>> -> memref<128x128xf32, #tpu.memory_space<hbm>>
      tpu.wait_dma2 semaphore(%run_scoped3A : memref<!tpu.dma_semaphore, #tpu.memory_space<semaphore_mem>>) src(%arg7 : memref<128x128xf32, #tpu.memory_space<vmem>>) dst(%dma_wait3A_1133 : memref<128x128xf32, #tpu.memory_space<hbm>>)
      tpu.yield
    }) : () -> ()
    %get3A_608 = arith.constant 6 : i32
    %get3A_609 = arith.index_cast %get3A_608 : i32 to index
    %get3A_610 = arith.constant 0 : index
    %get3A_611 = tpu.vector_load %arg5[%get3A_609, %get3A_610] {strides = array<i32>} : memref<11x128xi32, #tpu.memory_space<vmem>>, vector<1x16xi32>,
    %get3A_612 = vector.shape_cast %get3A_611 : vector<1x16xi32> to vector<16xi32>
    %shift_right_arithmetic3A_613 = arith.constant 7 : i32
    %shift_right_arithmetic3A_614 = vector.broadcast %shift_right_arithmetic3A_613 : i32 to vector<16xi32>
    %shift_right_arithmetic3A_615 = arith.shrsi %get3A_612, %shift_right_arithmetic3A_614 : vector<16xi32>
    %swap3A_616 = arith.constant 0 : index
    %swap3A_617 = tpu.vector_load %arg6[%swap3A_616] {strides = array<i32>} : memref<128xi32, #tpu.memory_space<vmem>>, vector<16xi32>,
    %swap3A_618 = vector.shape_cast %swap3A_617 : vector<16xi32> to vector<16xi32>
    %swap3A_619 = vector.shape_cast %shift_right_arithmetic3A_615 : vector<16xi32> to vector<16xi32>
    tpu.vector_store %arg6[%swap3A_616], %swap3A_619 {strides = array<i32>} : memref<128xi32, #tpu.memory_space<vmem>>, vector<16xi32>,
    %get3A_620 = arith.constant 6 : i32
    %get3A_621 = arith.index_cast %get3A_620 : i32 to index
    %get3A_622 = arith.constant 16 : index
    %get3A_623 = tpu.vector_load %arg5[%get3A_621, %get3A_622] {strides = array<i32>} : memref<11x128xi32, #tpu.memory_space<vmem>>, vector<1x16xi32>,
    %get3A_624 = vector.shape_cast %get3A_623 : vector<1x16xi32> to vector<16xi32>
    %shift_right_arithmetic3A_625 = arith.constant 7 : i32
    %shift_right_arithmetic3A_626 = vector.broadcast %shift_right_arithmetic3A_625 : i32 to vector<16xi32>
    %shift_right_arithmetic3A_627 = arith.shrsi %get3A_624, %shift_right_arithmetic3A_626 : vector<16xi32>
    %swap3A_628 = arith.constant 16 : index
    %swap3A_629 = tpu.vector_load %arg6[%swap3A_628] {strides = array<i32>} : memref<128xi32, #tpu.memory_space<vmem>>, vector<16xi32>,
    %swap3A_630 = vector.shape_cast %swap3A_629 : vector<16xi32> to vector<16xi32>
    %swap3A_631 = vector.shape_cast %shift_right_arithmetic3A_627 : vector<16xi32> to vector<16xi32>
    tpu.vector_store %arg6[%swap3A_628], %swap3A_631 {strides = array<i32>} : memref<128xi32, #tpu.memory_space<vmem>>, vector<16xi32>,
    %get3A_632 = arith.constant 6 : i32
    %get3A_633 = arith.index_cast %get3A_632 : i32 to index
    %get3A_634 = arith.constant 32 : index
    %get3A_635 = tpu.vector_load %arg5[%get3A_633, %get3A_634] {strides = array<i32>} : memref<11x128xi32, #tpu.memory_space<vmem>>, vector<1x16xi32>,
    %get3A_636 = vector.shape_cast %get3A_635 : vector<1x16xi32> to vector<16xi32>
    %shift_right_arithmetic3A_637 = arith.constant 7 : i32
    %shift_right_arithmetic3A_638 = vector.broadcast %shift_right_arithmetic3A_637 : i32 to vector<16xi32>
    %shift_right_arithmetic3A_639 = arith.shrsi %get3A_636, %shift_right_arithmetic3A_638 : vector<16xi32>
    %swap3A_640 = arith.constant 32 : index
    %swap3A_641 = tpu.vector_load %arg6[%swap3A_640] {strides = array<i32>} : memref<128xi32, #tpu.memory_space<vmem>>, vector<16xi32>,
    %swap3A_642 = vector.shape_cast %swap3A_641 : vector<16xi32> to vector<16xi32>
    %swap3A_643 = vector.shape_cast %shift_right_arithmetic3A_639 : vector<16xi32> to vector<16xi32>
    tpu.vector_store %arg6[%swap3A_640], %swap3A_643 {strides = array<i32>} : memref<128xi32, #tpu.memory_space<vmem>>, vector<16xi32>,
    %get3A_644 = arith.constant 6 : i32
    %get3A_645 = arith.index_cast %get3A_644 : i32 to index
    %get3A_646 = arith.constant 48 : index
    %get3A_647 = tpu.vector_load %arg5[%get3A_645, %get3A_646] {strides = array<i32>} : memref<11x128xi32, #tpu.memory_space<vmem>>, vector<1x16xi32>,
    %get3A_648 = vector.shape_cast %get3A_647 : vector<1x16xi32> to vector<16xi32>
    %shift_right_arithmetic3A_649 = arith.constant 7 : i32
    %shift_right_arithmetic3A_650 = vector.broadcast %shift_right_arithmetic3A_649 : i32 to vector<16xi32>
    %shift_right_arithmetic3A_651 = arith.shrsi %get3A_648, %shift_right_arithmetic3A_650 : vector<16xi32>
    %swap3A_652 = arith.constant 48 : index
    %swap3A_653 = tpu.vector_load %arg6[%swap3A_652] {strides = array<i32>} : memref<128xi32, #tpu.memory_space<vmem>>, vector<16xi32>,
    %swap3A_654 = vector.shape_cast %swap3A_653 : vector<16xi32> to vector<16xi32>
    %swap3A_655 = vector.shape_cast %shift_right_arithmetic3A_651 : vector<16xi32> to vector<16xi32>
    tpu.vector_store %arg6[%swap3A_652], %swap3A_655 {strides = array<i32>} : memref<128xi32, #tpu.memory_space<vmem>>, vector<16xi32>,
    %get3A_656 = arith.constant 6 : i32
    %get3A_657 = arith.index_cast %get3A_656 : i32 to index
    %get3A_658 = arith.constant 64 : index
    %get3A_659 = tpu.vector_load %arg5[%get3A_657, %get3A_658] {strides = array<i32>} : memref<11x128xi32, #tpu.memory_space<vmem>>, vector<1x16xi32>,
    %get3A_660 = vector.shape_cast %get3A_659 : vector<1x16xi32> to vector<16xi32>
    %shift_right_arithmetic3A_661 = arith.constant 7 : i32
    %shift_right_arithmetic3A_662 = vector.broadcast %shift_right_arithmetic3A_661 : i32 to vector<16xi32>
    %shift_right_arithmetic3A_663 = arith.shrsi %get3A_660, %shift_right_arithmetic3A_662 : vector<16xi32>
    %swap3A_664 = arith.constant 64 : index
    %swap3A_665 = tpu.vector_load %arg6[%swap3A_664] {strides = array<i32>} : memref<128xi32, #tpu.memory_space<vmem>>, vector<16xi32>,
    %swap3A_666 = vector.shape_cast %swap3A_665 : vector<16xi32> to vector<16xi32>
    %swap3A_667 = vector.shape_cast %shift_right_arithmetic3A_663 : vector<16xi32> to vector<16xi32>
    tpu.vector_store %arg6[%swap3A_664], %swap3A_667 {strides = array<i32>} : memref<128xi32, #tpu.memory_space<vmem>>, vector<16xi32>,
    %get3A_668 = arith.constant 6 : i32
    %get3A_669 = arith.index_cast %get3A_668 : i32 to index
    %get3A_670 = arith.constant 80 : index
    %get3A_671 = tpu.vector_load %arg5[%get3A_669, %get3A_670] {strides = array<i32>} : memref<11x128xi32, #tpu.memory_space<vmem>>, vector<1x16xi32>,
    %get3A_672 = vector.shape_cast %get3A_671 : vector<1x16xi32> to vector<16xi32>
    %shift_right_arithmetic3A_673 = arith.constant 7 : i32
    %shift_right_arithmetic3A_674 = vector.broadcast %shift_right_arithmetic3A_673 : i32 to vector<16xi32>
    %shift_right_arithmetic3A_675 = arith.shrsi %get3A_672, %shift_right_arithmetic3A_674 : vector<16xi32>
    %swap3A_676 = arith.constant 80 : index
    %swap3A_677 = tpu.vector_load %arg6[%swap3A_676] {strides = array<i32>} : memref<128xi32, #tpu.memory_space<vmem>>, vector<16xi32>,
    %swap3A_678 = vector.shape_cast %swap3A_677 : vector<16xi32> to vector<16xi32>
    %swap3A_679 = vector.shape_cast %shift_right_arithmetic3A_675 : vector<16xi32> to vector<16xi32>
    tpu.vector_store %arg6[%swap3A_676], %swap3A_679 {strides = array<i32>} : memref<128xi32, #tpu.memory_space<vmem>>, vector<16xi32>,
    %get3A_680 = arith.constant 6 : i32
    %get3A_681 = arith.index_cast %get3A_680 : i32 to index
    %get3A_682 = arith.constant 96 : index
    %get3A_683 = tpu.vector_load %arg5[%get3A_681, %get3A_682] {strides = array<i32>} : memref<11x128xi32, #tpu.memory_space<vmem>>, vector<1x16xi32>,
    %get3A_684 = vector.shape_cast %get3A_683 : vector<1x16xi32> to vector<16xi32>
    %shift_right_arithmetic3A_685 = arith.constant 7 : i32
    %shift_right_arithmetic3A_686 = vector.broadcast %shift_right_arithmetic3A_685 : i32 to vector<16xi32>
    %shift_right_arithmetic3A_687 = arith.shrsi %get3A_684, %shift_right_arithmetic3A_686 : vector<16xi32>
    %swap3A_688 = arith.constant 96 : index
    %swap3A_689 = tpu.vector_load %arg6[%swap3A_688] {strides = array<i32>} : memref<128xi32, #tpu.memory_space<vmem>>, vector<16xi32>,
    %swap3A_690 = vector.shape_cast %swap3A_689 : vector<16xi32> to vector<16xi32>
    %swap3A_691 = vector.shape_cast %shift_right_arithmetic3A_687 : vector<16xi32> to vector<16xi32>
    tpu.vector_store %arg6[%swap3A_688], %swap3A_691 {strides = array<i32>} : memref<128xi32, #tpu.memory_space<vmem>>, vector<16xi32>,
    %get3A_692 = arith.constant 6 : i32
    %get3A_693 = arith.index_cast %get3A_692 : i32 to index
    %get3A_694 = arith.constant 112 : index
    %get3A_695 = tpu.vector_load %arg5[%get3A_693, %get3A_694] {strides = array<i32>} : memref<11x128xi32, #tpu.memory_space<vmem>>, vector<1x16xi32>,
    %get3A_696 = vector.shape_cast %get3A_695 : vector<1x16xi32> to vector<16xi32>
    %shift_right_arithmetic3A_697 = arith.constant 7 : i32
    %shift_right_arithmetic3A_698 = vector.broadcast %shift_right_arithmetic3A_697 : i32 to vector<16xi32>
    %shift_right_arithmetic3A_699 = arith.shrsi %get3A_696, %shift_right_arithmetic3A_698 : vector<16xi32>
    %swap3A_700 = arith.constant 112 : index
    %swap3A_701 = tpu.vector_load %arg6[%swap3A_700] {strides = array<i32>} : memref<128xi32, #tpu.memory_space<vmem>>, vector<16xi32>,
    %swap3A_702 = vector.shape_cast %swap3A_701 : vector<16xi32> to vector<16xi32>
    %swap3A_703 = vector.shape_cast %shift_right_arithmetic3A_699 : vector<16xi32> to vector<16xi32>
    tpu.vector_store %arg6[%swap3A_700], %swap3A_703 {strides = array<i32>} : memref<128xi32, #tpu.memory_space<vmem>>, vector<16xi32>,
    %dma_start3A_704 = arith.constant 0 : i32
    %dma_start3A_705 = arith.constant 0 : i32
    %dma_start3A_706 = tpu.memref_slice %arg2[%dma_start3A_704, %dma_start3A_705] : memref<130560x128xf32, #tpu.memory_space<hbm>> -> memref<130560x128xf32, #tpu.memory_space<hbm>>
    tpu.enqueue_indirect_dma source(%dma_start3A_706 : memref<130560x128xf32, #tpu.memory_space<hbm>>) target(%arg7 : memref<128x128xf32, #tpu.memory_space<vmem>>) offsets(%arg6 : memref<128xi32, #tpu.memory_space<vmem>>) semaphore(%arg8 : memref<!tpu.dma_semaphore, #tpu.memory_space<semaphore_mem>>)
    %dma_wait3A_707 = arith.constant 0 : i32
    %dma_wait3A_708 = arith.constant 0 : i32
    %dma_wait3A_709 = tpu.memref_slice %arg2[%dma_wait3A_707, %dma_wait3A_708] : memref<130560x128xf32, #tpu.memory_space<hbm>> -> memref<130560x128xf32, #tpu.memory_space<hbm>>
    tpu.wait_indirect_dma semaphore(%arg8 : memref<!tpu.dma_semaphore, #tpu.memory_space<semaphore_mem>>) src(%dma_wait3A_709 : memref<130560x128xf32, #tpu.memory_space<hbm>>) dst(%arg7 : memref<128x128xf32, #tpu.memory_space<vmem>>)
    "tpu.region"() ({
      %run_scoped3A = tpu.sem_alloc : memref<!tpu.dma_semaphore, #tpu.memory_space<semaphore_mem>>
      %dma_start3A_1118 = arith.constant 768 : i32
      %dma_start3A_1119 = arith.constant 0 : i32
      %dma_start3A_1120 = tpu.memref_slice %arg4[%add3A, %dma_start3A_1118, %dma_start3A_1119] : memref<32x1408x128xf32, #tpu.memory_space<hbm>> -> memref<1x128x128xf32, #tpu.memory_space<hbm>>
      %dma_start3A_1121 = tpu.memref_squeeze %dma_start3A_1120 : memref<1x128x128xf32, #tpu.memory_space<hbm>> -> memref<128x128xf32, #tpu.memory_space<hbm>>
      %dma_start3A_1122 = arith.constant 768 : i32
      %dma_start3A_1123 = arith.constant 0 : i32
      %dma_start3A_1124 = tpu.memref_slice %arg4[%add3A, %dma_start3A_1122, %dma_start3A_1123] : memref<32x1408x128xf32, #tpu.memory_space<hbm>> -> memref<1x128x128xf32, #tpu.memory_space<hbm>>
      %dma_start3A_1125 = tpu.memref_squeeze %dma_start3A_1124 : memref<1x128x128xf32, #tpu.memory_space<hbm>> -> memref<128x128xf32, #tpu.memory_space<hbm>>
      tpu.enqueue_dma source(%arg7 : memref<128x128xf32, #tpu.memory_space<vmem>>) target(%dma_start3A_1125 : memref<128x128xf32, #tpu.memory_space<hbm>>) target_semaphore(%run_scoped3A : memref<!tpu.dma_semaphore, #tpu.memory_space<semaphore_mem>>)
      %dma_wait3A_1126 = arith.constant 768 : i32
      %dma_wait3A_1127 = arith.constant 0 : i32
      %dma_wait3A_1128 = tpu.memref_slice %arg4[%add3A, %dma_wait3A_1126, %dma_wait3A_1127] : memref<32x1408x128xf32, #tpu.memory_space<hbm>> -> memref<1x128x128xf32, #tpu.memory_space<hbm>>
      %dma_wait3A_1129 = tpu.memref_squeeze %dma_wait3A_1128 : memref<1x128x128xf32, #tpu.memory_space<hbm>> -> memref<128x128xf32, #tpu.memory_space<hbm>>
      %dma_wait3A_1130 = arith.constant 768 : i32
      %dma_wait3A_1131 = arith.constant 0 : i32
      %dma_wait3A_1132 = tpu.memref_slice %arg4[%add3A, %dma_wait3A_1130, %dma_wait3A_1131] : memref<32x1408x128xf32, #tpu.memory_space<hbm>> -> memref<1x128x128xf32, #tpu.memory_space<hbm>>
      %dma_wait3A_1133 = tpu.memref_squeeze %dma_wait3A_1132 : memref<1x128x128xf32, #tpu.memory_space<hbm>> -> memref<128x128xf32, #tpu.memory_space<hbm>>
      tpu.wait_dma2 semaphore(%run_scoped3A : memref<!tpu.dma_semaphore, #tpu.memory_space<semaphore_mem>>) src(%arg7 : memref<128x128xf32, #tpu.memory_space<vmem>>) dst(%dma_wait3A_1133 : memref<128x128xf32, #tpu.memory_space<hbm>>)
      tpu.yield
    }) : () -> ()
    %get3A_710 = arith.constant 7 : i32
    %get3A_711 = arith.index_cast %get3A_710 : i32 to index
    %get3A_712 = arith.constant 0 : index
    %get3A_713 = tpu.vector_load %arg5[%get3A_711, %get3A_712] {strides = array<i32>} : memref<11x128xi32, #tpu.memory_space<vmem>>, vector<1x16xi32>,
    %get3A_714 = vector.shape_cast %get3A_713 : vector<1x16xi32> to vector<16xi32>
    %shift_right_arithmetic3A_715 = arith.constant 7 : i32
    %shift_right_arithmetic3A_716 = vector.broadcast %shift_right_arithmetic3A_715 : i32 to vector<16xi32>
    %shift_right_arithmetic3A_717 = arith.shrsi %get3A_714, %shift_right_arithmetic3A_716 : vector<16xi32>
    %swap3A_718 = arith.constant 0 : index
    %swap3A_719 = tpu.vector_load %arg6[%swap3A_718] {strides = array<i32>} : memref<128xi32, #tpu.memory_space<vmem>>, vector<16xi32>,
    %swap3A_720 = vector.shape_cast %swap3A_719 : vector<16xi32> to vector<16xi32>
    %swap3A_721 = vector.shape_cast %shift_right_arithmetic3A_717 : vector<16xi32> to vector<16xi32>
    tpu.vector_store %arg6[%swap3A_718], %swap3A_721 {strides = array<i32>} : memref<128xi32, #tpu.memory_space<vmem>>, vector<16xi32>,
    %get3A_722 = arith.constant 7 : i32
    %get3A_723 = arith.index_cast %get3A_722 : i32 to index
    %get3A_724 = arith.constant 16 : index
    %get3A_725 = tpu.vector_load %arg5[%get3A_723, %get3A_724] {strides = array<i32>} : memref<11x128xi32, #tpu.memory_space<vmem>>, vector<1x16xi32>,
    %get3A_726 = vector.shape_cast %get3A_725 : vector<1x16xi32> to vector<16xi32>
    %shift_right_arithmetic3A_727 = arith.constant 7 : i32
    %shift_right_arithmetic3A_728 = vector.broadcast %shift_right_arithmetic3A_727 : i32 to vector<16xi32>
    %shift_right_arithmetic3A_729 = arith.shrsi %get3A_726, %shift_right_arithmetic3A_728 : vector<16xi32>
    %swap3A_730 = arith.constant 16 : index
    %swap3A_731 = tpu.vector_load %arg6[%swap3A_730] {strides = array<i32>} : memref<128xi32, #tpu.memory_space<vmem>>, vector<16xi32>,
    %swap3A_732 = vector.shape_cast %swap3A_731 : vector<16xi32> to vector<16xi32>
    %swap3A_733 = vector.shape_cast %shift_right_arithmetic3A_729 : vector<16xi32> to vector<16xi32>
    tpu.vector_store %arg6[%swap3A_730], %swap3A_733 {strides = array<i32>} : memref<128xi32, #tpu.memory_space<vmem>>, vector<16xi32>,
    %get3A_734 = arith.constant 7 : i32
    %get3A_735 = arith.index_cast %get3A_734 : i32 to index
    %get3A_736 = arith.constant 32 : index
    %get3A_737 = tpu.vector_load %arg5[%get3A_735, %get3A_736] {strides = array<i32>} : memref<11x128xi32, #tpu.memory_space<vmem>>, vector<1x16xi32>,
    %get3A_738 = vector.shape_cast %get3A_737 : vector<1x16xi32> to vector<16xi32>
    %shift_right_arithmetic3A_739 = arith.constant 7 : i32
    %shift_right_arithmetic3A_740 = vector.broadcast %shift_right_arithmetic3A_739 : i32 to vector<16xi32>
    %shift_right_arithmetic3A_741 = arith.shrsi %get3A_738, %shift_right_arithmetic3A_740 : vector<16xi32>
    %swap3A_742 = arith.constant 32 : index
    %swap3A_743 = tpu.vector_load %arg6[%swap3A_742] {strides = array<i32>} : memref<128xi32, #tpu.memory_space<vmem>>, vector<16xi32>,
    %swap3A_744 = vector.shape_cast %swap3A_743 : vector<16xi32> to vector<16xi32>
    %swap3A_745 = vector.shape_cast %shift_right_arithmetic3A_741 : vector<16xi32> to vector<16xi32>
    tpu.vector_store %arg6[%swap3A_742], %swap3A_745 {strides = array<i32>} : memref<128xi32, #tpu.memory_space<vmem>>, vector<16xi32>,
    %get3A_746 = arith.constant 7 : i32
    %get3A_747 = arith.index_cast %get3A_746 : i32 to index
    %get3A_748 = arith.constant 48 : index
    %get3A_749 = tpu.vector_load %arg5[%get3A_747, %get3A_748] {strides = array<i32>} : memref<11x128xi32, #tpu.memory_space<vmem>>, vector<1x16xi32>,
    %get3A_750 = vector.shape_cast %get3A_749 : vector<1x16xi32> to vector<16xi32>
    %shift_right_arithmetic3A_751 = arith.constant 7 : i32
    %shift_right_arithmetic3A_752 = vector.broadcast %shift_right_arithmetic3A_751 : i32 to vector<16xi32>
    %shift_right_arithmetic3A_753 = arith.shrsi %get3A_750, %shift_right_arithmetic3A_752 : vector<16xi32>
    %swap3A_754 = arith.constant 48 : index
    %swap3A_755 = tpu.vector_load %arg6[%swap3A_754] {strides = array<i32>} : memref<128xi32, #tpu.memory_space<vmem>>, vector<16xi32>,
    %swap3A_756 = vector.shape_cast %swap3A_755 : vector<16xi32> to vector<16xi32>
    %swap3A_757 = vector.shape_cast %shift_right_arithmetic3A_753 : vector<16xi32> to vector<16xi32>
    tpu.vector_store %arg6[%swap3A_754], %swap3A_757 {strides = array<i32>} : memref<128xi32, #tpu.memory_space<vmem>>, vector<16xi32>,
    %get3A_758 = arith.constant 7 : i32
    %get3A_759 = arith.index_cast %get3A_758 : i32 to index
    %get3A_760 = arith.constant 64 : index
    %get3A_761 = tpu.vector_load %arg5[%get3A_759, %get3A_760] {strides = array<i32>} : memref<11x128xi32, #tpu.memory_space<vmem>>, vector<1x16xi32>,
    %get3A_762 = vector.shape_cast %get3A_761 : vector<1x16xi32> to vector<16xi32>
    %shift_right_arithmetic3A_763 = arith.constant 7 : i32
    %shift_right_arithmetic3A_764 = vector.broadcast %shift_right_arithmetic3A_763 : i32 to vector<16xi32>
    %shift_right_arithmetic3A_765 = arith.shrsi %get3A_762, %shift_right_arithmetic3A_764 : vector<16xi32>
    %swap3A_766 = arith.constant 64 : index
    %swap3A_767 = tpu.vector_load %arg6[%swap3A_766] {strides = array<i32>} : memref<128xi32, #tpu.memory_space<vmem>>, vector<16xi32>,
    %swap3A_768 = vector.shape_cast %swap3A_767 : vector<16xi32> to vector<16xi32>
    %swap3A_769 = vector.shape_cast %shift_right_arithmetic3A_765 : vector<16xi32> to vector<16xi32>
    tpu.vector_store %arg6[%swap3A_766], %swap3A_769 {strides = array<i32>} : memref<128xi32, #tpu.memory_space<vmem>>, vector<16xi32>,
    %get3A_770 = arith.constant 7 : i32
    %get3A_771 = arith.index_cast %get3A_770 : i32 to index
    %get3A_772 = arith.constant 80 : index
    %get3A_773 = tpu.vector_load %arg5[%get3A_771, %get3A_772] {strides = array<i32>} : memref<11x128xi32, #tpu.memory_space<vmem>>, vector<1x16xi32>,
    %get3A_774 = vector.shape_cast %get3A_773 : vector<1x16xi32> to vector<16xi32>
    %shift_right_arithmetic3A_775 = arith.constant 7 : i32
    %shift_right_arithmetic3A_776 = vector.broadcast %shift_right_arithmetic3A_775 : i32 to vector<16xi32>
    %shift_right_arithmetic3A_777 = arith.shrsi %get3A_774, %shift_right_arithmetic3A_776 : vector<16xi32>
    %swap3A_778 = arith.constant 80 : index
    %swap3A_779 = tpu.vector_load %arg6[%swap3A_778] {strides = array<i32>} : memref<128xi32, #tpu.memory_space<vmem>>, vector<16xi32>,
    %swap3A_780 = vector.shape_cast %swap3A_779 : vector<16xi32> to vector<16xi32>
    %swap3A_781 = vector.shape_cast %shift_right_arithmetic3A_777 : vector<16xi32> to vector<16xi32>
    tpu.vector_store %arg6[%swap3A_778], %swap3A_781 {strides = array<i32>} : memref<128xi32, #tpu.memory_space<vmem>>, vector<16xi32>,
    %get3A_782 = arith.constant 7 : i32
    %get3A_783 = arith.index_cast %get3A_782 : i32 to index
    %get3A_784 = arith.constant 96 : index
    %get3A_785 = tpu.vector_load %arg5[%get3A_783, %get3A_784] {strides = array<i32>} : memref<11x128xi32, #tpu.memory_space<vmem>>, vector<1x16xi32>,
    %get3A_786 = vector.shape_cast %get3A_785 : vector<1x16xi32> to vector<16xi32>
    %shift_right_arithmetic3A_787 = arith.constant 7 : i32
    %shift_right_arithmetic3A_788 = vector.broadcast %shift_right_arithmetic3A_787 : i32 to vector<16xi32>
    %shift_right_arithmetic3A_789 = arith.shrsi %get3A_786, %shift_right_arithmetic3A_788 : vector<16xi32>
    %swap3A_790 = arith.constant 96 : index
    %swap3A_791 = tpu.vector_load %arg6[%swap3A_790] {strides = array<i32>} : memref<128xi32, #tpu.memory_space<vmem>>, vector<16xi32>,
    %swap3A_792 = vector.shape_cast %swap3A_791 : vector<16xi32> to vector<16xi32>
    %swap3A_793 = vector.shape_cast %shift_right_arithmetic3A_789 : vector<16xi32> to vector<16xi32>
    tpu.vector_store %arg6[%swap3A_790], %swap3A_793 {strides = array<i32>} : memref<128xi32, #tpu.memory_space<vmem>>, vector<16xi32>,
    %get3A_794 = arith.constant 7 : i32
    %get3A_795 = arith.index_cast %get3A_794 : i32 to index
    %get3A_796 = arith.constant 112 : index
    %get3A_797 = tpu.vector_load %arg5[%get3A_795, %get3A_796] {strides = array<i32>} : memref<11x128xi32, #tpu.memory_space<vmem>>, vector<1x16xi32>,
    %get3A_798 = vector.shape_cast %get3A_797 : vector<1x16xi32> to vector<16xi32>
    %shift_right_arithmetic3A_799 = arith.constant 7 : i32
    %shift_right_arithmetic3A_800 = vector.broadcast %shift_right_arithmetic3A_799 : i32 to vector<16xi32>
    %shift_right_arithmetic3A_801 = arith.shrsi %get3A_798, %shift_right_arithmetic3A_800 : vector<16xi32>
    %swap3A_802 = arith.constant 112 : index
    %swap3A_803 = tpu.vector_load %arg6[%swap3A_802] {strides = array<i32>} : memref<128xi32, #tpu.memory_space<vmem>>, vector<16xi32>,
    %swap3A_804 = vector.shape_cast %swap3A_803 : vector<16xi32> to vector<16xi32>
    %swap3A_805 = vector.shape_cast %shift_right_arithmetic3A_801 : vector<16xi32> to vector<16xi32>
    tpu.vector_store %arg6[%swap3A_802], %swap3A_805 {strides = array<i32>} : memref<128xi32, #tpu.memory_space<vmem>>, vector<16xi32>,
    %dma_start3A_806 = arith.constant 0 : i32
    %dma_start3A_807 = arith.constant 0 : i32
    %dma_start3A_808 = tpu.memref_slice %arg2[%dma_start3A_806, %dma_start3A_807] : memref<130560x128xf32, #tpu.memory_space<hbm>> -> memref<130560x128xf32, #tpu.memory_space<hbm>>
    tpu.enqueue_indirect_dma source(%dma_start3A_808 : memref<130560x128xf32, #tpu.memory_space<hbm>>) target(%arg7 : memref<128x128xf32, #tpu.memory_space<vmem>>) offsets(%arg6 : memref<128xi32, #tpu.memory_space<vmem>>) semaphore(%arg8 : memref<!tpu.dma_semaphore, #tpu.memory_space<semaphore_mem>>)
    %dma_wait3A_809 = arith.constant 0 : i32
    %dma_wait3A_810 = arith.constant 0 : i32
    %dma_wait3A_811 = tpu.memref_slice %arg2[%dma_wait3A_809, %dma_wait3A_810] : memref<130560x128xf32, #tpu.memory_space<hbm>> -> memref<130560x128xf32, #tpu.memory_space<hbm>>
    tpu.wait_indirect_dma semaphore(%arg8 : memref<!tpu.dma_semaphore, #tpu.memory_space<semaphore_mem>>) src(%dma_wait3A_811 : memref<130560x128xf32, #tpu.memory_space<hbm>>) dst(%arg7 : memref<128x128xf32, #tpu.memory_space<vmem>>)
    "tpu.region"() ({
      %run_scoped3A = tpu.sem_alloc : memref<!tpu.dma_semaphore, #tpu.memory_space<semaphore_mem>>
      %dma_start3A_1118 = arith.constant 896 : i32
      %dma_start3A_1119 = arith.constant 0 : i32
      %dma_start3A_1120 = tpu.memref_slice %arg4[%add3A, %dma_start3A_1118, %dma_start3A_1119] : memref<32x1408x128xf32, #tpu.memory_space<hbm>> -> memref<1x128x128xf32, #tpu.memory_space<hbm>>
      %dma_start3A_1121 = tpu.memref_squeeze %dma_start3A_1120 : memref<1x128x128xf32, #tpu.memory_space<hbm>> -> memref<128x128xf32, #tpu.memory_space<hbm>>
      %dma_start3A_1122 = arith.constant 896 : i32
      %dma_start3A_1123 = arith.constant 0 : i32
      %dma_start3A_1124 = tpu.memref_slice %arg4[%add3A, %dma_start3A_1122, %dma_start3A_1123] : memref<32x1408x128xf32, #tpu.memory_space<hbm>> -> memref<1x128x128xf32, #tpu.memory_space<hbm>>
      %dma_start3A_1125 = tpu.memref_squeeze %dma_start3A_1124 : memref<1x128x128xf32, #tpu.memory_space<hbm>> -> memref<128x128xf32, #tpu.memory_space<hbm>>
      tpu.enqueue_dma source(%arg7 : memref<128x128xf32, #tpu.memory_space<vmem>>) target(%dma_start3A_1125 : memref<128x128xf32, #tpu.memory_space<hbm>>) target_semaphore(%run_scoped3A : memref<!tpu.dma_semaphore, #tpu.memory_space<semaphore_mem>>)
      %dma_wait3A_1126 = arith.constant 896 : i32
      %dma_wait3A_1127 = arith.constant 0 : i32
      %dma_wait3A_1128 = tpu.memref_slice %arg4[%add3A, %dma_wait3A_1126, %dma_wait3A_1127] : memref<32x1408x128xf32, #tpu.memory_space<hbm>> -> memref<1x128x128xf32, #tpu.memory_space<hbm>>
      %dma_wait3A_1129 = tpu.memref_squeeze %dma_wait3A_1128 : memref<1x128x128xf32, #tpu.memory_space<hbm>> -> memref<128x128xf32, #tpu.memory_space<hbm>>
      %dma_wait3A_1130 = arith.constant 896 : i32
      %dma_wait3A_1131 = arith.constant 0 : i32
      %dma_wait3A_1132 = tpu.memref_slice %arg4[%add3A, %dma_wait3A_1130, %dma_wait3A_1131] : memref<32x1408x128xf32, #tpu.memory_space<hbm>> -> memref<1x128x128xf32, #tpu.memory_space<hbm>>
      %dma_wait3A_1133 = tpu.memref_squeeze %dma_wait3A_1132 : memref<1x128x128xf32, #tpu.memory_space<hbm>> -> memref<128x128xf32, #tpu.memory_space<hbm>>
      tpu.wait_dma2 semaphore(%run_scoped3A : memref<!tpu.dma_semaphore, #tpu.memory_space<semaphore_mem>>) src(%arg7 : memref<128x128xf32, #tpu.memory_space<vmem>>) dst(%dma_wait3A_1133 : memref<128x128xf32, #tpu.memory_space<hbm>>)
      tpu.yield
    }) : () -> ()
    %get3A_812 = arith.constant 8 : i32
    %get3A_813 = arith.index_cast %get3A_812 : i32 to index
    %get3A_814 = arith.constant 0 : index
    %get3A_815 = tpu.vector_load %arg5[%get3A_813, %get3A_814] {strides = array<i32>} : memref<11x128xi32, #tpu.memory_space<vmem>>, vector<1x16xi32>,
    %get3A_816 = vector.shape_cast %get3A_815 : vector<1x16xi32> to vector<16xi32>
    %shift_right_arithmetic3A_817 = arith.constant 7 : i32
    %shift_right_arithmetic3A_818 = vector.broadcast %shift_right_arithmetic3A_817 : i32 to vector<16xi32>
    %shift_right_arithmetic3A_819 = arith.shrsi %get3A_816, %shift_right_arithmetic3A_818 : vector<16xi32>
    %swap3A_820 = arith.constant 0 : index
    %swap3A_821 = tpu.vector_load %arg6[%swap3A_820] {strides = array<i32>} : memref<128xi32, #tpu.memory_space<vmem>>, vector<16xi32>,
    %swap3A_822 = vector.shape_cast %swap3A_821 : vector<16xi32> to vector<16xi32>
    %swap3A_823 = vector.shape_cast %shift_right_arithmetic3A_819 : vector<16xi32> to vector<16xi32>
    tpu.vector_store %arg6[%swap3A_820], %swap3A_823 {strides = array<i32>} : memref<128xi32, #tpu.memory_space<vmem>>, vector<16xi32>,
    %get3A_824 = arith.constant 8 : i32
    %get3A_825 = arith.index_cast %get3A_824 : i32 to index
    %get3A_826 = arith.constant 16 : index
    %get3A_827 = tpu.vector_load %arg5[%get3A_825, %get3A_826] {strides = array<i32>} : memref<11x128xi32, #tpu.memory_space<vmem>>, vector<1x16xi32>,
    %get3A_828 = vector.shape_cast %get3A_827 : vector<1x16xi32> to vector<16xi32>
    %shift_right_arithmetic3A_829 = arith.constant 7 : i32
    %shift_right_arithmetic3A_830 = vector.broadcast %shift_right_arithmetic3A_829 : i32 to vector<16xi32>
    %shift_right_arithmetic3A_831 = arith.shrsi %get3A_828, %shift_right_arithmetic3A_830 : vector<16xi32>
    %swap3A_832 = arith.constant 16 : index
    %swap3A_833 = tpu.vector_load %arg6[%swap3A_832] {strides = array<i32>} : memref<128xi32, #tpu.memory_space<vmem>>, vector<16xi32>,
    %swap3A_834 = vector.shape_cast %swap3A_833 : vector<16xi32> to vector<16xi32>
    %swap3A_835 = vector.shape_cast %shift_right_arithmetic3A_831 : vector<16xi32> to vector<16xi32>
    tpu.vector_store %arg6[%swap3A_832], %swap3A_835 {strides = array<i32>} : memref<128xi32, #tpu.memory_space<vmem>>, vector<16xi32>,
    %get3A_836 = arith.constant 8 : i32
    %get3A_837 = arith.index_cast %get3A_836 : i32 to index
    %get3A_838 = arith.constant 32 : index
    %get3A_839 = tpu.vector_load %arg5[%get3A_837, %get3A_838] {strides = array<i32>} : memref<11x128xi32, #tpu.memory_space<vmem>>, vector<1x16xi32>,
    %get3A_840 = vector.shape_cast %get3A_839 : vector<1x16xi32> to vector<16xi32>
    %shift_right_arithmetic3A_841 = arith.constant 7 : i32
    %shift_right_arithmetic3A_842 = vector.broadcast %shift_right_arithmetic3A_841 : i32 to vector<16xi32>
    %shift_right_arithmetic3A_843 = arith.shrsi %get3A_840, %shift_right_arithmetic3A_842 : vector<16xi32>
    %swap3A_844 = arith.constant 32 : index
    %swap3A_845 = tpu.vector_load %arg6[%swap3A_844] {strides = array<i32>} : memref<128xi32, #tpu.memory_space<vmem>>, vector<16xi32>,
    %swap3A_846 = vector.shape_cast %swap3A_845 : vector<16xi32> to vector<16xi32>
    %swap3A_847 = vector.shape_cast %shift_right_arithmetic3A_843 : vector<16xi32> to vector<16xi32>
    tpu.vector_store %arg6[%swap3A_844], %swap3A_847 {strides = array<i32>} : memref<128xi32, #tpu.memory_space<vmem>>, vector<16xi32>,
    %get3A_848 = arith.constant 8 : i32
    %get3A_849 = arith.index_cast %get3A_848 : i32 to index
    %get3A_850 = arith.constant 48 : index
    %get3A_851 = tpu.vector_load %arg5[%get3A_849, %get3A_850] {strides = array<i32>} : memref<11x128xi32, #tpu.memory_space<vmem>>, vector<1x16xi32>,
    %get3A_852 = vector.shape_cast %get3A_851 : vector<1x16xi32> to vector<16xi32>
    %shift_right_arithmetic3A_853 = arith.constant 7 : i32
    %shift_right_arithmetic3A_854 = vector.broadcast %shift_right_arithmetic3A_853 : i32 to vector<16xi32>
    %shift_right_arithmetic3A_855 = arith.shrsi %get3A_852, %shift_right_arithmetic3A_854 : vector<16xi32>
    %swap3A_856 = arith.constant 48 : index
    %swap3A_857 = tpu.vector_load %arg6[%swap3A_856] {strides = array<i32>} : memref<128xi32, #tpu.memory_space<vmem>>, vector<16xi32>,
    %swap3A_858 = vector.shape_cast %swap3A_857 : vector<16xi32> to vector<16xi32>
    %swap3A_859 = vector.shape_cast %shift_right_arithmetic3A_855 : vector<16xi32> to vector<16xi32>
    tpu.vector_store %arg6[%swap3A_856], %swap3A_859 {strides = array<i32>} : memref<128xi32, #tpu.memory_space<vmem>>, vector<16xi32>,
    %get3A_860 = arith.constant 8 : i32
    %get3A_861 = arith.index_cast %get3A_860 : i32 to index
    %get3A_862 = arith.constant 64 : index
    %get3A_863 = tpu.vector_load %arg5[%get3A_861, %get3A_862] {strides = array<i32>} : memref<11x128xi32, #tpu.memory_space<vmem>>, vector<1x16xi32>,
    %get3A_864 = vector.shape_cast %get3A_863 : vector<1x16xi32> to vector<16xi32>
    %shift_right_arithmetic3A_865 = arith.constant 7 : i32
    %shift_right_arithmetic3A_866 = vector.broadcast %shift_right_arithmetic3A_865 : i32 to vector<16xi32>
    %shift_right_arithmetic3A_867 = arith.shrsi %get3A_864, %shift_right_arithmetic3A_866 : vector<16xi32>
    %swap3A_868 = arith.constant 64 : index
    %swap3A_869 = tpu.vector_load %arg6[%swap3A_868] {strides = array<i32>} : memref<128xi32, #tpu.memory_space<vmem>>, vector<16xi32>,
    %swap3A_870 = vector.shape_cast %swap3A_869 : vector<16xi32> to vector<16xi32>
    %swap3A_871 = vector.shape_cast %shift_right_arithmetic3A_867 : vector<16xi32> to vector<16xi32>
    tpu.vector_store %arg6[%swap3A_868], %swap3A_871 {strides = array<i32>} : memref<128xi32, #tpu.memory_space<vmem>>, vector<16xi32>,
    %get3A_872 = arith.constant 8 : i32
    %get3A_873 = arith.index_cast %get3A_872 : i32 to index
    %get3A_874 = arith.constant 80 : index
    %get3A_875 = tpu.vector_load %arg5[%get3A_873, %get3A_874] {strides = array<i32>} : memref<11x128xi32, #tpu.memory_space<vmem>>, vector<1x16xi32>,
    %get3A_876 = vector.shape_cast %get3A_875 : vector<1x16xi32> to vector<16xi32>
    %shift_right_arithmetic3A_877 = arith.constant 7 : i32
    %shift_right_arithmetic3A_878 = vector.broadcast %shift_right_arithmetic3A_877 : i32 to vector<16xi32>
    %shift_right_arithmetic3A_879 = arith.shrsi %get3A_876, %shift_right_arithmetic3A_878 : vector<16xi32>
    %swap3A_880 = arith.constant 80 : index
    %swap3A_881 = tpu.vector_load %arg6[%swap3A_880] {strides = array<i32>} : memref<128xi32, #tpu.memory_space<vmem>>, vector<16xi32>,
    %swap3A_882 = vector.shape_cast %swap3A_881 : vector<16xi32> to vector<16xi32>
    %swap3A_883 = vector.shape_cast %shift_right_arithmetic3A_879 : vector<16xi32> to vector<16xi32>
    tpu.vector_store %arg6[%swap3A_880], %swap3A_883 {strides = array<i32>} : memref<128xi32, #tpu.memory_space<vmem>>, vector<16xi32>,
    %get3A_884 = arith.constant 8 : i32
    %get3A_885 = arith.index_cast %get3A_884 : i32 to index
    %get3A_886 = arith.constant 96 : index
    %get3A_887 = tpu.vector_load %arg5[%get3A_885, %get3A_886] {strides = array<i32>} : memref<11x128xi32, #tpu.memory_space<vmem>>, vector<1x16xi32>,
    %get3A_888 = vector.shape_cast %get3A_887 : vector<1x16xi32> to vector<16xi32>
    %shift_right_arithmetic3A_889 = arith.constant 7 : i32
    %shift_right_arithmetic3A_890 = vector.broadcast %shift_right_arithmetic3A_889 : i32 to vector<16xi32>
    %shift_right_arithmetic3A_891 = arith.shrsi %get3A_888, %shift_right_arithmetic3A_890 : vector<16xi32>
    %swap3A_892 = arith.constant 96 : index
    %swap3A_893 = tpu.vector_load %arg6[%swap3A_892] {strides = array<i32>} : memref<128xi32, #tpu.memory_space<vmem>>, vector<16xi32>,
    %swap3A_894 = vector.shape_cast %swap3A_893 : vector<16xi32> to vector<16xi32>
    %swap3A_895 = vector.shape_cast %shift_right_arithmetic3A_891 : vector<16xi32> to vector<16xi32>
    tpu.vector_store %arg6[%swap3A_892], %swap3A_895 {strides = array<i32>} : memref<128xi32, #tpu.memory_space<vmem>>, vector<16xi32>,
    %get3A_896 = arith.constant 8 : i32
    %get3A_897 = arith.index_cast %get3A_896 : i32 to index
    %get3A_898 = arith.constant 112 : index
    %get3A_899 = tpu.vector_load %arg5[%get3A_897, %get3A_898] {strides = array<i32>} : memref<11x128xi32, #tpu.memory_space<vmem>>, vector<1x16xi32>,
    %get3A_900 = vector.shape_cast %get3A_899 : vector<1x16xi32> to vector<16xi32>
    %shift_right_arithmetic3A_901 = arith.constant 7 : i32
    %shift_right_arithmetic3A_902 = vector.broadcast %shift_right_arithmetic3A_901 : i32 to vector<16xi32>
    %shift_right_arithmetic3A_903 = arith.shrsi %get3A_900, %shift_right_arithmetic3A_902 : vector<16xi32>
    %swap3A_904 = arith.constant 112 : index
    %swap3A_905 = tpu.vector_load %arg6[%swap3A_904] {strides = array<i32>} : memref<128xi32, #tpu.memory_space<vmem>>, vector<16xi32>,
    %swap3A_906 = vector.shape_cast %swap3A_905 : vector<16xi32> to vector<16xi32>
    %swap3A_907 = vector.shape_cast %shift_right_arithmetic3A_903 : vector<16xi32> to vector<16xi32>
    tpu.vector_store %arg6[%swap3A_904], %swap3A_907 {strides = array<i32>} : memref<128xi32, #tpu.memory_space<vmem>>, vector<16xi32>,
    %dma_start3A_908 = arith.constant 0 : i32
    %dma_start3A_909 = arith.constant 0 : i32
    %dma_start3A_910 = tpu.memref_slice %arg2[%dma_start3A_908, %dma_start3A_909] : memref<130560x128xf32, #tpu.memory_space<hbm>> -> memref<130560x128xf32, #tpu.memory_space<hbm>>
    tpu.enqueue_indirect_dma source(%dma_start3A_910 : memref<130560x128xf32, #tpu.memory_space<hbm>>) target(%arg7 : memref<128x128xf32, #tpu.memory_space<vmem>>) offsets(%arg6 : memref<128xi32, #tpu.memory_space<vmem>>) semaphore(%arg8 : memref<!tpu.dma_semaphore, #tpu.memory_space<semaphore_mem>>)
    %dma_wait3A_911 = arith.constant 0 : i32
    %dma_wait3A_912 = arith.constant 0 : i32
    %dma_wait3A_913 = tpu.memref_slice %arg2[%dma_wait3A_911, %dma_wait3A_912] : memref<130560x128xf32, #tpu.memory_space<hbm>> -> memref<130560x128xf32, #tpu.memory_space<hbm>>
    tpu.wait_indirect_dma semaphore(%arg8 : memref<!tpu.dma_semaphore, #tpu.memory_space<semaphore_mem>>) src(%dma_wait3A_913 : memref<130560x128xf32, #tpu.memory_space<hbm>>) dst(%arg7 : memref<128x128xf32, #tpu.memory_space<vmem>>)
    "tpu.region"() ({
      %run_scoped3A = tpu.sem_alloc : memref<!tpu.dma_semaphore, #tpu.memory_space<semaphore_mem>>
      %dma_start3A_1118 = arith.constant 1024 : i32
      %dma_start3A_1119 = arith.constant 0 : i32
      %dma_start3A_1120 = tpu.memref_slice %arg4[%add3A, %dma_start3A_1118, %dma_start3A_1119] : memref<32x1408x128xf32, #tpu.memory_space<hbm>> -> memref<1x128x128xf32, #tpu.memory_space<hbm>>
      %dma_start3A_1121 = tpu.memref_squeeze %dma_start3A_1120 : memref<1x128x128xf32, #tpu.memory_space<hbm>> -> memref<128x128xf32, #tpu.memory_space<hbm>>
      %dma_start3A_1122 = arith.constant 1024 : i32
      %dma_start3A_1123 = arith.constant 0 : i32
      %dma_start3A_1124 = tpu.memref_slice %arg4[%add3A, %dma_start3A_1122, %dma_start3A_1123] : memref<32x1408x128xf32, #tpu.memory_space<hbm>> -> memref<1x128x128xf32, #tpu.memory_space<hbm>>
      %dma_start3A_1125 = tpu.memref_squeeze %dma_start3A_1124 : memref<1x128x128xf32, #tpu.memory_space<hbm>> -> memref<128x128xf32, #tpu.memory_space<hbm>>
      tpu.enqueue_dma source(%arg7 : memref<128x128xf32, #tpu.memory_space<vmem>>) target(%dma_start3A_1125 : memref<128x128xf32, #tpu.memory_space<hbm>>) target_semaphore(%run_scoped3A : memref<!tpu.dma_semaphore, #tpu.memory_space<semaphore_mem>>)
      %dma_wait3A_1126 = arith.constant 1024 : i32
      %dma_wait3A_1127 = arith.constant 0 : i32
      %dma_wait3A_1128 = tpu.memref_slice %arg4[%add3A, %dma_wait3A_1126, %dma_wait3A_1127] : memref<32x1408x128xf32, #tpu.memory_space<hbm>> -> memref<1x128x128xf32, #tpu.memory_space<hbm>>
      %dma_wait3A_1129 = tpu.memref_squeeze %dma_wait3A_1128 : memref<1x128x128xf32, #tpu.memory_space<hbm>> -> memref<128x128xf32, #tpu.memory_space<hbm>>
      %dma_wait3A_1130 = arith.constant 1024 : i32
      %dma_wait3A_1131 = arith.constant 0 : i32
      %dma_wait3A_1132 = tpu.memref_slice %arg4[%add3A, %dma_wait3A_1130, %dma_wait3A_1131] : memref<32x1408x128xf32, #tpu.memory_space<hbm>> -> memref<1x128x128xf32, #tpu.memory_space<hbm>>
      %dma_wait3A_1133 = tpu.memref_squeeze %dma_wait3A_1132 : memref<1x128x128xf32, #tpu.memory_space<hbm>> -> memref<128x128xf32, #tpu.memory_space<hbm>>
      tpu.wait_dma2 semaphore(%run_scoped3A : memref<!tpu.dma_semaphore, #tpu.memory_space<semaphore_mem>>) src(%arg7 : memref<128x128xf32, #tpu.memory_space<vmem>>) dst(%dma_wait3A_1133 : memref<128x128xf32, #tpu.memory_space<hbm>>)
      tpu.yield
    }) : () -> ()
    %get3A_914 = arith.constant 9 : i32
    %get3A_915 = arith.index_cast %get3A_914 : i32 to index
    %get3A_916 = arith.constant 0 : index
    %get3A_917 = tpu.vector_load %arg5[%get3A_915, %get3A_916] {strides = array<i32>} : memref<11x128xi32, #tpu.memory_space<vmem>>, vector<1x16xi32>,
    %get3A_918 = vector.shape_cast %get3A_917 : vector<1x16xi32> to vector<16xi32>
    %shift_right_arithmetic3A_919 = arith.constant 7 : i32
    %shift_right_arithmetic3A_920 = vector.broadcast %shift_right_arithmetic3A_919 : i32 to vector<16xi32>
    %shift_right_arithmetic3A_921 = arith.shrsi %get3A_918, %shift_right_arithmetic3A_920 : vector<16xi32>
    %swap3A_922 = arith.constant 0 : index
    %swap3A_923 = tpu.vector_load %arg6[%swap3A_922] {strides = array<i32>} : memref<128xi32, #tpu.memory_space<vmem>>, vector<16xi32>,
    %swap3A_924 = vector.shape_cast %swap3A_923 : vector<16xi32> to vector<16xi32>
    %swap3A_925 = vector.shape_cast %shift_right_arithmetic3A_921 : vector<16xi32> to vector<16xi32>
    tpu.vector_store %arg6[%swap3A_922], %swap3A_925 {strides = array<i32>} : memref<128xi32, #tpu.memory_space<vmem>>, vector<16xi32>,
    %get3A_926 = arith.constant 9 : i32
    %get3A_927 = arith.index_cast %get3A_926 : i32 to index
    %get3A_928 = arith.constant 16 : index
    %get3A_929 = tpu.vector_load %arg5[%get3A_927, %get3A_928] {strides = array<i32>} : memref<11x128xi32, #tpu.memory_space<vmem>>, vector<1x16xi32>,
    %get3A_930 = vector.shape_cast %get3A_929 : vector<1x16xi32> to vector<16xi32>
    %shift_right_arithmetic3A_931 = arith.constant 7 : i32
    %shift_right_arithmetic3A_932 = vector.broadcast %shift_right_arithmetic3A_931 : i32 to vector<16xi32>
    %shift_right_arithmetic3A_933 = arith.shrsi %get3A_930, %shift_right_arithmetic3A_932 : vector<16xi32>
    %swap3A_934 = arith.constant 16 : index
    %swap3A_935 = tpu.vector_load %arg6[%swap3A_934] {strides = array<i32>} : memref<128xi32, #tpu.memory_space<vmem>>, vector<16xi32>,
    %swap3A_936 = vector.shape_cast %swap3A_935 : vector<16xi32> to vector<16xi32>
    %swap3A_937 = vector.shape_cast %shift_right_arithmetic3A_933 : vector<16xi32> to vector<16xi32>
    tpu.vector_store %arg6[%swap3A_934], %swap3A_937 {strides = array<i32>} : memref<128xi32, #tpu.memory_space<vmem>>, vector<16xi32>,
    %get3A_938 = arith.constant 9 : i32
    %get3A_939 = arith.index_cast %get3A_938 : i32 to index
    %get3A_940 = arith.constant 32 : index
    %get3A_941 = tpu.vector_load %arg5[%get3A_939, %get3A_940] {strides = array<i32>} : memref<11x128xi32, #tpu.memory_space<vmem>>, vector<1x16xi32>,
    %get3A_942 = vector.shape_cast %get3A_941 : vector<1x16xi32> to vector<16xi32>
    %shift_right_arithmetic3A_943 = arith.constant 7 : i32
    %shift_right_arithmetic3A_944 = vector.broadcast %shift_right_arithmetic3A_943 : i32 to vector<16xi32>
    %shift_right_arithmetic3A_945 = arith.shrsi %get3A_942, %shift_right_arithmetic3A_944 : vector<16xi32>
    %swap3A_946 = arith.constant 32 : index
    %swap3A_947 = tpu.vector_load %arg6[%swap3A_946] {strides = array<i32>} : memref<128xi32, #tpu.memory_space<vmem>>, vector<16xi32>,
    %swap3A_948 = vector.shape_cast %swap3A_947 : vector<16xi32> to vector<16xi32>
    %swap3A_949 = vector.shape_cast %shift_right_arithmetic3A_945 : vector<16xi32> to vector<16xi32>
    tpu.vector_store %arg6[%swap3A_946], %swap3A_949 {strides = array<i32>} : memref<128xi32, #tpu.memory_space<vmem>>, vector<16xi32>,
    %get3A_950 = arith.constant 9 : i32
    %get3A_951 = arith.index_cast %get3A_950 : i32 to index
    %get3A_952 = arith.constant 48 : index
    %get3A_953 = tpu.vector_load %arg5[%get3A_951, %get3A_952] {strides = array<i32>} : memref<11x128xi32, #tpu.memory_space<vmem>>, vector<1x16xi32>,
    %get3A_954 = vector.shape_cast %get3A_953 : vector<1x16xi32> to vector<16xi32>
    %shift_right_arithmetic3A_955 = arith.constant 7 : i32
    %shift_right_arithmetic3A_956 = vector.broadcast %shift_right_arithmetic3A_955 : i32 to vector<16xi32>
    %shift_right_arithmetic3A_957 = arith.shrsi %get3A_954, %shift_right_arithmetic3A_956 : vector<16xi32>
    %swap3A_958 = arith.constant 48 : index
    %swap3A_959 = tpu.vector_load %arg6[%swap3A_958] {strides = array<i32>} : memref<128xi32, #tpu.memory_space<vmem>>, vector<16xi32>,
    %swap3A_960 = vector.shape_cast %swap3A_959 : vector<16xi32> to vector<16xi32>
    %swap3A_961 = vector.shape_cast %shift_right_arithmetic3A_957 : vector<16xi32> to vector<16xi32>
    tpu.vector_store %arg6[%swap3A_958], %swap3A_961 {strides = array<i32>} : memref<128xi32, #tpu.memory_space<vmem>>, vector<16xi32>,
    %get3A_962 = arith.constant 9 : i32
    %get3A_963 = arith.index_cast %get3A_962 : i32 to index
    %get3A_964 = arith.constant 64 : index
    %get3A_965 = tpu.vector_load %arg5[%get3A_963, %get3A_964] {strides = array<i32>} : memref<11x128xi32, #tpu.memory_space<vmem>>, vector<1x16xi32>,
    %get3A_966 = vector.shape_cast %get3A_965 : vector<1x16xi32> to vector<16xi32>
    %shift_right_arithmetic3A_967 = arith.constant 7 : i32
    %shift_right_arithmetic3A_968 = vector.broadcast %shift_right_arithmetic3A_967 : i32 to vector<16xi32>
    %shift_right_arithmetic3A_969 = arith.shrsi %get3A_966, %shift_right_arithmetic3A_968 : vector<16xi32>
    %swap3A_970 = arith.constant 64 : index
    %swap3A_971 = tpu.vector_load %arg6[%swap3A_970] {strides = array<i32>} : memref<128xi32, #tpu.memory_space<vmem>>, vector<16xi32>,
    %swap3A_972 = vector.shape_cast %swap3A_971 : vector<16xi32> to vector<16xi32>
    %swap3A_973 = vector.shape_cast %shift_right_arithmetic3A_969 : vector<16xi32> to vector<16xi32>
    tpu.vector_store %arg6[%swap3A_970], %swap3A_973 {strides = array<i32>} : memref<128xi32, #tpu.memory_space<vmem>>, vector<16xi32>,
    %get3A_974 = arith.constant 9 : i32
    %get3A_975 = arith.index_cast %get3A_974 : i32 to index
    %get3A_976 = arith.constant 80 : index
    %get3A_977 = tpu.vector_load %arg5[%get3A_975, %get3A_976] {strides = array<i32>} : memref<11x128xi32, #tpu.memory_space<vmem>>, vector<1x16xi32>,
    %get3A_978 = vector.shape_cast %get3A_977 : vector<1x16xi32> to vector<16xi32>
    %shift_right_arithmetic3A_979 = arith.constant 7 : i32
    %shift_right_arithmetic3A_980 = vector.broadcast %shift_right_arithmetic3A_979 : i32 to vector<16xi32>
    %shift_right_arithmetic3A_981 = arith.shrsi %get3A_978, %shift_right_arithmetic3A_980 : vector<16xi32>
    %swap3A_982 = arith.constant 80 : index
    %swap3A_983 = tpu.vector_load %arg6[%swap3A_982] {strides = array<i32>} : memref<128xi32, #tpu.memory_space<vmem>>, vector<16xi32>,
    %swap3A_984 = vector.shape_cast %swap3A_983 : vector<16xi32> to vector<16xi32>
    %swap3A_985 = vector.shape_cast %shift_right_arithmetic3A_981 : vector<16xi32> to vector<16xi32>
    tpu.vector_store %arg6[%swap3A_982], %swap3A_985 {strides = array<i32>} : memref<128xi32, #tpu.memory_space<vmem>>, vector<16xi32>,
    %get3A_986 = arith.constant 9 : i32
    %get3A_987 = arith.index_cast %get3A_986 : i32 to index
    %get3A_988 = arith.constant 96 : index
    %get3A_989 = tpu.vector_load %arg5[%get3A_987, %get3A_988] {strides = array<i32>} : memref<11x128xi32, #tpu.memory_space<vmem>>, vector<1x16xi32>,
    %get3A_990 = vector.shape_cast %get3A_989 : vector<1x16xi32> to vector<16xi32>
    %shift_right_arithmetic3A_991 = arith.constant 7 : i32
    %shift_right_arithmetic3A_992 = vector.broadcast %shift_right_arithmetic3A_991 : i32 to vector<16xi32>
    %shift_right_arithmetic3A_993 = arith.shrsi %get3A_990, %shift_right_arithmetic3A_992 : vector<16xi32>
    %swap3A_994 = arith.constant 96 : index
    %swap3A_995 = tpu.vector_load %arg6[%swap3A_994] {strides = array<i32>} : memref<128xi32, #tpu.memory_space<vmem>>, vector<16xi32>,
    %swap3A_996 = vector.shape_cast %swap3A_995 : vector<16xi32> to vector<16xi32>
    %swap3A_997 = vector.shape_cast %shift_right_arithmetic3A_993 : vector<16xi32> to vector<16xi32>
    tpu.vector_store %arg6[%swap3A_994], %swap3A_997 {strides = array<i32>} : memref<128xi32, #tpu.memory_space<vmem>>, vector<16xi32>,
    %get3A_998 = arith.constant 9 : i32
    %get3A_999 = arith.index_cast %get3A_998 : i32 to index
    %get3A_1000 = arith.constant 112 : index
    %get3A_1001 = tpu.vector_load %arg5[%get3A_999, %get3A_1000] {strides = array<i32>} : memref<11x128xi32, #tpu.memory_space<vmem>>, vector<1x16xi32>,
    %get3A_1002 = vector.shape_cast %get3A_1001 : vector<1x16xi32> to vector<16xi32>
    %shift_right_arithmetic3A_1003 = arith.constant 7 : i32
    %shift_right_arithmetic3A_1004 = vector.broadcast %shift_right_arithmetic3A_1003 : i32 to vector<16xi32>
    %shift_right_arithmetic3A_1005 = arith.shrsi %get3A_1002, %shift_right_arithmetic3A_1004 : vector<16xi32>
    %swap3A_1006 = arith.constant 112 : index
    %swap3A_1007 = tpu.vector_load %arg6[%swap3A_1006] {strides = array<i32>} : memref<128xi32, #tpu.memory_space<vmem>>, vector<16xi32>,
    %swap3A_1008 = vector.shape_cast %swap3A_1007 : vector<16xi32> to vector<16xi32>
    %swap3A_1009 = vector.shape_cast %shift_right_arithmetic3A_1005 : vector<16xi32> to vector<16xi32>
    tpu.vector_store %arg6[%swap3A_1006], %swap3A_1009 {strides = array<i32>} : memref<128xi32, #tpu.memory_space<vmem>>, vector<16xi32>,
    %dma_start3A_1010 = arith.constant 0 : i32
    %dma_start3A_1011 = arith.constant 0 : i32
    %dma_start3A_1012 = tpu.memref_slice %arg2[%dma_start3A_1010, %dma_start3A_1011] : memref<130560x128xf32, #tpu.memory_space<hbm>> -> memref<130560x128xf32, #tpu.memory_space<hbm>>
    tpu.enqueue_indirect_dma source(%dma_start3A_1012 : memref<130560x128xf32, #tpu.memory_space<hbm>>) target(%arg7 : memref<128x128xf32, #tpu.memory_space<vmem>>) offsets(%arg6 : memref<128xi32, #tpu.memory_space<vmem>>) semaphore(%arg8 : memref<!tpu.dma_semaphore, #tpu.memory_space<semaphore_mem>>)
    %dma_wait3A_1013 = arith.constant 0 : i32
    %dma_wait3A_1014 = arith.constant 0 : i32
    %dma_wait3A_1015 = tpu.memref_slice %arg2[%dma_wait3A_1013, %dma_wait3A_1014] : memref<130560x128xf32, #tpu.memory_space<hbm>> -> memref<130560x128xf32, #tpu.memory_space<hbm>>
    tpu.wait_indirect_dma semaphore(%arg8 : memref<!tpu.dma_semaphore, #tpu.memory_space<semaphore_mem>>) src(%dma_wait3A_1015 : memref<130560x128xf32, #tpu.memory_space<hbm>>) dst(%arg7 : memref<128x128xf32, #tpu.memory_space<vmem>>)
    "tpu.region"() ({
      %run_scoped3A = tpu.sem_alloc : memref<!tpu.dma_semaphore, #tpu.memory_space<semaphore_mem>>
      %dma_start3A_1118 = arith.constant 1152 : i32
      %dma_start3A_1119 = arith.constant 0 : i32
      %dma_start3A_1120 = tpu.memref_slice %arg4[%add3A, %dma_start3A_1118, %dma_start3A_1119] : memref<32x1408x128xf32, #tpu.memory_space<hbm>> -> memref<1x128x128xf32, #tpu.memory_space<hbm>>
      %dma_start3A_1121 = tpu.memref_squeeze %dma_start3A_1120 : memref<1x128x128xf32, #tpu.memory_space<hbm>> -> memref<128x128xf32, #tpu.memory_space<hbm>>
      %dma_start3A_1122 = arith.constant 1152 : i32
      %dma_start3A_1123 = arith.constant 0 : i32
      %dma_start3A_1124 = tpu.memref_slice %arg4[%add3A, %dma_start3A_1122, %dma_start3A_1123] : memref<32x1408x128xf32, #tpu.memory_space<hbm>> -> memref<1x128x128xf32, #tpu.memory_space<hbm>>
      %dma_start3A_1125 = tpu.memref_squeeze %dma_start3A_1124 : memref<1x128x128xf32, #tpu.memory_space<hbm>> -> memref<128x128xf32, #tpu.memory_space<hbm>>
      tpu.enqueue_dma source(%arg7 : memref<128x128xf32, #tpu.memory_space<vmem>>) target(%dma_start3A_1125 : memref<128x128xf32, #tpu.memory_space<hbm>>) target_semaphore(%run_scoped3A : memref<!tpu.dma_semaphore, #tpu.memory_space<semaphore_mem>>)
      %dma_wait3A_1126 = arith.constant 1152 : i32
      %dma_wait3A_1127 = arith.constant 0 : i32
      %dma_wait3A_1128 = tpu.memref_slice %arg4[%add3A, %dma_wait3A_1126, %dma_wait3A_1127] : memref<32x1408x128xf32, #tpu.memory_space<hbm>> -> memref<1x128x128xf32, #tpu.memory_space<hbm>>
      %dma_wait3A_1129 = tpu.memref_squeeze %dma_wait3A_1128 : memref<1x128x128xf32, #tpu.memory_space<hbm>> -> memref<128x128xf32, #tpu.memory_space<hbm>>
      %dma_wait3A_1130 = arith.constant 1152 : i32
      %dma_wait3A_1131 = arith.constant 0 : i32
      %dma_wait3A_1132 = tpu.memref_slice %arg4[%add3A, %dma_wait3A_1130, %dma_wait3A_1131] : memref<32x1408x128xf32, #tpu.memory_space<hbm>> -> memref<1x128x128xf32, #tpu.memory_space<hbm>>
      %dma_wait3A_1133 = tpu.memref_squeeze %dma_wait3A_1132 : memref<1x128x128xf32, #tpu.memory_space<hbm>> -> memref<128x128xf32, #tpu.memory_space<hbm>>
      tpu.wait_dma2 semaphore(%run_scoped3A : memref<!tpu.dma_semaphore, #tpu.memory_space<semaphore_mem>>) src(%arg7 : memref<128x128xf32, #tpu.memory_space<vmem>>) dst(%dma_wait3A_1133 : memref<128x128xf32, #tpu.memory_space<hbm>>)
      tpu.yield
    }) : () -> ()
    %get3A_1016 = arith.constant 10 : i32
    %get3A_1017 = arith.index_cast %get3A_1016 : i32 to index
    %get3A_1018 = arith.constant 0 : index
    %get3A_1019 = tpu.vector_load %arg5[%get3A_1017, %get3A_1018] {strides = array<i32>} : memref<11x128xi32, #tpu.memory_space<vmem>>, vector<1x16xi32>,
    %get3A_1020 = vector.shape_cast %get3A_1019 : vector<1x16xi32> to vector<16xi32>
    %shift_right_arithmetic3A_1021 = arith.constant 7 : i32
    %shift_right_arithmetic3A_1022 = vector.broadcast %shift_right_arithmetic3A_1021 : i32 to vector<16xi32>
    %shift_right_arithmetic3A_1023 = arith.shrsi %get3A_1020, %shift_right_arithmetic3A_1022 : vector<16xi32>
    %swap3A_1024 = arith.constant 0 : index
    %swap3A_1025 = tpu.vector_load %arg6[%swap3A_1024] {strides = array<i32>} : memref<128xi32, #tpu.memory_space<vmem>>, vector<16xi32>,
    %swap3A_1026 = vector.shape_cast %swap3A_1025 : vector<16xi32> to vector<16xi32>
    %swap3A_1027 = vector.shape_cast %shift_right_arithmetic3A_1023 : vector<16xi32> to vector<16xi32>
    tpu.vector_store %arg6[%swap3A_1024], %swap3A_1027 {strides = array<i32>} : memref<128xi32, #tpu.memory_space<vmem>>, vector<16xi32>,
    %get3A_1028 = arith.constant 10 : i32
    %get3A_1029 = arith.index_cast %get3A_1028 : i32 to index
    %get3A_1030 = arith.constant 16 : index
    %get3A_1031 = tpu.vector_load %arg5[%get3A_1029, %get3A_1030] {strides = array<i32>} : memref<11x128xi32, #tpu.memory_space<vmem>>, vector<1x16xi32>,
    %get3A_1032 = vector.shape_cast %get3A_1031 : vector<1x16xi32> to vector<16xi32>
    %shift_right_arithmetic3A_1033 = arith.constant 7 : i32
    %shift_right_arithmetic3A_1034 = vector.broadcast %shift_right_arithmetic3A_1033 : i32 to vector<16xi32>
    %shift_right_arithmetic3A_1035 = arith.shrsi %get3A_1032, %shift_right_arithmetic3A_1034 : vector<16xi32>
    %swap3A_1036 = arith.constant 16 : index
    %swap3A_1037 = tpu.vector_load %arg6[%swap3A_1036] {strides = array<i32>} : memref<128xi32, #tpu.memory_space<vmem>>, vector<16xi32>,
    %swap3A_1038 = vector.shape_cast %swap3A_1037 : vector<16xi32> to vector<16xi32>
    %swap3A_1039 = vector.shape_cast %shift_right_arithmetic3A_1035 : vector<16xi32> to vector<16xi32>
    tpu.vector_store %arg6[%swap3A_1036], %swap3A_1039 {strides = array<i32>} : memref<128xi32, #tpu.memory_space<vmem>>, vector<16xi32>,
    %get3A_1040 = arith.constant 10 : i32
    %get3A_1041 = arith.index_cast %get3A_1040 : i32 to index
    %get3A_1042 = arith.constant 32 : index
    %get3A_1043 = tpu.vector_load %arg5[%get3A_1041, %get3A_1042] {strides = array<i32>} : memref<11x128xi32, #tpu.memory_space<vmem>>, vector<1x16xi32>,
    %get3A_1044 = vector.shape_cast %get3A_1043 : vector<1x16xi32> to vector<16xi32>
    %shift_right_arithmetic3A_1045 = arith.constant 7 : i32
    %shift_right_arithmetic3A_1046 = vector.broadcast %shift_right_arithmetic3A_1045 : i32 to vector<16xi32>
    %shift_right_arithmetic3A_1047 = arith.shrsi %get3A_1044, %shift_right_arithmetic3A_1046 : vector<16xi32>
    %swap3A_1048 = arith.constant 32 : index
    %swap3A_1049 = tpu.vector_load %arg6[%swap3A_1048] {strides = array<i32>} : memref<128xi32, #tpu.memory_space<vmem>>, vector<16xi32>,
    %swap3A_1050 = vector.shape_cast %swap3A_1049 : vector<16xi32> to vector<16xi32>
    %swap3A_1051 = vector.shape_cast %shift_right_arithmetic3A_1047 : vector<16xi32> to vector<16xi32>
    tpu.vector_store %arg6[%swap3A_1048], %swap3A_1051 {strides = array<i32>} : memref<128xi32, #tpu.memory_space<vmem>>, vector<16xi32>,
    %get3A_1052 = arith.constant 10 : i32
    %get3A_1053 = arith.index_cast %get3A_1052 : i32 to index
    %get3A_1054 = arith.constant 48 : index
    %get3A_1055 = tpu.vector_load %arg5[%get3A_1053, %get3A_1054] {strides = array<i32>} : memref<11x128xi32, #tpu.memory_space<vmem>>, vector<1x16xi32>,
    %get3A_1056 = vector.shape_cast %get3A_1055 : vector<1x16xi32> to vector<16xi32>
    %shift_right_arithmetic3A_1057 = arith.constant 7 : i32
    %shift_right_arithmetic3A_1058 = vector.broadcast %shift_right_arithmetic3A_1057 : i32 to vector<16xi32>
    %shift_right_arithmetic3A_1059 = arith.shrsi %get3A_1056, %shift_right_arithmetic3A_1058 : vector<16xi32>
    %swap3A_1060 = arith.constant 48 : index
    %swap3A_1061 = tpu.vector_load %arg6[%swap3A_1060] {strides = array<i32>} : memref<128xi32, #tpu.memory_space<vmem>>, vector<16xi32>,
    %swap3A_1062 = vector.shape_cast %swap3A_1061 : vector<16xi32> to vector<16xi32>
    %swap3A_1063 = vector.shape_cast %shift_right_arithmetic3A_1059 : vector<16xi32> to vector<16xi32>
    tpu.vector_store %arg6[%swap3A_1060], %swap3A_1063 {strides = array<i32>} : memref<128xi32, #tpu.memory_space<vmem>>, vector<16xi32>,
    %get3A_1064 = arith.constant 10 : i32
    %get3A_1065 = arith.index_cast %get3A_1064 : i32 to index
    %get3A_1066 = arith.constant 64 : index
    %get3A_1067 = tpu.vector_load %arg5[%get3A_1065, %get3A_1066] {strides = array<i32>} : memref<11x128xi32, #tpu.memory_space<vmem>>, vector<1x16xi32>,
    %get3A_1068 = vector.shape_cast %get3A_1067 : vector<1x16xi32> to vector<16xi32>
    %shift_right_arithmetic3A_1069 = arith.constant 7 : i32
    %shift_right_arithmetic3A_1070 = vector.broadcast %shift_right_arithmetic3A_1069 : i32 to vector<16xi32>
    %shift_right_arithmetic3A_1071 = arith.shrsi %get3A_1068, %shift_right_arithmetic3A_1070 : vector<16xi32>
    %swap3A_1072 = arith.constant 64 : index
    %swap3A_1073 = tpu.vector_load %arg6[%swap3A_1072] {strides = array<i32>} : memref<128xi32, #tpu.memory_space<vmem>>, vector<16xi32>,
    %swap3A_1074 = vector.shape_cast %swap3A_1073 : vector<16xi32> to vector<16xi32>
    %swap3A_1075 = vector.shape_cast %shift_right_arithmetic3A_1071 : vector<16xi32> to vector<16xi32>
    tpu.vector_store %arg6[%swap3A_1072], %swap3A_1075 {strides = array<i32>} : memref<128xi32, #tpu.memory_space<vmem>>, vector<16xi32>,
    %get3A_1076 = arith.constant 10 : i32
    %get3A_1077 = arith.index_cast %get3A_1076 : i32 to index
    %get3A_1078 = arith.constant 80 : index
    %get3A_1079 = tpu.vector_load %arg5[%get3A_1077, %get3A_1078] {strides = array<i32>} : memref<11x128xi32, #tpu.memory_space<vmem>>, vector<1x16xi32>,
    %get3A_1080 = vector.shape_cast %get3A_1079 : vector<1x16xi32> to vector<16xi32>
    %shift_right_arithmetic3A_1081 = arith.constant 7 : i32
    %shift_right_arithmetic3A_1082 = vector.broadcast %shift_right_arithmetic3A_1081 : i32 to vector<16xi32>
    %shift_right_arithmetic3A_1083 = arith.shrsi %get3A_1080, %shift_right_arithmetic3A_1082 : vector<16xi32>
    %swap3A_1084 = arith.constant 80 : index
    %swap3A_1085 = tpu.vector_load %arg6[%swap3A_1084] {strides = array<i32>} : memref<128xi32, #tpu.memory_space<vmem>>, vector<16xi32>,
    %swap3A_1086 = vector.shape_cast %swap3A_1085 : vector<16xi32> to vector<16xi32>
    %swap3A_1087 = vector.shape_cast %shift_right_arithmetic3A_1083 : vector<16xi32> to vector<16xi32>
    tpu.vector_store %arg6[%swap3A_1084], %swap3A_1087 {strides = array<i32>} : memref<128xi32, #tpu.memory_space<vmem>>, vector<16xi32>,
    %get3A_1088 = arith.constant 10 : i32
    %get3A_1089 = arith.index_cast %get3A_1088 : i32 to index
    %get3A_1090 = arith.constant 96 : index
    %get3A_1091 = tpu.vector_load %arg5[%get3A_1089, %get3A_1090] {strides = array<i32>} : memref<11x128xi32, #tpu.memory_space<vmem>>, vector<1x16xi32>,
    %get3A_1092 = vector.shape_cast %get3A_1091 : vector<1x16xi32> to vector<16xi32>
    %shift_right_arithmetic3A_1093 = arith.constant 7 : i32
    %shift_right_arithmetic3A_1094 = vector.broadcast %shift_right_arithmetic3A_1093 : i32 to vector<16xi32>
    %shift_right_arithmetic3A_1095 = arith.shrsi %get3A_1092, %shift_right_arithmetic3A_1094 : vector<16xi32>
    %swap3A_1096 = arith.constant 96 : index
    %swap3A_1097 = tpu.vector_load %arg6[%swap3A_1096] {strides = array<i32>} : memref<128xi32, #tpu.memory_space<vmem>>, vector<16xi32>,
    %swap3A_1098 = vector.shape_cast %swap3A_1097 : vector<16xi32> to vector<16xi32>
    %swap3A_1099 = vector.shape_cast %shift_right_arithmetic3A_1095 : vector<16xi32> to vector<16xi32>
    tpu.vector_store %arg6[%swap3A_1096], %swap3A_1099 {strides = array<i32>} : memref<128xi32, #tpu.memory_space<vmem>>, vector<16xi32>,
    %get3A_1100 = arith.constant 10 : i32
    %get3A_1101 = arith.index_cast %get3A_1100 : i32 to index
    %get3A_1102 = arith.constant 112 : index
    %get3A_1103 = tpu.vector_load %arg5[%get3A_1101, %get3A_1102] {strides = array<i32>} : memref<11x128xi32, #tpu.memory_space<vmem>>, vector<1x16xi32>,
    %get3A_1104 = vector.shape_cast %get3A_1103 : vector<1x16xi32> to vector<16xi32>
    %shift_right_arithmetic3A_1105 = arith.constant 7 : i32
    %shift_right_arithmetic3A_1106 = vector.broadcast %shift_right_arithmetic3A_1105 : i32 to vector<16xi32>
    %shift_right_arithmetic3A_1107 = arith.shrsi %get3A_1104, %shift_right_arithmetic3A_1106 : vector<16xi32>
    %swap3A_1108 = arith.constant 112 : index
    %swap3A_1109 = tpu.vector_load %arg6[%swap3A_1108] {strides = array<i32>} : memref<128xi32, #tpu.memory_space<vmem>>, vector<16xi32>,
    %swap3A_1110 = vector.shape_cast %swap3A_1109 : vector<16xi32> to vector<16xi32>
    %swap3A_1111 = vector.shape_cast %shift_right_arithmetic3A_1107 : vector<16xi32> to vector<16xi32>
    tpu.vector_store %arg6[%swap3A_1108], %swap3A_1111 {strides = array<i32>} : memref<128xi32, #tpu.memory_space<vmem>>, vector<16xi32>,
    %dma_start3A_1112 = arith.constant 0 : i32
    %dma_start3A_1113 = arith.constant 0 : i32
    %dma_start3A_1114 = tpu.memref_slice %arg2[%dma_start3A_1112, %dma_start3A_1113] : memref<130560x128xf32, #tpu.memory_space<hbm>> -> memref<130560x128xf32, #tpu.memory_space<hbm>>
    tpu.enqueue_indirect_dma source(%dma_start3A_1114 : memref<130560x128xf32, #tpu.memory_space<hbm>>) target(%arg7 : memref<128x128xf32, #tpu.memory_space<vmem>>) offsets(%arg6 : memref<128xi32, #tpu.memory_space<vmem>>) semaphore(%arg8 : memref<!tpu.dma_semaphore, #tpu.memory_space<semaphore_mem>>)
    %dma_wait3A_1115 = arith.constant 0 : i32
    %dma_wait3A_1116 = arith.constant 0 : i32
    %dma_wait3A_1117 = tpu.memref_slice %arg2[%dma_wait3A_1115, %dma_wait3A_1116] : memref<130560x128xf32, #tpu.memory_space<hbm>> -> memref<130560x128xf32, #tpu.memory_space<hbm>>
    tpu.wait_indirect_dma semaphore(%arg8 : memref<!tpu.dma_semaphore, #tpu.memory_space<semaphore_mem>>) src(%dma_wait3A_1117 : memref<130560x128xf32, #tpu.memory_space<hbm>>) dst(%arg7 : memref<128x128xf32, #tpu.memory_space<vmem>>)
    "tpu.region"() ({
      %run_scoped3A = tpu.sem_alloc : memref<!tpu.dma_semaphore, #tpu.memory_space<semaphore_mem>>
      %dma_start3A_1118 = arith.constant 1280 : i32
      %dma_start3A_1119 = arith.constant 0 : i32
      %dma_start3A_1120 = tpu.memref_slice %arg4[%add3A, %dma_start3A_1118, %dma_start3A_1119] : memref<32x1408x128xf32, #tpu.memory_space<hbm>> -> memref<1x128x128xf32, #tpu.memory_space<hbm>>
      %dma_start3A_1121 = tpu.memref_squeeze %dma_start3A_1120 : memref<1x128x128xf32, #tpu.memory_space<hbm>> -> memref<128x128xf32, #tpu.memory_space<hbm>>
      %dma_start3A_1122 = arith.constant 1280 : i32
      %dma_start3A_1123 = arith.constant 0 : i32
      %dma_start3A_1124 = tpu.memref_slice %arg4[%add3A, %dma_start3A_1122, %dma_start3A_1123] : memref<32x1408x128xf32, #tpu.memory_space<hbm>> -> memref<1x128x128xf32, #tpu.memory_space<hbm>>
      %dma_start3A_1125 = tpu.memref_squeeze %dma_start3A_1124 : memref<1x128x128xf32, #tpu.memory_space<hbm>> -> memref<128x128xf32, #tpu.memory_space<hbm>>
      tpu.enqueue_dma source(%arg7 : memref<128x128xf32, #tpu.memory_space<vmem>>) target(%dma_start3A_1125 : memref<128x128xf32, #tpu.memory_space<hbm>>) target_semaphore(%run_scoped3A : memref<!tpu.dma_semaphore, #tpu.memory_space<semaphore_mem>>)
      %dma_wait3A_1126 = arith.constant 1280 : i32
      %dma_wait3A_1127 = arith.constant 0 : i32
      %dma_wait3A_1128 = tpu.memref_slice %arg4[%add3A, %dma_wait3A_1126, %dma_wait3A_1127] : memref<32x1408x128xf32, #tpu.memory_space<hbm>> -> memref<1x128x128xf32, #tpu.memory_space<hbm>>
      %dma_wait3A_1129 = tpu.memref_squeeze %dma_wait3A_1128 : memref<1x128x128xf32, #tpu.memory_space<hbm>> -> memref<128x128xf32, #tpu.memory_space<hbm>>
      %dma_wait3A_1130 = arith.constant 1280 : i32
      %dma_wait3A_1131 = arith.constant 0 : i32
      %dma_wait3A_1132 = tpu.memref_slice %arg4[%add3A, %dma_wait3A_1130, %dma_wait3A_1131] : memref<32x1408x128xf32, #tpu.memory_space<hbm>> -> memref<1x128x128xf32, #tpu.memory_space<hbm>>
      %dma_wait3A_1133 = tpu.memref_squeeze %dma_wait3A_1132 : memref<1x128x128xf32, #tpu.memory_space<hbm>> -> memref<128x128xf32, #tpu.memory_space<hbm>>
      tpu.wait_dma2 semaphore(%run_scoped3A : memref<!tpu.dma_semaphore, #tpu.memory_space<semaphore_mem>>) src(%arg7 : memref<128x128xf32, #tpu.memory_space<vmem>>) dst(%dma_wait3A_1133 : memref<128x128xf32, #tpu.memory_space<hbm>>)
      tpu.yield
    }) : () -> ()
    return
  }
}

module attributes {stable_mosaic.version = 14 : i64} {
  func.func @_target_body(%arg0: memref<512x6xf32, #tpu.memory_space<vmem>>, %arg1: memref<3x2xf32, #tpu.memory_space<vmem>>, %arg2: memref<512x88xi32, #tpu.memory_space<vmem>>, %arg3: memref<512x88xf32, #tpu.memory_space<vmem>>) attributes {dimension_semantics = [], scalar_prefetch = 0 : i64, scratch_operands = 0 : i64, tpu.core_type = #tpu.core_type<tc>} {
    %get3A = arith.constant 0 : index
    %get3A_0 = arith.constant 0 : index
    %get3A_1 = vector.load %arg0[%get3A, %get3A_0] : memref<512x6xf32, #tpu.memory_space<vmem>>, vector<512x6xf32>
    %slice3A = vector.extract_strided_slice %get3A_1 {offsets = [0, 0], sizes = [512, 1], strides = [1, 1]} : vector<512x6xf32> to vector<512x1xf32>
    %slice3A_2 = vector.extract_strided_slice %get3A_1 {offsets = [0, 1], sizes = [512, 1], strides = [1, 1]} : vector<512x6xf32> to vector<512x1xf32>
    %slice3A_3 = vector.extract_strided_slice %get3A_1 {offsets = [0, 2], sizes = [512, 1], strides = [1, 1]} : vector<512x6xf32> to vector<512x1xf32>
    %mul3A = arith.constant 6.400000e+01 : f32
    %mul3A_4 = vector.broadcast %mul3A : f32 to vector<512x1xf32>
    %mul3A_5 = arith.mulf %slice3A_3, %mul3A_4 : vector<512x1xf32>
    %slice3A_6 = vector.extract_strided_slice %get3A_1 {offsets = [0, 3], sizes = [512, 1], strides = [1, 1]} : vector<512x6xf32> to vector<512x1xf32>
    %mul3A_7 = arith.constant 6.400000e+01 : f32
    %mul3A_8 = vector.broadcast %mul3A_7 : f32 to vector<512x1xf32>
    %mul3A_9 = arith.mulf %slice3A_6, %mul3A_8 : vector<512x1xf32>
    %slice3A_10 = vector.extract_strided_slice %get3A_1 {offsets = [0, 4], sizes = [512, 1], strides = [1, 1]} : vector<512x6xf32> to vector<512x1xf32>
    %mul3A_11 = arith.constant 6.400000e+01 : f32
    %mul3A_12 = vector.broadcast %mul3A_11 : f32 to vector<512x1xf32>
    %mul3A_13 = arith.mulf %slice3A_10, %mul3A_12 : vector<512x1xf32>
    %slice3A_14 = vector.extract_strided_slice %get3A_1 {offsets = [0, 5], sizes = [512, 1], strides = [1, 1]} : vector<512x6xf32> to vector<512x1xf32>
    %mul3A_15 = arith.constant 6.400000e+01 : f32
    %mul3A_16 = vector.broadcast %mul3A_15 : f32 to vector<512x1xf32>
    %mul3A_17 = arith.mulf %slice3A_14, %mul3A_16 : vector<512x1xf32>
    %get3A_18 = arith.constant 0 : index
    %get3A_19 = arith.constant 0 : index
    %get3A_20 = vector.load %arg1[%get3A_18, %get3A_19] : memref<3x2xf32, #tpu.memory_space<vmem>>, vector<1x1xf32>
    %div3A = arith.constant 8.000000e+00 : f32
    %div3A_21 = vector.broadcast %div3A : f32 to vector<1x1xf32>
    %div3A_22 = arith.divf %get3A_20, %div3A_21 : vector<1x1xf32>
    %get3A_23 = arith.constant 1 : index
    %get3A_24 = arith.constant 0 : index
    %get3A_25 = vector.load %arg1[%get3A_23, %get3A_24] : memref<3x2xf32, #tpu.memory_space<vmem>>, vector<1x1xf32>
    %div3A_26 = arith.constant 8.000000e+00 : f32
    %div3A_27 = vector.broadcast %div3A_26 : f32 to vector<1x1xf32>
    %div3A_28 = arith.divf %get3A_25, %div3A_27 : vector<1x1xf32>
    %get3A_29 = arith.constant 2 : index
    %get3A_30 = arith.constant 0 : index
    %get3A_31 = vector.load %arg1[%get3A_29, %get3A_30] : memref<3x2xf32, #tpu.memory_space<vmem>>, vector<1x1xf32>
    %div3A_32 = arith.constant 8.000000e+00 : f32
    %div3A_33 = vector.broadcast %div3A_32 : f32 to vector<1x1xf32>
    %div3A_34 = arith.divf %get3A_31, %div3A_33 : vector<1x1xf32>
    %get3A_35 = arith.constant 0 : index
    %get3A_36 = arith.constant 1 : index
    %get3A_37 = vector.load %arg1[%get3A_35, %get3A_36] : memref<3x2xf32, #tpu.memory_space<vmem>>, vector<1x1xf32>
    %div3A_38 = arith.constant 8.000000e+00 : f32
    %div3A_39 = vector.broadcast %div3A_38 : f32 to vector<1x1xf32>
    %div3A_40 = arith.divf %get3A_37, %div3A_39 : vector<1x1xf32>
    %get3A_41 = arith.constant 1 : index
    %get3A_42 = arith.constant 1 : index
    %get3A_43 = vector.load %arg1[%get3A_41, %get3A_42] : memref<3x2xf32, #tpu.memory_space<vmem>>, vector<1x1xf32>
    %div3A_44 = arith.constant 8.000000e+00 : f32
    %div3A_45 = vector.broadcast %div3A_44 : f32 to vector<1x1xf32>
    %div3A_46 = arith.divf %get3A_43, %div3A_45 : vector<1x1xf32>
    %get3A_47 = arith.constant 2 : index
    %get3A_48 = arith.constant 1 : index
    %get3A_49 = vector.load %arg1[%get3A_47, %get3A_48] : memref<3x2xf32, #tpu.memory_space<vmem>>, vector<1x1xf32>
    %div3A_50 = arith.constant 8.000000e+00 : f32
    %div3A_51 = vector.broadcast %div3A_50 : f32 to vector<1x1xf32>
    %div3A_52 = arith.divf %get3A_49, %div3A_51 : vector<1x1xf32>
    %min3A = vector.broadcast %div3A_22 : vector<1x1xf32> to vector<512x1xf32>
    %min3A_53 = arith.minimumf %min3A, %mul3A_13 : vector<512x1xf32>
    %min3A_54 = vector.broadcast %div3A_40 : vector<1x1xf32> to vector<512x1xf32>
    %min3A_55 = arith.minimumf %min3A_54, %mul3A_17 : vector<512x1xf32>
    %mul3A_56 = arith.mulf %min3A_53, %min3A_55 : vector<512x1xf32>
    %mul3A_57 = arith.mulf %div3A_22, %div3A_40 : vector<1x1xf32>
    %add3A = arith.constant 1.000000e-16 : f32
    %add3A_58 = vector.broadcast %add3A : f32 to vector<1x1xf32>
    %add3A_59 = arith.addf %mul3A_57, %add3A_58 : vector<1x1xf32>
    %mul3A_60 = arith.mulf %mul3A_13, %mul3A_17 : vector<512x1xf32>
    %add3A_61 = vector.broadcast %add3A_59 : vector<1x1xf32> to vector<512x1xf32>
    %add3A_62 = arith.addf %add3A_61, %mul3A_60 : vector<512x1xf32>
    %sub3A = arith.subf %add3A_62, %mul3A_56 : vector<512x1xf32>
    %div3A_63 = arith.divf %mul3A_56, %sub3A : vector<512x1xf32>
    %min3A_64 = vector.broadcast %div3A_28 : vector<1x1xf32> to vector<512x1xf32>
    %min3A_65 = arith.minimumf %min3A_64, %mul3A_13 : vector<512x1xf32>
    %min3A_66 = vector.broadcast %div3A_46 : vector<1x1xf32> to vector<512x1xf32>
    %min3A_67 = arith.minimumf %min3A_66, %mul3A_17 : vector<512x1xf32>
    %mul3A_68 = arith.mulf %min3A_65, %min3A_67 : vector<512x1xf32>
    %mul3A_69 = arith.mulf %div3A_28, %div3A_46 : vector<1x1xf32>
    %add3A_70 = arith.constant 1.000000e-16 : f32
    %add3A_71 = vector.broadcast %add3A_70 : f32 to vector<1x1xf32>
    %add3A_72 = arith.addf %mul3A_69, %add3A_71 : vector<1x1xf32>
    %mul3A_73 = arith.mulf %mul3A_13, %mul3A_17 : vector<512x1xf32>
    %add3A_74 = vector.broadcast %add3A_72 : vector<1x1xf32> to vector<512x1xf32>
    %add3A_75 = arith.addf %add3A_74, %mul3A_73 : vector<512x1xf32>
    %sub3A_76 = arith.subf %add3A_75, %mul3A_68 : vector<512x1xf32>
    %div3A_77 = arith.divf %mul3A_68, %sub3A_76 : vector<512x1xf32>
    %min3A_78 = vector.broadcast %div3A_34 : vector<1x1xf32> to vector<512x1xf32>
    %min3A_79 = arith.minimumf %min3A_78, %mul3A_13 : vector<512x1xf32>
    %min3A_80 = vector.broadcast %div3A_52 : vector<1x1xf32> to vector<512x1xf32>
    %min3A_81 = arith.minimumf %min3A_80, %mul3A_17 : vector<512x1xf32>
    %mul3A_82 = arith.mulf %min3A_79, %min3A_81 : vector<512x1xf32>
    %mul3A_83 = arith.mulf %div3A_34, %div3A_52 : vector<1x1xf32>
    %add3A_84 = arith.constant 1.000000e-16 : f32
    %add3A_85 = vector.broadcast %add3A_84 : f32 to vector<1x1xf32>
    %add3A_86 = arith.addf %mul3A_83, %add3A_85 : vector<1x1xf32>
    %mul3A_87 = arith.mulf %mul3A_13, %mul3A_17 : vector<512x1xf32>
    %add3A_88 = vector.broadcast %add3A_86 : vector<1x1xf32> to vector<512x1xf32>
    %add3A_89 = arith.addf %add3A_88, %mul3A_87 : vector<512x1xf32>
    %sub3A_90 = arith.subf %add3A_89, %mul3A_82 : vector<512x1xf32>
    %div3A_91 = arith.divf %mul3A_82, %sub3A_90 : vector<512x1xf32>
    %max3A = arith.maximumf %div3A_63, %div3A_77 : vector<512x1xf32>
    %gt3A = arith.cmpf ogt, %div3A_91, %max3A : vector<512x1xf32>
    %gt3A_92 = arith.cmpf ogt, %div3A_77, %div3A_63 : vector<512x1xf32>
    %jit3A = arith.constant 1.000000e+00 : f32
    %jit3A_93 = arith.constant 0.000000e+00 : f32
    %broadcast_in_dim3A = vector.broadcast %jit3A : f32 to vector<512x1xf32>
    %broadcast_in_dim3A_94 = vector.broadcast %jit3A_93 : f32 to vector<512x1xf32>
    %select_n3A = arith.select %gt3A_92, %broadcast_in_dim3A, %broadcast_in_dim3A_94 : vector<512x1xi1>, vector<512x1xf32>
    %jit3A_95 = arith.constant 2.000000e+00 : f32
    %broadcast_in_dim3A_96 = vector.broadcast %jit3A_95 : f32 to vector<512x1xf32>
    %select_n3A_97 = arith.select %gt3A, %broadcast_in_dim3A_96, %select_n3A : vector<512x1xi1>, vector<512x1xf32>
    %convert_element_type3A = arith.fptosi %select_n3A_97 : vector<512x1xf32> to vector<512x1xi32>
    %eq3A = arith.constant 0 : i32
    %eq3A_98 = vector.broadcast %eq3A : i32 to vector<512x1xi32>
    %eq3A_99 = arith.cmpi eq, %convert_element_type3A, %eq3A_98 : vector<512x1xi32>
    %eq3A_100 = arith.constant 1 : i32
    %eq3A_101 = vector.broadcast %eq3A_100 : i32 to vector<512x1xi32>
    %eq3A_102 = arith.cmpi eq, %convert_element_type3A, %eq3A_101 : vector<512x1xi32>
    %broadcast_in_dim3A_103 = vector.shape_cast %div3A_28 : vector<1x1xf32> to vector<1x1xf32>
    %broadcast_in_dim3A_104 = vector.broadcast %broadcast_in_dim3A_103 : vector<1x1xf32> to vector<512x1xf32>
    %broadcast_in_dim3A_105 = vector.shape_cast %div3A_34 : vector<1x1xf32> to vector<1x1xf32>
    %broadcast_in_dim3A_106 = vector.broadcast %broadcast_in_dim3A_105 : vector<1x1xf32> to vector<512x1xf32>
    %select_n3A_107 = arith.select %eq3A_102, %broadcast_in_dim3A_104, %broadcast_in_dim3A_106 : vector<512x1xi1>, vector<512x1xf32>
    %broadcast_in_dim3A_108 = vector.shape_cast %div3A_22 : vector<1x1xf32> to vector<1x1xf32>
    %broadcast_in_dim3A_109 = vector.broadcast %broadcast_in_dim3A_108 : vector<1x1xf32> to vector<512x1xf32>
    %select_n3A_110 = arith.select %eq3A_99, %broadcast_in_dim3A_109, %select_n3A_107 : vector<512x1xi1>, vector<512x1xf32>
    %eq3A_111 = arith.constant 0 : i32
    %eq3A_112 = vector.broadcast %eq3A_111 : i32 to vector<512x1xi32>
    %eq3A_113 = arith.cmpi eq, %convert_element_type3A, %eq3A_112 : vector<512x1xi32>
    %eq3A_114 = arith.constant 1 : i32
    %eq3A_115 = vector.broadcast %eq3A_114 : i32 to vector<512x1xi32>
    %eq3A_116 = arith.cmpi eq, %convert_element_type3A, %eq3A_115 : vector<512x1xi32>
    %broadcast_in_dim3A_117 = vector.shape_cast %div3A_46 : vector<1x1xf32> to vector<1x1xf32>
    %broadcast_in_dim3A_118 = vector.broadcast %broadcast_in_dim3A_117 : vector<1x1xf32> to vector<512x1xf32>
    %broadcast_in_dim3A_119 = vector.shape_cast %div3A_52 : vector<1x1xf32> to vector<1x1xf32>
    %broadcast_in_dim3A_120 = vector.broadcast %broadcast_in_dim3A_119 : vector<1x1xf32> to vector<512x1xf32>
    %select_n3A_121 = arith.select %eq3A_116, %broadcast_in_dim3A_118, %broadcast_in_dim3A_120 : vector<512x1xi1>, vector<512x1xf32>
    %broadcast_in_dim3A_122 = vector.shape_cast %div3A_40 : vector<1x1xf32> to vector<1x1xf32>
    %broadcast_in_dim3A_123 = vector.broadcast %broadcast_in_dim3A_122 : vector<1x1xf32> to vector<512x1xf32>
    %select_n3A_124 = arith.select %eq3A_113, %broadcast_in_dim3A_123, %select_n3A_121 : vector<512x1xi1>, vector<512x1xf32>
    %floor3A = math.floor %mul3A_5 : vector<512x1xf32>
    %floor3A_125 = math.floor %mul3A_9 : vector<512x1xf32>
    %sub3A_126 = arith.subf %mul3A_5, %floor3A : vector<512x1xf32>
    %sub3A_127 = arith.subf %mul3A_9, %floor3A_125 : vector<512x1xf32>
    %div3A_128 = arith.divf %mul3A_13, %select_n3A_110 : vector<512x1xf32>
    %add3A_129 = arith.constant 1.000000e-16 : f32
    %add3A_130 = vector.broadcast %add3A_129 : f32 to vector<512x1xf32>
    %add3A_131 = arith.addf %div3A_128, %add3A_130 : vector<512x1xf32>
    %log3A = math.log %add3A_131 : vector<512x1xf32>
    %div3A_132 = arith.divf %mul3A_17, %select_n3A_124 : vector<512x1xf32>
    %add3A_133 = arith.constant 1.000000e-16 : f32
    %add3A_134 = vector.broadcast %add3A_133 : f32 to vector<512x1xf32>
    %add3A_135 = arith.addf %div3A_132, %add3A_134 : vector<512x1xf32>
    %log3A_136 = math.log %add3A_135 : vector<512x1xf32>
    %convert_element_type3A_137 = arith.fptosi %slice3A : vector<512x1xf32> to vector<512x1xi32>
    %convert_element_type3A_138 = arith.fptosi %slice3A_2 : vector<512x1xf32> to vector<512x1xi32>
    %convert_element_type3A_139 = arith.fptosi %floor3A : vector<512x1xf32> to vector<512x1xi32>
    %convert_element_type3A_140 = arith.fptosi %floor3A_125 : vector<512x1xf32> to vector<512x1xi32>
    %iota3A = tpu.iota {dimensions = array<i32: 0>} : vector<512x512xi32>
    %iota3A_141 = tpu.iota {dimensions = array<i32: 1>} : vector<512x512xi32>
    %eq3A_142 = arith.cmpi eq, %iota3A, %iota3A_141 : vector<512x512xi32>
    %convert_element_type3A_143 = arith.extui %eq3A_142 : vector<512x512xi1> to vector<512x512xi32>
    %convert_element_type3A_144 = arith.sitofp %convert_element_type3A_143 : vector<512x512xi32> to vector<512x512xf32>
    %iota3A_145 = tpu.iota {dimensions = array<i32: 0>} : vector<512x512xi32>
    %iota3A_146 = tpu.iota {dimensions = array<i32: 1>} : vector<512x512xi32>
    %mul3A_147 = arith.constant 3 : i32
    %mul3A_148 = vector.broadcast %mul3A_147 : i32 to vector<512x1xi32>
    %mul3A_149 = arith.muli %convert_element_type3A_137, %mul3A_148 : vector<512x1xi32>
    %add3A_150 = arith.addi %mul3A_149, %convert_element_type3A : vector<512x1xi32>
    %mul3A_151 = arith.constant 64 : i32
    %mul3A_152 = vector.broadcast %mul3A_151 : i32 to vector<512x1xi32>
    %mul3A_153 = arith.muli %add3A_150, %mul3A_152 : vector<512x1xi32>
    %add3A_154 = arith.addi %mul3A_153, %convert_element_type3A_140 : vector<512x1xi32>
    %mul3A_155 = arith.constant 64 : i32
    %mul3A_156 = vector.broadcast %mul3A_155 : i32 to vector<512x1xi32>
    %mul3A_157 = arith.muli %add3A_154, %mul3A_156 : vector<512x1xi32>
    %add3A_158 = arith.addi %mul3A_157, %convert_element_type3A_139 : vector<512x1xi32>
    %convert_element_type3A_159 = arith.sitofp %add3A_158 : vector<512x1xi32> to vector<512x1xf32>
    %dot_general3A = arith.constant dense<0.000000e+00> : vector<1x512xf32>
    %dot_general3A_160 = tpu.matmul %convert_element_type3A_159, %convert_element_type3A_144, %dot_general3A {dimension_numbers = #tpu.dot_dimension_numbers<[0], [0], [1], [1], [0, 1, 1, 1], [], []>, precision = #tpu.contract_precision<fp32>, transpose_lhs_hint = false} : vector<512x1xf32>, vector<512x512xf32>, vector<1x512xf32> -> vector<1x512xf32>
    %eq3A_161 = vector.broadcast %convert_element_type3A_159 : vector<512x1xf32> to vector<512x512xf32>
    %eq3A_162 = vector.broadcast %dot_general3A_160 : vector<1x512xf32> to vector<512x512xf32>
    %eq3A_163 = arith.cmpf oeq, %eq3A_161, %eq3A_162 : vector<512x512xf32>
    %gt3A_164 = arith.cmpi sgt, %iota3A_146, %iota3A_145 : vector<512x512xi32>
    %and3A = arith.andi %eq3A_163, %gt3A_164 : vector<512x512xi1>
    %jit3A_165 = arith.constant 1.000000e+00 : f32
    %jit3A_166 = arith.constant 0.000000e+00 : f32
    %broadcast_in_dim3A_167 = vector.broadcast %jit3A_165 : f32 to vector<512x512xf32>
    %broadcast_in_dim3A_168 = vector.broadcast %jit3A_166 : f32 to vector<512x512xf32>
    %select_n3A_169 = arith.select %and3A, %broadcast_in_dim3A_167, %broadcast_in_dim3A_168 : vector<512x512xi1>, vector<512x512xf32>
    %reduce_max3A = arith.constant dense<0xFF800000> : vector<512xf32>
    %reduce_max3A_170 = vector.multi_reduction <maximumf>, %select_n3A_169, %reduce_max3A [1] : vector<512x512xf32> to vector<512xf32>
    %broadcast_in_dim3A_171 = vector.shape_cast %reduce_max3A_170 : vector<512xf32> to vector<512x1xf32>
    %sub3A_172 = arith.constant 1.000000e+00 : f32
    %sub3A_173 = vector.broadcast %sub3A_172 : f32 to vector<512x1xf32>
    %sub3A_174 = arith.subf %sub3A_173, %broadcast_in_dim3A_171 : vector<512x1xf32>
    %mul3A_175 = arith.constant 3 : i32
    %mul3A_176 = vector.broadcast %mul3A_175 : i32 to vector<512x1xi32>
    %mul3A_177 = arith.muli %convert_element_type3A_137, %mul3A_176 : vector<512x1xi32>
    %add3A_178 = arith.constant 0 : i32
    %add3A_179 = vector.broadcast %add3A_178 : i32 to vector<512x1xi32>
    %add3A_180 = arith.addi %mul3A_177, %add3A_179 : vector<512x1xi32>
    %mul3A_181 = arith.constant 64 : i32
    %mul3A_182 = vector.broadcast %mul3A_181 : i32 to vector<512x1xi32>
    %mul3A_183 = arith.muli %add3A_180, %mul3A_182 : vector<512x1xi32>
    %add3A_184 = arith.addi %mul3A_183, %convert_element_type3A_140 : vector<512x1xi32>
    %mul3A_185 = arith.constant 64 : i32
    %mul3A_186 = vector.broadcast %mul3A_185 : i32 to vector<512x1xi32>
    %mul3A_187 = arith.muli %add3A_184, %mul3A_186 : vector<512x1xi32>
    %add3A_188 = arith.addi %mul3A_187, %convert_element_type3A_139 : vector<512x1xi32>
    %convert_element_type3A_189 = arith.sitofp %add3A_188 : vector<512x1xi32> to vector<512x1xf32>
    %mul3A_190 = arith.constant 3 : i32
    %mul3A_191 = vector.broadcast %mul3A_190 : i32 to vector<512x1xi32>
    %mul3A_192 = arith.muli %convert_element_type3A_137, %mul3A_191 : vector<512x1xi32>
    %add3A_193 = arith.constant 1 : i32
    %add3A_194 = vector.broadcast %add3A_193 : i32 to vector<512x1xi32>
    %add3A_195 = arith.addi %mul3A_192, %add3A_194 : vector<512x1xi32>
    %mul3A_196 = arith.constant 64 : i32
    %mul3A_197 = vector.broadcast %mul3A_196 : i32 to vector<512x1xi32>
    %mul3A_198 = arith.muli %add3A_195, %mul3A_197 : vector<512x1xi32>
    %add3A_199 = arith.addi %mul3A_198, %convert_element_type3A_140 : vector<512x1xi32>
    %mul3A_200 = arith.constant 64 : i32
    %mul3A_201 = vector.broadcast %mul3A_200 : i32 to vector<512x1xi32>
    %mul3A_202 = arith.muli %add3A_199, %mul3A_201 : vector<512x1xi32>
    %add3A_203 = arith.addi %mul3A_202, %convert_element_type3A_139 : vector<512x1xi32>
    %convert_element_type3A_204 = arith.sitofp %add3A_203 : vector<512x1xi32> to vector<512x1xf32>
    %mul3A_205 = arith.constant 3 : i32
    %mul3A_206 = vector.broadcast %mul3A_205 : i32 to vector<512x1xi32>
    %mul3A_207 = arith.muli %convert_element_type3A_137, %mul3A_206 : vector<512x1xi32>
    %add3A_208 = arith.constant 2 : i32
    %add3A_209 = vector.broadcast %add3A_208 : i32 to vector<512x1xi32>
    %add3A_210 = arith.addi %mul3A_207, %add3A_209 : vector<512x1xi32>
    %mul3A_211 = arith.constant 64 : i32
    %mul3A_212 = vector.broadcast %mul3A_211 : i32 to vector<512x1xi32>
    %mul3A_213 = arith.muli %add3A_210, %mul3A_212 : vector<512x1xi32>
    %add3A_214 = arith.addi %mul3A_213, %convert_element_type3A_140 : vector<512x1xi32>
    %mul3A_215 = arith.constant 64 : i32
    %mul3A_216 = vector.broadcast %mul3A_215 : i32 to vector<512x1xi32>
    %mul3A_217 = arith.muli %add3A_214, %mul3A_216 : vector<512x1xi32>
    %add3A_218 = arith.addi %mul3A_217, %convert_element_type3A_139 : vector<512x1xi32>
    %convert_element_type3A_219 = arith.sitofp %add3A_218 : vector<512x1xi32> to vector<512x1xf32>
    %eq3A_220 = arith.constant 0 : i32
    %eq3A_221 = vector.broadcast %eq3A_220 : i32 to vector<512x1xi32>
    %eq3A_222 = arith.cmpi eq, %convert_element_type3A, %eq3A_221 : vector<512x1xi32>
    %gt3A_223 = arith.constant 5.000000e-01 : f32
    %gt3A_224 = vector.broadcast %gt3A_223 : f32 to vector<512x1xf32>
    %gt3A_225 = arith.cmpf ogt, %div3A_63, %gt3A_224 : vector<512x1xf32>
    %or3A = arith.ori %eq3A_222, %gt3A_225 : vector<512x1xi1>
    %jit3A_226 = arith.constant 1.000000e+00 : f32
    %jit3A_227 = arith.constant 0.000000e+00 : f32
    %broadcast_in_dim3A_228 = vector.broadcast %jit3A_226 : f32 to vector<512x1xf32>
    %broadcast_in_dim3A_229 = vector.broadcast %jit3A_227 : f32 to vector<512x1xf32>
    %select_n3A_230 = arith.select %or3A, %broadcast_in_dim3A_228, %broadcast_in_dim3A_229 : vector<512x1xi1>, vector<512x1xf32>
    %eq3A_231 = arith.constant 1 : i32
    %eq3A_232 = vector.broadcast %eq3A_231 : i32 to vector<512x1xi32>
    %eq3A_233 = arith.cmpi eq, %convert_element_type3A, %eq3A_232 : vector<512x1xi32>
    %gt3A_234 = arith.constant 5.000000e-01 : f32
    %gt3A_235 = vector.broadcast %gt3A_234 : f32 to vector<512x1xf32>
    %gt3A_236 = arith.cmpf ogt, %div3A_77, %gt3A_235 : vector<512x1xf32>
    %or3A_237 = arith.ori %eq3A_233, %gt3A_236 : vector<512x1xi1>
    %jit3A_238 = arith.constant 1.000000e+00 : f32
    %jit3A_239 = arith.constant 0.000000e+00 : f32
    %broadcast_in_dim3A_240 = vector.broadcast %jit3A_238 : f32 to vector<512x1xf32>
    %broadcast_in_dim3A_241 = vector.broadcast %jit3A_239 : f32 to vector<512x1xf32>
    %select_n3A_242 = arith.select %or3A_237, %broadcast_in_dim3A_240, %broadcast_in_dim3A_241 : vector<512x1xi1>, vector<512x1xf32>
    %eq3A_243 = arith.constant 2 : i32
    %eq3A_244 = vector.broadcast %eq3A_243 : i32 to vector<512x1xi32>
    %eq3A_245 = arith.cmpi eq, %convert_element_type3A, %eq3A_244 : vector<512x1xi32>
    %gt3A_246 = arith.constant 5.000000e-01 : f32
    %gt3A_247 = vector.broadcast %gt3A_246 : f32 to vector<512x1xf32>
    %gt3A_248 = arith.cmpf ogt, %div3A_91, %gt3A_247 : vector<512x1xf32>
    %or3A_249 = arith.ori %eq3A_245, %gt3A_248 : vector<512x1xi1>
    %jit3A_250 = arith.constant 1.000000e+00 : f32
    %jit3A_251 = arith.constant 0.000000e+00 : f32
    %broadcast_in_dim3A_252 = vector.broadcast %jit3A_250 : f32 to vector<512x1xf32>
    %broadcast_in_dim3A_253 = vector.broadcast %jit3A_251 : f32 to vector<512x1xf32>
    %select_n3A_254 = arith.select %or3A_249, %broadcast_in_dim3A_252, %broadcast_in_dim3A_253 : vector<512x1xi1>, vector<512x1xf32>
    %dot_general3A_255 = arith.constant dense<0.000000e+00> : vector<1x512xf32>
    %dot_general3A_256 = tpu.matmul %convert_element_type3A_189, %convert_element_type3A_144, %dot_general3A_255 {dimension_numbers = #tpu.dot_dimension_numbers<[0], [0], [1], [1], [0, 1, 1, 1], [], []>, precision = #tpu.contract_precision<fp32>, transpose_lhs_hint = false} : vector<512x1xf32>, vector<512x512xf32>, vector<1x512xf32> -> vector<1x512xf32>
    %dot_general3A_257 = arith.constant dense<0.000000e+00> : vector<1x512xf32>
    %dot_general3A_258 = tpu.matmul %convert_element_type3A_204, %convert_element_type3A_144, %dot_general3A_257 {dimension_numbers = #tpu.dot_dimension_numbers<[0], [0], [1], [1], [0, 1, 1, 1], [], []>, precision = #tpu.contract_precision<fp32>, transpose_lhs_hint = false} : vector<512x1xf32>, vector<512x512xf32>, vector<1x512xf32> -> vector<1x512xf32>
    %dot_general3A_259 = arith.constant dense<0.000000e+00> : vector<1x512xf32>
    %dot_general3A_260 = tpu.matmul %convert_element_type3A_219, %convert_element_type3A_144, %dot_general3A_259 {dimension_numbers = #tpu.dot_dimension_numbers<[0], [0], [1], [1], [0, 1, 1, 1], [], []>, precision = #tpu.contract_precision<fp32>, transpose_lhs_hint = false} : vector<512x1xf32>, vector<512x512xf32>, vector<1x512xf32> -> vector<1x512xf32>
    %dot_general3A_261 = arith.constant dense<0.000000e+00> : vector<1x512xf32>
    %dot_general3A_262 = tpu.matmul %select_n3A_230, %convert_element_type3A_144, %dot_general3A_261 {dimension_numbers = #tpu.dot_dimension_numbers<[0], [0], [1], [1], [0, 1, 1, 1], [], []>, precision = #tpu.contract_precision<fp32>, transpose_lhs_hint = false} : vector<512x1xf32>, vector<512x512xf32>, vector<1x512xf32> -> vector<1x512xf32>
    %dot_general3A_263 = arith.constant dense<0.000000e+00> : vector<1x512xf32>
    %dot_general3A_264 = tpu.matmul %select_n3A_242, %convert_element_type3A_144, %dot_general3A_263 {dimension_numbers = #tpu.dot_dimension_numbers<[0], [0], [1], [1], [0, 1, 1, 1], [], []>, precision = #tpu.contract_precision<fp32>, transpose_lhs_hint = false} : vector<512x1xf32>, vector<512x512xf32>, vector<1x512xf32> -> vector<1x512xf32>
    %dot_general3A_265 = arith.constant dense<0.000000e+00> : vector<1x512xf32>
    %dot_general3A_266 = tpu.matmul %select_n3A_254, %convert_element_type3A_144, %dot_general3A_265 {dimension_numbers = #tpu.dot_dimension_numbers<[0], [0], [1], [1], [0, 1, 1, 1], [], []>, precision = #tpu.contract_precision<fp32>, transpose_lhs_hint = false} : vector<512x1xf32>, vector<512x512xf32>, vector<1x512xf32> -> vector<1x512xf32>
    %broadcast_in_dim3A_267 = arith.constant 0.000000e+00 : f32
    %broadcast_in_dim3A_268 = vector.broadcast %broadcast_in_dim3A_267 : f32 to vector<512x1xf32>
    %lt3A = arith.cmpi slt, %iota3A_146, %iota3A_145 : vector<512x512xi32>
    %eq3A_269 = vector.broadcast %convert_element_type3A_189 : vector<512x1xf32> to vector<512x512xf32>
    %eq3A_270 = vector.broadcast %dot_general3A_256 : vector<1x512xf32> to vector<512x512xf32>
    %eq3A_271 = arith.cmpf oeq, %eq3A_269, %eq3A_270 : vector<512x512xf32>
    %gt3A_272 = arith.constant 5.000000e-01 : f32
    %gt3A_273 = vector.broadcast %gt3A_272 : f32 to vector<1x512xf32>
    %gt3A_274 = arith.cmpf ogt, %dot_general3A_262, %gt3A_273 : vector<1x512xf32>
    %and3A_275 = vector.broadcast %gt3A_274 : vector<1x512xi1> to vector<512x512xi1>
    %and3A_276 = arith.andi %eq3A_271, %and3A_275 : vector<512x512xi1>
    %and3A_277 = arith.andi %and3A_276, %lt3A : vector<512x512xi1>
    %jit3A_278 = arith.constant 1.000000e+00 : f32
    %jit3A_279 = arith.constant 0.000000e+00 : f32
    %broadcast_in_dim3A_280 = vector.broadcast %jit3A_278 : f32 to vector<512x512xf32>
    %broadcast_in_dim3A_281 = vector.broadcast %jit3A_279 : f32 to vector<512x512xf32>
    %select_n3A_282 = arith.select %and3A_277, %broadcast_in_dim3A_280, %broadcast_in_dim3A_281 : vector<512x512xi1>, vector<512x512xf32>
    %reduce_max3A_283 = arith.constant dense<0xFF800000> : vector<512xf32>
    %reduce_max3A_284 = vector.multi_reduction <maximumf>, %select_n3A_282, %reduce_max3A_283 [1] : vector<512x512xf32> to vector<512xf32>
    %broadcast_in_dim3A_285 = vector.shape_cast %reduce_max3A_284 : vector<512xf32> to vector<512x1xf32>
    %max3A_286 = arith.maximumf %broadcast_in_dim3A_268, %broadcast_in_dim3A_285 : vector<512x1xf32>
    %lt3A_287 = arith.cmpi slt, %iota3A_146, %iota3A_145 : vector<512x512xi32>
    %eq3A_288 = vector.broadcast %convert_element_type3A_189 : vector<512x1xf32> to vector<512x512xf32>
    %eq3A_289 = vector.broadcast %dot_general3A_258 : vector<1x512xf32> to vector<512x512xf32>
    %eq3A_290 = arith.cmpf oeq, %eq3A_288, %eq3A_289 : vector<512x512xf32>
    %gt3A_291 = arith.constant 5.000000e-01 : f32
    %gt3A_292 = vector.broadcast %gt3A_291 : f32 to vector<1x512xf32>
    %gt3A_293 = arith.cmpf ogt, %dot_general3A_264, %gt3A_292 : vector<1x512xf32>
    %and3A_294 = vector.broadcast %gt3A_293 : vector<1x512xi1> to vector<512x512xi1>
    %and3A_295 = arith.andi %eq3A_290, %and3A_294 : vector<512x512xi1>
    %and3A_296 = arith.andi %and3A_295, %lt3A_287 : vector<512x512xi1>
    %jit3A_297 = arith.constant 1.000000e+00 : f32
    %jit3A_298 = arith.constant 0.000000e+00 : f32
    %broadcast_in_dim3A_299 = vector.broadcast %jit3A_297 : f32 to vector<512x512xf32>
    %broadcast_in_dim3A_300 = vector.broadcast %jit3A_298 : f32 to vector<512x512xf32>
    %select_n3A_301 = arith.select %and3A_296, %broadcast_in_dim3A_299, %broadcast_in_dim3A_300 : vector<512x512xi1>, vector<512x512xf32>
    %reduce_max3A_302 = arith.constant dense<0xFF800000> : vector<512xf32>
    %reduce_max3A_303 = vector.multi_reduction <maximumf>, %select_n3A_301, %reduce_max3A_302 [1] : vector<512x512xf32> to vector<512xf32>
    %broadcast_in_dim3A_304 = vector.shape_cast %reduce_max3A_303 : vector<512xf32> to vector<512x1xf32>
    %max3A_305 = arith.maximumf %max3A_286, %broadcast_in_dim3A_304 : vector<512x1xf32>
    %lt3A_306 = arith.cmpi slt, %iota3A_146, %iota3A_145 : vector<512x512xi32>
    %eq3A_307 = vector.broadcast %convert_element_type3A_189 : vector<512x1xf32> to vector<512x512xf32>
    %eq3A_308 = vector.broadcast %dot_general3A_260 : vector<1x512xf32> to vector<512x512xf32>
    %eq3A_309 = arith.cmpf oeq, %eq3A_307, %eq3A_308 : vector<512x512xf32>
    %gt3A_310 = arith.constant 5.000000e-01 : f32
    %gt3A_311 = vector.broadcast %gt3A_310 : f32 to vector<1x512xf32>
    %gt3A_312 = arith.cmpf ogt, %dot_general3A_266, %gt3A_311 : vector<1x512xf32>
    %and3A_313 = vector.broadcast %gt3A_312 : vector<1x512xi1> to vector<512x512xi1>
    %and3A_314 = arith.andi %eq3A_309, %and3A_313 : vector<512x512xi1>
    %and3A_315 = arith.andi %and3A_314, %lt3A_306 : vector<512x512xi1>
    %jit3A_316 = arith.constant 1.000000e+00 : f32
    %jit3A_317 = arith.constant 0.000000e+00 : f32
    %broadcast_in_dim3A_318 = vector.broadcast %jit3A_316 : f32 to vector<512x512xf32>
    %broadcast_in_dim3A_319 = vector.broadcast %jit3A_317 : f32 to vector<512x512xf32>
    %select_n3A_320 = arith.select %and3A_315, %broadcast_in_dim3A_318, %broadcast_in_dim3A_319 : vector<512x512xi1>, vector<512x512xf32>
    %reduce_max3A_321 = arith.constant dense<0xFF800000> : vector<512xf32>
    %reduce_max3A_322 = vector.multi_reduction <maximumf>, %select_n3A_320, %reduce_max3A_321 [1] : vector<512x512xf32> to vector<512xf32>
    %broadcast_in_dim3A_323 = vector.shape_cast %reduce_max3A_322 : vector<512xf32> to vector<512x1xf32>
    %max3A_324 = arith.maximumf %max3A_305, %broadcast_in_dim3A_323 : vector<512x1xf32>
    %sub3A_325 = arith.constant 1.000000e+00 : f32
    %sub3A_326 = vector.broadcast %sub3A_325 : f32 to vector<512x1xf32>
    %sub3A_327 = arith.subf %sub3A_326, %max3A_324 : vector<512x1xf32>
    %mul3A_328 = arith.mulf %select_n3A_230, %sub3A_327 : vector<512x1xf32>
    %broadcast_in_dim3A_329 = arith.constant 0.000000e+00 : f32
    %broadcast_in_dim3A_330 = vector.broadcast %broadcast_in_dim3A_329 : f32 to vector<512x1xf32>
    %le3A = arith.cmpi sle, %iota3A_146, %iota3A_145 : vector<512x512xi32>
    %eq3A_331 = vector.broadcast %convert_element_type3A_204 : vector<512x1xf32> to vector<512x512xf32>
    %eq3A_332 = vector.broadcast %dot_general3A_256 : vector<1x512xf32> to vector<512x512xf32>
    %eq3A_333 = arith.cmpf oeq, %eq3A_331, %eq3A_332 : vector<512x512xf32>
    %gt3A_334 = arith.constant 5.000000e-01 : f32
    %gt3A_335 = vector.broadcast %gt3A_334 : f32 to vector<1x512xf32>
    %gt3A_336 = arith.cmpf ogt, %dot_general3A_262, %gt3A_335 : vector<1x512xf32>
    %and3A_337 = vector.broadcast %gt3A_336 : vector<1x512xi1> to vector<512x512xi1>
    %and3A_338 = arith.andi %eq3A_333, %and3A_337 : vector<512x512xi1>
    %and3A_339 = arith.andi %and3A_338, %le3A : vector<512x512xi1>
    %jit3A_340 = arith.constant 1.000000e+00 : f32
    %jit3A_341 = arith.constant 0.000000e+00 : f32
    %broadcast_in_dim3A_342 = vector.broadcast %jit3A_340 : f32 to vector<512x512xf32>
    %broadcast_in_dim3A_343 = vector.broadcast %jit3A_341 : f32 to vector<512x512xf32>
    %select_n3A_344 = arith.select %and3A_339, %broadcast_in_dim3A_342, %broadcast_in_dim3A_343 : vector<512x512xi1>, vector<512x512xf32>
    %reduce_max3A_345 = arith.constant dense<0xFF800000> : vector<512xf32>
    %reduce_max3A_346 = vector.multi_reduction <maximumf>, %select_n3A_344, %reduce_max3A_345 [1] : vector<512x512xf32> to vector<512xf32>
    %broadcast_in_dim3A_347 = vector.shape_cast %reduce_max3A_346 : vector<512xf32> to vector<512x1xf32>
    %max3A_348 = arith.maximumf %broadcast_in_dim3A_330, %broadcast_in_dim3A_347 : vector<512x1xf32>
    %lt3A_349 = arith.cmpi slt, %iota3A_146, %iota3A_145 : vector<512x512xi32>
    %eq3A_350 = vector.broadcast %convert_element_type3A_204 : vector<512x1xf32> to vector<512x512xf32>
    %eq3A_351 = vector.broadcast %dot_general3A_258 : vector<1x512xf32> to vector<512x512xf32>
    %eq3A_352 = arith.cmpf oeq, %eq3A_350, %eq3A_351 : vector<512x512xf32>
    %gt3A_353 = arith.constant 5.000000e-01 : f32
    %gt3A_354 = vector.broadcast %gt3A_353 : f32 to vector<1x512xf32>
    %gt3A_355 = arith.cmpf ogt, %dot_general3A_264, %gt3A_354 : vector<1x512xf32>
    %and3A_356 = vector.broadcast %gt3A_355 : vector<1x512xi1> to vector<512x512xi1>
    %and3A_357 = arith.andi %eq3A_352, %and3A_356 : vector<512x512xi1>
    %and3A_358 = arith.andi %and3A_357, %lt3A_349 : vector<512x512xi1>
    %jit3A_359 = arith.constant 1.000000e+00 : f32
    %jit3A_360 = arith.constant 0.000000e+00 : f32
    %broadcast_in_dim3A_361 = vector.broadcast %jit3A_359 : f32 to vector<512x512xf32>
    %broadcast_in_dim3A_362 = vector.broadcast %jit3A_360 : f32 to vector<512x512xf32>
    %select_n3A_363 = arith.select %and3A_358, %broadcast_in_dim3A_361, %broadcast_in_dim3A_362 : vector<512x512xi1>, vector<512x512xf32>
    %reduce_max3A_364 = arith.constant dense<0xFF800000> : vector<512xf32>
    %reduce_max3A_365 = vector.multi_reduction <maximumf>, %select_n3A_363, %reduce_max3A_364 [1] : vector<512x512xf32> to vector<512xf32>
    %broadcast_in_dim3A_366 = vector.shape_cast %reduce_max3A_365 : vector<512xf32> to vector<512x1xf32>
    %max3A_367 = arith.maximumf %max3A_348, %broadcast_in_dim3A_366 : vector<512x1xf32>
    %lt3A_368 = arith.cmpi slt, %iota3A_146, %iota3A_145 : vector<512x512xi32>
    %eq3A_369 = vector.broadcast %convert_element_type3A_204 : vector<512x1xf32> to vector<512x512xf32>
    %eq3A_370 = vector.broadcast %dot_general3A_260 : vector<1x512xf32> to vector<512x512xf32>
    %eq3A_371 = arith.cmpf oeq, %eq3A_369, %eq3A_370 : vector<512x512xf32>
    %gt3A_372 = arith.constant 5.000000e-01 : f32
    %gt3A_373 = vector.broadcast %gt3A_372 : f32 to vector<1x512xf32>
    %gt3A_374 = arith.cmpf ogt, %dot_general3A_266, %gt3A_373 : vector<1x512xf32>
    %and3A_375 = vector.broadcast %gt3A_374 : vector<1x512xi1> to vector<512x512xi1>
    %and3A_376 = arith.andi %eq3A_371, %and3A_375 : vector<512x512xi1>
    %and3A_377 = arith.andi %and3A_376, %lt3A_368 : vector<512x512xi1>
    %jit3A_378 = arith.constant 1.000000e+00 : f32
    %jit3A_379 = arith.constant 0.000000e+00 : f32
    %broadcast_in_dim3A_380 = vector.broadcast %jit3A_378 : f32 to vector<512x512xf32>
    %broadcast_in_dim3A_381 = vector.broadcast %jit3A_379 : f32 to vector<512x512xf32>
    %select_n3A_382 = arith.select %and3A_377, %broadcast_in_dim3A_380, %broadcast_in_dim3A_381 : vector<512x512xi1>, vector<512x512xf32>
    %reduce_max3A_383 = arith.constant dense<0xFF800000> : vector<512xf32>
    %reduce_max3A_384 = vector.multi_reduction <maximumf>, %select_n3A_382, %reduce_max3A_383 [1] : vector<512x512xf32> to vector<512xf32>
    %broadcast_in_dim3A_385 = vector.shape_cast %reduce_max3A_384 : vector<512xf32> to vector<512x1xf32>
    %max3A_386 = arith.maximumf %max3A_367, %broadcast_in_dim3A_385 : vector<512x1xf32>
    %sub3A_387 = arith.constant 1.000000e+00 : f32
    %sub3A_388 = vector.broadcast %sub3A_387 : f32 to vector<512x1xf32>
    %sub3A_389 = arith.subf %sub3A_388, %max3A_386 : vector<512x1xf32>
    %mul3A_390 = arith.mulf %select_n3A_242, %sub3A_389 : vector<512x1xf32>
    %broadcast_in_dim3A_391 = arith.constant 0.000000e+00 : f32
    %broadcast_in_dim3A_392 = vector.broadcast %broadcast_in_dim3A_391 : f32 to vector<512x1xf32>
    %le3A_393 = arith.cmpi sle, %iota3A_146, %iota3A_145 : vector<512x512xi32>
    %eq3A_394 = vector.broadcast %convert_element_type3A_219 : vector<512x1xf32> to vector<512x512xf32>
    %eq3A_395 = vector.broadcast %dot_general3A_256 : vector<1x512xf32> to vector<512x512xf32>
    %eq3A_396 = arith.cmpf oeq, %eq3A_394, %eq3A_395 : vector<512x512xf32>
    %gt3A_397 = arith.constant 5.000000e-01 : f32
    %gt3A_398 = vector.broadcast %gt3A_397 : f32 to vector<1x512xf32>
    %gt3A_399 = arith.cmpf ogt, %dot_general3A_262, %gt3A_398 : vector<1x512xf32>
    %and3A_400 = vector.broadcast %gt3A_399 : vector<1x512xi1> to vector<512x512xi1>
    %and3A_401 = arith.andi %eq3A_396, %and3A_400 : vector<512x512xi1>
    %and3A_402 = arith.andi %and3A_401, %le3A_393 : vector<512x512xi1>
    %jit3A_403 = arith.constant 1.000000e+00 : f32
    %jit3A_404 = arith.constant 0.000000e+00 : f32
    %broadcast_in_dim3A_405 = vector.broadcast %jit3A_403 : f32 to vector<512x512xf32>
    %broadcast_in_dim3A_406 = vector.broadcast %jit3A_404 : f32 to vector<512x512xf32>
    %select_n3A_407 = arith.select %and3A_402, %broadcast_in_dim3A_405, %broadcast_in_dim3A_406 : vector<512x512xi1>, vector<512x512xf32>
    %reduce_max3A_408 = arith.constant dense<0xFF800000> : vector<512xf32>
    %reduce_max3A_409 = vector.multi_reduction <maximumf>, %select_n3A_407, %reduce_max3A_408 [1] : vector<512x512xf32> to vector<512xf32>
    %broadcast_in_dim3A_410 = vector.shape_cast %reduce_max3A_409 : vector<512xf32> to vector<512x1xf32>
    %max3A_411 = arith.maximumf %broadcast_in_dim3A_392, %broadcast_in_dim3A_410 : vector<512x1xf32>
    %le3A_412 = arith.cmpi sle, %iota3A_146, %iota3A_145 : vector<512x512xi32>
    %eq3A_413 = vector.broadcast %convert_element_type3A_219 : vector<512x1xf32> to vector<512x512xf32>
    %eq3A_414 = vector.broadcast %dot_general3A_258 : vector<1x512xf32> to vector<512x512xf32>
    %eq3A_415 = arith.cmpf oeq, %eq3A_413, %eq3A_414 : vector<512x512xf32>
    %gt3A_416 = arith.constant 5.000000e-01 : f32
    %gt3A_417 = vector.broadcast %gt3A_416 : f32 to vector<1x512xf32>
    %gt3A_418 = arith.cmpf ogt, %dot_general3A_264, %gt3A_417 : vector<1x512xf32>
    %and3A_419 = vector.broadcast %gt3A_418 : vector<1x512xi1> to vector<512x512xi1>
    %and3A_420 = arith.andi %eq3A_415, %and3A_419 : vector<512x512xi1>
    %and3A_421 = arith.andi %and3A_420, %le3A_412 : vector<512x512xi1>
    %jit3A_422 = arith.constant 1.000000e+00 : f32
    %jit3A_423 = arith.constant 0.000000e+00 : f32
    %broadcast_in_dim3A_424 = vector.broadcast %jit3A_422 : f32 to vector<512x512xf32>
    %broadcast_in_dim3A_425 = vector.broadcast %jit3A_423 : f32 to vector<512x512xf32>
    %select_n3A_426 = arith.select %and3A_421, %broadcast_in_dim3A_424, %broadcast_in_dim3A_425 : vector<512x512xi1>, vector<512x512xf32>
    %reduce_max3A_427 = arith.constant dense<0xFF800000> : vector<512xf32>
    %reduce_max3A_428 = vector.multi_reduction <maximumf>, %select_n3A_426, %reduce_max3A_427 [1] : vector<512x512xf32> to vector<512xf32>
    %broadcast_in_dim3A_429 = vector.shape_cast %reduce_max3A_428 : vector<512xf32> to vector<512x1xf32>
    %max3A_430 = arith.maximumf %max3A_411, %broadcast_in_dim3A_429 : vector<512x1xf32>
    %lt3A_431 = arith.cmpi slt, %iota3A_146, %iota3A_145 : vector<512x512xi32>
    %eq3A_432 = vector.broadcast %convert_element_type3A_219 : vector<512x1xf32> to vector<512x512xf32>
    %eq3A_433 = vector.broadcast %dot_general3A_260 : vector<1x512xf32> to vector<512x512xf32>
    %eq3A_434 = arith.cmpf oeq, %eq3A_432, %eq3A_433 : vector<512x512xf32>
    %gt3A_435 = arith.constant 5.000000e-01 : f32
    %gt3A_436 = vector.broadcast %gt3A_435 : f32 to vector<1x512xf32>
    %gt3A_437 = arith.cmpf ogt, %dot_general3A_266, %gt3A_436 : vector<1x512xf32>
    %and3A_438 = vector.broadcast %gt3A_437 : vector<1x512xi1> to vector<512x512xi1>
    %and3A_439 = arith.andi %eq3A_434, %and3A_438 : vector<512x512xi1>
    %and3A_440 = arith.andi %and3A_439, %lt3A_431 : vector<512x512xi1>
    %jit3A_441 = arith.constant 1.000000e+00 : f32
    %jit3A_442 = arith.constant 0.000000e+00 : f32
    %broadcast_in_dim3A_443 = vector.broadcast %jit3A_441 : f32 to vector<512x512xf32>
    %broadcast_in_dim3A_444 = vector.broadcast %jit3A_442 : f32 to vector<512x512xf32>
    %select_n3A_445 = arith.select %and3A_440, %broadcast_in_dim3A_443, %broadcast_in_dim3A_444 : vector<512x512xi1>, vector<512x512xf32>
    %reduce_max3A_446 = arith.constant dense<0xFF800000> : vector<512xf32>
    %reduce_max3A_447 = vector.multi_reduction <maximumf>, %select_n3A_445, %reduce_max3A_446 [1] : vector<512x512xf32> to vector<512xf32>
    %broadcast_in_dim3A_448 = vector.shape_cast %reduce_max3A_447 : vector<512xf32> to vector<512x1xf32>
    %max3A_449 = arith.maximumf %max3A_430, %broadcast_in_dim3A_448 : vector<512x1xf32>
    %sub3A_450 = arith.constant 1.000000e+00 : f32
    %sub3A_451 = vector.broadcast %sub3A_450 : f32 to vector<512x1xf32>
    %sub3A_452 = arith.subf %sub3A_451, %max3A_449 : vector<512x1xf32>
    %mul3A_453 = arith.mulf %select_n3A_254, %sub3A_452 : vector<512x1xf32>
    %iota3A_454 = tpu.iota {dimensions = array<i32: 1>} : vector<512x80xi32>
    %eq3A_455 = vector.broadcast %convert_element_type3A_138 : vector<512x1xi32> to vector<512x80xi32>
    %eq3A_456 = arith.cmpi eq, %eq3A_455, %iota3A_454 : vector<512x80xi32>
    %convert_element_type3A_457 = arith.extui %eq3A_456 : vector<512x80xi1> to vector<512x80xi32>
    %convert_element_type3A_458 = arith.sitofp %convert_element_type3A_457 : vector<512x80xi32> to vector<512x80xf32>
    %mul3A_459 = arith.constant 64 : i32
    %mul3A_460 = vector.broadcast %mul3A_459 : i32 to vector<512x1xi32>
    %mul3A_461 = arith.muli %convert_element_type3A_140, %mul3A_460 : vector<512x1xi32>
    %add3A_462 = arith.addi %mul3A_461, %convert_element_type3A_139 : vector<512x1xi32>
    %mul3A_463 = arith.constant 255 : i32
    %mul3A_464 = vector.broadcast %mul3A_463 : i32 to vector<512x1xi32>
    %mul3A_465 = arith.muli %convert_element_type3A_137, %mul3A_464 : vector<512x1xi32>
    %mul3A_466 = arith.constant 85 : i32
    %mul3A_467 = vector.broadcast %mul3A_466 : i32 to vector<512x1xi32>
    %mul3A_468 = arith.muli %convert_element_type3A, %mul3A_467 : vector<512x1xi32>
    %add3A_469 = arith.addi %mul3A_465, %mul3A_468 : vector<512x1xi32>
    %mul3A_470 = arith.constant 4096 : i32
    %mul3A_471 = vector.broadcast %mul3A_470 : i32 to vector<512x1xi32>
    %mul3A_472 = arith.muli %add3A_469, %mul3A_471 : vector<512x1xi32>
    %add3A_473 = arith.addi %mul3A_472, %add3A_462 : vector<512x1xi32>
    %iota3A_474 = tpu.iota {dimensions = array<i32: 1>} : vector<512x85xi32>
    %mul3A_475 = arith.constant 4096 : i32
    %mul3A_476 = vector.broadcast %mul3A_475 : i32 to vector<512x85xi32>
    %mul3A_477 = arith.muli %iota3A_474, %mul3A_476 : vector<512x85xi32>
    %add3A_478 = vector.broadcast %add3A_473 : vector<512x1xi32> to vector<512x85xi32>
    %add3A_479 = arith.addi %add3A_478, %mul3A_477 : vector<512x85xi32>
    %mul3A_480 = arith.constant 255 : i32
    %mul3A_481 = vector.broadcast %mul3A_480 : i32 to vector<512x1xi32>
    %mul3A_482 = arith.muli %convert_element_type3A_137, %mul3A_481 : vector<512x1xi32>
    %add3A_483 = arith.constant 0 : i32
    %add3A_484 = vector.broadcast %add3A_483 : i32 to vector<512x1xi32>
    %add3A_485 = arith.addi %mul3A_482, %add3A_484 : vector<512x1xi32>
    %add3A_486 = arith.constant 4 : i32
    %add3A_487 = vector.broadcast %add3A_486 : i32 to vector<512x1xi32>
    %add3A_488 = arith.addi %add3A_485, %add3A_487 : vector<512x1xi32>
    %mul3A_489 = arith.constant 4096 : i32
    %mul3A_490 = vector.broadcast %mul3A_489 : i32 to vector<512x1xi32>
    %mul3A_491 = arith.muli %add3A_488, %mul3A_490 : vector<512x1xi32>
    %add3A_492 = arith.addi %mul3A_491, %add3A_462 : vector<512x1xi32>
    %mul3A_493 = arith.constant 255 : i32
    %mul3A_494 = vector.broadcast %mul3A_493 : i32 to vector<512x1xi32>
    %mul3A_495 = arith.muli %convert_element_type3A_137, %mul3A_494 : vector<512x1xi32>
    %add3A_496 = arith.constant 85 : i32
    %add3A_497 = vector.broadcast %add3A_496 : i32 to vector<512x1xi32>
    %add3A_498 = arith.addi %mul3A_495, %add3A_497 : vector<512x1xi32>
    %add3A_499 = arith.constant 4 : i32
    %add3A_500 = vector.broadcast %add3A_499 : i32 to vector<512x1xi32>
    %add3A_501 = arith.addi %add3A_498, %add3A_500 : vector<512x1xi32>
    %mul3A_502 = arith.constant 4096 : i32
    %mul3A_503 = vector.broadcast %mul3A_502 : i32 to vector<512x1xi32>
    %mul3A_504 = arith.muli %add3A_501, %mul3A_503 : vector<512x1xi32>
    %add3A_505 = arith.addi %mul3A_504, %add3A_462 : vector<512x1xi32>
    %mul3A_506 = arith.constant 255 : i32
    %mul3A_507 = vector.broadcast %mul3A_506 : i32 to vector<512x1xi32>
    %mul3A_508 = arith.muli %convert_element_type3A_137, %mul3A_507 : vector<512x1xi32>
    %add3A_509 = arith.constant 170 : i32
    %add3A_510 = vector.broadcast %add3A_509 : i32 to vector<512x1xi32>
    %add3A_511 = arith.addi %mul3A_508, %add3A_510 : vector<512x1xi32>
    %add3A_512 = arith.constant 4 : i32
    %add3A_513 = vector.broadcast %add3A_512 : i32 to vector<512x1xi32>
    %add3A_514 = arith.addi %add3A_511, %add3A_513 : vector<512x1xi32>
    %mul3A_515 = arith.constant 4096 : i32
    %mul3A_516 = vector.broadcast %mul3A_515 : i32 to vector<512x1xi32>
    %mul3A_517 = arith.muli %add3A_514, %mul3A_516 : vector<512x1xi32>
    %add3A_518 = arith.addi %mul3A_517, %add3A_462 : vector<512x1xi32>
    %concatenate3A = tpu.concatenate %add3A_479, %add3A_492, %add3A_505, %add3A_518 in 1 : vector<512x85xi32>, vector<512x1xi32>, vector<512x1xi32>, vector<512x1xi32> -> vector<512x88xi32>
    %swap3A = arith.constant 0 : index
    %swap3A_519 = arith.constant 0 : index
    %swap3A_520 = vector.load %arg2[%swap3A, %swap3A_519] : memref<512x88xi32, #tpu.memory_space<vmem>>, vector<512x88xi32>
    tpu.vector_store %arg2[%swap3A, %swap3A_519], %concatenate3A {strides = array<i32>} : memref<512x88xi32, #tpu.memory_space<vmem>>, vector<512x88xi32>,
    %concatenate3A_521 = tpu.concatenate %sub3A_126, %sub3A_127, %log3A, %log3A_136, %sub3A_174, %mul3A_328, %mul3A_390, %mul3A_453, %convert_element_type3A_458 in 1 : vector<512x1xf32>, vector<512x1xf32>, vector<512x1xf32>, vector<512x1xf32>, vector<512x1xf32>, vector<512x1xf32>, vector<512x1xf32>, vector<512x1xf32>, vector<512x80xf32> -> vector<512x88xf32>
    %swap3A_522 = arith.constant 0 : index
    %swap3A_523 = arith.constant 0 : index
    %swap3A_524 = vector.load %arg3[%swap3A_522, %swap3A_523] : memref<512x88xf32, #tpu.memory_space<vmem>>, vector<512x88xf32>
    tpu.vector_store %arg3[%swap3A_522, %swap3A_523], %concatenate3A_521 {strides = array<i32>} : memref<512x88xf32, #tpu.memory_space<vmem>>, vector<512x88xf32>,
    return
  }
}

module attributes {stable_mosaic.version = 14 : i64} {
  func.func @_dense_body(%arg0: i32, %arg1: memref<16x1x64x64xf32, #tpu.memory_space<vmem>>, %arg2: memref<1x1xf32, #tpu.memory_space<vmem>>) attributes {dimension_semantics = [#tpu.dimension_semantics<arbitrary>], iteration_bounds = array<i64: 3>, scalar_prefetch = 0 : i64, scratch_operands = 0 : i64, tpu.core_type = #tpu.core_type<tc>, window_params = [{transform_indices = @transform_0, window_bounds = array<i64: 16, 1, 64, 64>}, {pipeline_mode = #tpu.pipeline_mode<synchronous>, transform_indices = @transform_1, window_bounds = array<i64: 1, 1>}]} {
    %eq3A = arith.constant 0 : i32
    %eq3A_0 = arith.cmpi eq, %arg0, %eq3A : i32
    %convert_element_type3A = arith.extui %eq3A_0 : i1 to i32
    %cond3A = arith.constant 0 : i32
    %cond3A_1 = arith.cmpi ne, %convert_element_type3A, %cond3A : i32
    scf.if %cond3A_1 {
      %broadcast_in_dim3A = arith.constant 0.000000e+00 : f32
      %broadcast_in_dim3A_28 = vector.broadcast %broadcast_in_dim3A : f32 to vector<1x1xf32>
      %swap3A_29 = arith.constant 0 : index
      %swap3A_30 = arith.constant 0 : index
      %swap3A_31 = vector.load %arg2[%swap3A_29, %swap3A_30] : memref<1x1xf32, #tpu.memory_space<vmem>>, vector<1x1xf32>
      tpu.vector_store %arg2[%swap3A_29, %swap3A_30], %broadcast_in_dim3A_28 {strides = array<i32>} : memref<1x1xf32, #tpu.memory_space<vmem>>, vector<1x1xf32>,
    } else {
    }
    %get3A = arith.constant 0 : index
    %get3A_2 = arith.constant 0 : index
    %get3A_3 = arith.constant 0 : index
    %get3A_4 = arith.constant 0 : index
    %get3A_5 = vector.load %arg1[%get3A, %get3A_2, %get3A_3, %get3A_4] : memref<16x1x64x64xf32, #tpu.memory_space<vmem>>, vector<16x1x64x64xf32>
    %get3A_6 = vector.shape_cast %get3A_5 : vector<16x1x64x64xf32> to vector<16x64x64xf32>
    %logistic3A = arith.negf %get3A_6 : vector<16x64x64xf32>
    %logistic3A_7 = math.exp %logistic3A : vector<16x64x64xf32>
    %logistic3A_8 = arith.constant 1.000000e+00 : f32
    %logistic3A_9 = vector.broadcast %logistic3A_8 : f32 to vector<16x64x64xf32>
    %logistic3A_10 = arith.addf %logistic3A_9, %logistic3A_7 : vector<16x64x64xf32>
    %logistic3A_11 = arith.divf %logistic3A_9, %logistic3A_10 : vector<16x64x64xf32>
    %sub3A = arith.constant 1.000000e+00 : f32
    %sub3A_12 = vector.broadcast %sub3A : f32 to vector<16x64x64xf32>
    %sub3A_13 = arith.subf %sub3A_12, %logistic3A_11 : vector<16x64x64xf32>
    %log3A = math.log %sub3A_13 : vector<16x64x64xf32>
    %jit3A = arith.constant -1.000000e+02 : f32
    %max3A = vector.broadcast %jit3A : f32 to vector<16x64x64xf32>
    %max3A_14 = arith.maximumf %max3A, %log3A : vector<16x64x64xf32>
    %neg3A = arith.constant 0.000000e+00 : f32
    %neg3A_15 = vector.broadcast %neg3A : f32 to vector<16x64x64xf32>
    %neg3A_16 = arith.subf %neg3A_15, %max3A_14 : vector<16x64x64xf32>
    %reduce_sum3A = vector.shape_cast %neg3A_16 : vector<16x64x64xf32> to vector<1x16x64x64xf32>
    %reduce_sum3A_17 = arith.constant dense<0.000000e+00> : vector<1xf32>
    %reduce_sum3A_18 = vector.multi_reduction <add>, %reduce_sum3A, %reduce_sum3A_17 [1, 2, 3] : vector<1x16x64x64xf32> to vector<1xf32>
    %reduce_sum3A_19 = vector.shape_cast %reduce_sum3A_18 : vector<1xf32> to vector<1x1x1x1xf32>
    %reduce_sum3A_20 = vector.extract %reduce_sum3A_19[0, 0, 0, 0] : f32 from vector<1x1x1x1xf32>
    %get3A_21 = arith.constant 0 : index
    %get3A_22 = arith.constant 0 : index
    %get3A_23 = vector.load %arg2[%get3A_21, %get3A_22] : memref<1x1xf32, #tpu.memory_space<vmem>>, vector<1x1xf32>
    %mul3A = arith.constant 5.000000e-01 : f32
    %mul3A_24 = arith.mulf %mul3A, %reduce_sum3A_20 : f32
    %div3A = arith.constant 1.600000e+01 : f32
    %div3A_25 = arith.divf %mul3A_24, %div3A : f32
    %reshape3A = vector.broadcast %div3A_25 : f32 to vector<1x1xf32>
    %add3A = arith.addf %get3A_23, %reshape3A : vector<1x1xf32>
    %swap3A = arith.constant 0 : index
    %swap3A_26 = arith.constant 0 : index
    %swap3A_27 = vector.load %arg2[%swap3A, %swap3A_26] : memref<1x1xf32, #tpu.memory_space<vmem>>, vector<1x1xf32>
    tpu.vector_store %arg2[%swap3A, %swap3A_26], %add3A {strides = array<i32>} : memref<1x1xf32, #tpu.memory_space<vmem>>, vector<1x1xf32>,
    return
  }
  func.func @transform_0(%arg0: i32) -> (i32, i32, i32, i32) {
    %mul3A = arith.constant 85 : i32
    %mul3A_0 = arith.muli %arg0, %mul3A : i32
    %add3A = arith.constant 4 : i32
    %add3A_1 = arith.addi %mul3A_0, %add3A : i32
    %c0_i32 = arith.constant 0 : i32
    %c0_i32_2 = arith.constant 0 : i32
    %c0_i32_3 = arith.constant 0 : i32
    %c0_i32_4 = arith.constant 0 : i32
    return %c0_i32, %add3A_1, %c0_i32_2, %c0_i32_3 : i32, i32, i32, i32
  }
  func.func @transform_1(%arg0: i32) -> (i32, i32) {
    %c0_i32 = arith.constant 0 : i32
    %c0_i32_0 = arith.constant 0 : i32
    %c0_i32_1 = arith.constant 0 : i32
    return %c0_i32, %c0_i32_0 : i32, i32
  }
}

module attributes {stable_mosaic.version = 14 : i64} {
  func.func @_extract_body(%arg0: i32, %arg1: memref<1024x128xf32, #tpu.memory_space<vmem>>, %arg2: memref<1024x1xi32, #tpu.memory_space<vmem>>, %arg3: memref<1024x1xf32, #tpu.memory_space<vmem>>) attributes {dimension_semantics = [#tpu.dimension_semantics<arbitrary>], iteration_bounds = array<i64: 44>, scalar_prefetch = 0 : i64, scratch_operands = 0 : i64, tpu.core_type = #tpu.core_type<tc>, window_params = [{transform_indices = @transform_0, window_bounds = array<i64: 1024, 128>}, {transform_indices = @transform_1, window_bounds = array<i64: 1024, 1>}, {transform_indices = @transform_2, window_bounds = array<i64: 1024, 1>}]} {
    %get3A = arith.constant 0 : index
    %get3A_0 = arith.constant 0 : index
    %get3A_1 = vector.load %arg2[%get3A, %get3A_0] : memref<1024x1xi32, #tpu.memory_space<vmem>>, vector<1024x1xi32>
    %and3A = arith.constant 127 : i32
    %and3A_2 = vector.broadcast %and3A : i32 to vector<1024x1xi32>
    %and3A_3 = arith.andi %get3A_1, %and3A_2 : vector<1024x1xi32>
    %iota3A = tpu.iota {dimensions = array<i32: 1>} : vector<1024x128xi32>
    %eq3A = vector.broadcast %and3A_3 : vector<1024x1xi32> to vector<1024x128xi32>
    %eq3A_4 = arith.cmpi eq, %eq3A, %iota3A : vector<1024x128xi32>
    %get3A_5 = arith.constant 0 : index
    %get3A_6 = arith.constant 0 : index
    %get3A_7 = vector.load %arg1[%get3A_5, %get3A_6] : memref<1024x128xf32, #tpu.memory_space<vmem>>, vector<1024x128xf32>
    %jit3A = arith.constant 0.000000e+00 : f32
    %broadcast_in_dim3A = vector.broadcast %jit3A : f32 to vector<1024x128xf32>
    %select_n3A = arith.select %eq3A_4, %get3A_7, %broadcast_in_dim3A : vector<1024x128xi1>, vector<1024x128xf32>
    %reduce_sum3A = arith.constant dense<0.000000e+00> : vector<1024xf32>
    %reduce_sum3A_8 = vector.multi_reduction <add>, %select_n3A, %reduce_sum3A [1] : vector<1024x128xf32> to vector<1024xf32>
    %broadcast_in_dim3A_9 = vector.shape_cast %reduce_sum3A_8 : vector<1024xf32> to vector<1024x1xf32>
    %swap3A = arith.constant 0 : index
    %swap3A_10 = arith.constant 0 : index
    %swap3A_11 = vector.load %arg3[%swap3A, %swap3A_10] : memref<1024x1xf32, #tpu.memory_space<vmem>>, vector<1024x1xf32>
    tpu.vector_store %arg3[%swap3A, %swap3A_10], %broadcast_in_dim3A_9 {strides = array<i32>} : memref<1024x1xf32, #tpu.memory_space<vmem>>, vector<1024x1xf32>,
    return
  }
  func.func @transform_0(%arg0: i32) -> (i32, i32) {
    %c0_i32 = arith.constant 0 : i32
    %c0_i32_0 = arith.constant 0 : i32
    return %arg0, %c0_i32 : i32, i32
  }
  func.func @transform_1(%arg0: i32) -> (i32, i32) {
    %c0_i32 = arith.constant 0 : i32
    %c0_i32_0 = arith.constant 0 : i32
    return %arg0, %c0_i32 : i32, i32
  }
  func.func @transform_2(%arg0: i32) -> (i32, i32) {
    %c0_i32 = arith.constant 0 : i32
    %c0_i32_0 = arith.constant 0 : i32
    return %arg0, %c0_i32 : i32, i32
  }
}

module attributes {stable_mosaic.version = 14 : i64} {
  func.func @_final_body(%arg0: memref<512x88xf32, #tpu.memory_space<vmem>>, %arg1: memref<512x88xf32, #tpu.memory_space<vmem>>, %arg2: memref<1x1xf32, #tpu.memory_space<vmem>>, %arg3: memref<1x1xf32, #tpu.memory_space<vmem>>) attributes {dimension_semantics = [], scalar_prefetch = 0 : i64, scratch_operands = 0 : i64, tpu.core_type = #tpu.core_type<tc>} {
    %get3A = arith.constant 0 : index
    %get3A_0 = arith.constant 0 : index
    %get3A_1 = vector.load %arg0[%get3A, %get3A_0] : memref<512x88xf32, #tpu.memory_space<vmem>>, vector<512x88xf32>
    %get3A_2 = arith.constant 0 : index
    %get3A_3 = arith.constant 0 : index
    %get3A_4 = vector.load %arg1[%get3A_2, %get3A_3] : memref<512x88xf32, #tpu.memory_space<vmem>>, vector<512x88xf32>
    %slice3A = vector.extract_strided_slice %get3A_4 {offsets = [0, 0], sizes = [512, 1], strides = [1, 1]} : vector<512x88xf32> to vector<512x1xf32>
    %slice3A_5 = vector.extract_strided_slice %get3A_4 {offsets = [0, 1], sizes = [512, 1], strides = [1, 1]} : vector<512x88xf32> to vector<512x1xf32>
    %slice3A_6 = vector.extract_strided_slice %get3A_4 {offsets = [0, 2], sizes = [512, 1], strides = [1, 1]} : vector<512x88xf32> to vector<512x1xf32>
    %slice3A_7 = vector.extract_strided_slice %get3A_4 {offsets = [0, 3], sizes = [512, 1], strides = [1, 1]} : vector<512x88xf32> to vector<512x1xf32>
    %slice3A_8 = vector.extract_strided_slice %get3A_4 {offsets = [0, 4], sizes = [512, 1], strides = [1, 1]} : vector<512x88xf32> to vector<512x1xf32>
    %slice3A_9 = vector.extract_strided_slice %get3A_4 {offsets = [0, 5], sizes = [512, 3], strides = [1, 1]} : vector<512x88xf32> to vector<512x3xf32>
    %slice3A_10 = vector.extract_strided_slice %get3A_4 {offsets = [0, 8], sizes = [512, 80], strides = [1, 1]} : vector<512x88xf32> to vector<512x80xf32>
    %slice3A_11 = vector.extract_strided_slice %get3A_1 {offsets = [0, 0], sizes = [512, 1], strides = [1, 1]} : vector<512x88xf32> to vector<512x1xf32>
    %logistic3A = arith.negf %slice3A_11 : vector<512x1xf32>
    %logistic3A_12 = math.exp %logistic3A : vector<512x1xf32>
    %logistic3A_13 = arith.constant 1.000000e+00 : f32
    %logistic3A_14 = vector.broadcast %logistic3A_13 : f32 to vector<512x1xf32>
    %logistic3A_15 = arith.addf %logistic3A_14, %logistic3A_12 : vector<512x1xf32>
    %logistic3A_16 = arith.divf %logistic3A_14, %logistic3A_15 : vector<512x1xf32>
    %slice3A_17 = vector.extract_strided_slice %get3A_1 {offsets = [0, 1], sizes = [512, 1], strides = [1, 1]} : vector<512x88xf32> to vector<512x1xf32>
    %logistic3A_18 = arith.negf %slice3A_17 : vector<512x1xf32>
    %logistic3A_19 = math.exp %logistic3A_18 : vector<512x1xf32>
    %logistic3A_20 = arith.constant 1.000000e+00 : f32
    %logistic3A_21 = vector.broadcast %logistic3A_20 : f32 to vector<512x1xf32>
    %logistic3A_22 = arith.addf %logistic3A_21, %logistic3A_19 : vector<512x1xf32>
    %logistic3A_23 = arith.divf %logistic3A_21, %logistic3A_22 : vector<512x1xf32>
    %sub3A = arith.subf %logistic3A_16, %slice3A : vector<512x1xf32>
    %integer_pow3A = arith.mulf %sub3A, %sub3A : vector<512x1xf32>
    %sub3A_24 = arith.subf %logistic3A_23, %slice3A_5 : vector<512x1xf32>
    %integer_pow3A_25 = arith.mulf %sub3A_24, %sub3A_24 : vector<512x1xf32>
    %add3A = arith.addf %integer_pow3A, %integer_pow3A_25 : vector<512x1xf32>
    %slice3A_26 = vector.extract_strided_slice %get3A_1 {offsets = [0, 2], sizes = [512, 1], strides = [1, 1]} : vector<512x88xf32> to vector<512x1xf32>
    %sub3A_27 = arith.subf %slice3A_26, %slice3A_6 : vector<512x1xf32>
    %integer_pow3A_28 = arith.mulf %sub3A_27, %sub3A_27 : vector<512x1xf32>
    %add3A_29 = arith.addf %add3A, %integer_pow3A_28 : vector<512x1xf32>
    %slice3A_30 = vector.extract_strided_slice %get3A_1 {offsets = [0, 3], sizes = [512, 1], strides = [1, 1]} : vector<512x88xf32> to vector<512x1xf32>
    %sub3A_31 = arith.subf %slice3A_30, %slice3A_7 : vector<512x1xf32>
    %integer_pow3A_32 = arith.mulf %sub3A_31, %sub3A_31 : vector<512x1xf32>
    %add3A_33 = arith.addf %add3A_29, %integer_pow3A_32 : vector<512x1xf32>
    %slice3A_34 = vector.extract_strided_slice %get3A_1 {offsets = [0, 4], sizes = [512, 1], strides = [1, 1]} : vector<512x88xf32> to vector<512x1xf32>
    %logistic3A_35 = arith.negf %slice3A_34 : vector<512x1xf32>
    %logistic3A_36 = math.exp %logistic3A_35 : vector<512x1xf32>
    %logistic3A_37 = arith.constant 1.000000e+00 : f32
    %logistic3A_38 = vector.broadcast %logistic3A_37 : f32 to vector<512x1xf32>
    %logistic3A_39 = arith.addf %logistic3A_38, %logistic3A_36 : vector<512x1xf32>
    %logistic3A_40 = arith.divf %logistic3A_38, %logistic3A_39 : vector<512x1xf32>
    %log3A = math.log %logistic3A_40 : vector<512x1xf32>
    %jit3A = arith.constant -1.000000e+02 : f32
    %max3A = vector.broadcast %jit3A : f32 to vector<512x1xf32>
    %max3A_41 = arith.maximumf %max3A, %log3A : vector<512x1xf32>
    %neg3A = arith.constant 0.000000e+00 : f32
    %neg3A_42 = vector.broadcast %neg3A : f32 to vector<512x1xf32>
    %neg3A_43 = arith.subf %neg3A_42, %max3A_41 : vector<512x1xf32>
    %slice3A_44 = vector.extract_strided_slice %get3A_1 {offsets = [0, 5], sizes = [512, 80], strides = [1, 1]} : vector<512x88xf32> to vector<512x80xf32>
    %logistic3A_45 = arith.negf %slice3A_44 : vector<512x80xf32>
    %logistic3A_46 = math.exp %logistic3A_45 : vector<512x80xf32>
    %logistic3A_47 = arith.constant 1.000000e+00 : f32
    %logistic3A_48 = vector.broadcast %logistic3A_47 : f32 to vector<512x80xf32>
    %logistic3A_49 = arith.addf %logistic3A_48, %logistic3A_46 : vector<512x80xf32>
    %logistic3A_50 = arith.divf %logistic3A_48, %logistic3A_49 : vector<512x80xf32>
    %sub3A_51 = arith.constant 1.000000e+00 : f32
    %sub3A_52 = vector.broadcast %sub3A_51 : f32 to vector<512x80xf32>
    %sub3A_53 = arith.subf %sub3A_52, %logistic3A_50 : vector<512x80xf32>
    %log3A_54 = math.log %sub3A_53 : vector<512x80xf32>
    %jit3A_55 = arith.constant -1.000000e+02 : f32
    %max3A_56 = vector.broadcast %jit3A_55 : f32 to vector<512x80xf32>
    %max3A_57 = arith.maximumf %max3A_56, %log3A_54 : vector<512x80xf32>
    %neg3A_58 = arith.constant 0.000000e+00 : f32
    %neg3A_59 = vector.broadcast %neg3A_58 : f32 to vector<512x80xf32>
    %neg3A_60 = arith.subf %neg3A_59, %max3A_57 : vector<512x80xf32>
    %reduce_sum3A = arith.constant dense<0.000000e+00> : vector<512xf32>
    %reduce_sum3A_61 = vector.multi_reduction <add>, %neg3A_60, %reduce_sum3A [1] : vector<512x80xf32> to vector<512xf32>
    %broadcast_in_dim3A = vector.shape_cast %reduce_sum3A_61 : vector<512xf32> to vector<512x1xf32>
    %mul3A = arith.mulf %slice3A_10, %slice3A_44 : vector<512x80xf32>
    %reduce_sum3A_62 = arith.constant dense<0.000000e+00> : vector<512xf32>
    %reduce_sum3A_63 = vector.multi_reduction <add>, %mul3A, %reduce_sum3A_62 [1] : vector<512x80xf32> to vector<512xf32>
    %broadcast_in_dim3A_64 = vector.shape_cast %reduce_sum3A_63 : vector<512xf32> to vector<512x1xf32>
    %logistic3A_65 = arith.negf %broadcast_in_dim3A_64 : vector<512x1xf32>
    %logistic3A_66 = math.exp %logistic3A_65 : vector<512x1xf32>
    %logistic3A_67 = arith.constant 1.000000e+00 : f32
    %logistic3A_68 = vector.broadcast %logistic3A_67 : f32 to vector<512x1xf32>
    %logistic3A_69 = arith.addf %logistic3A_68, %logistic3A_66 : vector<512x1xf32>
    %logistic3A_70 = arith.divf %logistic3A_68, %logistic3A_69 : vector<512x1xf32>
    %log3A_71 = math.log %logistic3A_70 : vector<512x1xf32>
    %jit3A_72 = arith.constant -1.000000e+02 : f32
    %max3A_73 = vector.broadcast %jit3A_72 : f32 to vector<512x1xf32>
    %max3A_74 = arith.maximumf %max3A_73, %log3A_71 : vector<512x1xf32>
    %neg3A_75 = arith.constant 0.000000e+00 : f32
    %neg3A_76 = vector.broadcast %neg3A_75 : f32 to vector<512x1xf32>
    %neg3A_77 = arith.subf %neg3A_76, %max3A_74 : vector<512x1xf32>
    %add3A_78 = arith.addf %broadcast_in_dim3A, %neg3A_77 : vector<512x1xf32>
    %logistic3A_79 = arith.negf %broadcast_in_dim3A_64 : vector<512x1xf32>
    %logistic3A_80 = math.exp %logistic3A_79 : vector<512x1xf32>
    %logistic3A_81 = arith.constant 1.000000e+00 : f32
    %logistic3A_82 = vector.broadcast %logistic3A_81 : f32 to vector<512x1xf32>
    %logistic3A_83 = arith.addf %logistic3A_82, %logistic3A_80 : vector<512x1xf32>
    %logistic3A_84 = arith.divf %logistic3A_82, %logistic3A_83 : vector<512x1xf32>
    %sub3A_85 = arith.constant 1.000000e+00 : f32
    %sub3A_86 = vector.broadcast %sub3A_85 : f32 to vector<512x1xf32>
    %sub3A_87 = arith.subf %sub3A_86, %logistic3A_84 : vector<512x1xf32>
    %log3A_88 = math.log %sub3A_87 : vector<512x1xf32>
    %jit3A_89 = arith.constant -1.000000e+02 : f32
    %max3A_90 = vector.broadcast %jit3A_89 : f32 to vector<512x1xf32>
    %max3A_91 = arith.maximumf %max3A_90, %log3A_88 : vector<512x1xf32>
    %neg3A_92 = arith.constant 0.000000e+00 : f32
    %neg3A_93 = vector.broadcast %neg3A_92 : f32 to vector<512x1xf32>
    %neg3A_94 = arith.subf %neg3A_93, %max3A_91 : vector<512x1xf32>
    %sub3A_95 = arith.subf %add3A_78, %neg3A_94 : vector<512x1xf32>
    %slice3A_96 = vector.extract_strided_slice %get3A_1 {offsets = [0, 85], sizes = [512, 3], strides = [1, 1]} : vector<512x88xf32> to vector<512x3xf32>
    %logistic3A_97 = arith.negf %slice3A_96 : vector<512x3xf32>
    %logistic3A_98 = math.exp %logistic3A_97 : vector<512x3xf32>
    %logistic3A_99 = arith.constant 1.000000e+00 : f32
    %logistic3A_100 = vector.broadcast %logistic3A_99 : f32 to vector<512x3xf32>
    %logistic3A_101 = arith.addf %logistic3A_100, %logistic3A_98 : vector<512x3xf32>
    %logistic3A_102 = arith.divf %logistic3A_100, %logistic3A_101 : vector<512x3xf32>
    %sub3A_103 = arith.constant 1.000000e+00 : f32
    %sub3A_104 = vector.broadcast %sub3A_103 : f32 to vector<512x3xf32>
    %sub3A_105 = arith.subf %sub3A_104, %logistic3A_102 : vector<512x3xf32>
    %log3A_106 = math.log %sub3A_105 : vector<512x3xf32>
    %jit3A_107 = arith.constant -1.000000e+02 : f32
    %max3A_108 = vector.broadcast %jit3A_107 : f32 to vector<512x3xf32>
    %max3A_109 = arith.maximumf %max3A_108, %log3A_106 : vector<512x3xf32>
    %neg3A_110 = arith.constant 0.000000e+00 : f32
    %neg3A_111 = vector.broadcast %neg3A_110 : f32 to vector<512x3xf32>
    %neg3A_112 = arith.subf %neg3A_111, %max3A_109 : vector<512x3xf32>
    %mul3A_113 = arith.mulf %slice3A_9, %neg3A_112 : vector<512x3xf32>
    %reduce_sum3A_114 = vector.shape_cast %mul3A_113 : vector<512x3xf32> to vector<1x512x3xf32>
    %reduce_sum3A_115 = arith.constant dense<0.000000e+00> : vector<1xf32>
    %reduce_sum3A_116 = vector.multi_reduction <add>, %reduce_sum3A_114, %reduce_sum3A_115 [1, 2] : vector<1x512x3xf32> to vector<1xf32>
    %reduce_sum3A_117 = vector.shape_cast %reduce_sum3A_116 : vector<1xf32> to vector<1x1x1xf32>
    %reduce_sum3A_118 = vector.extract %reduce_sum3A_117[0, 0, 0] : f32 from vector<1x1x1xf32>
    %add3A_119 = arith.addf %add3A_33, %neg3A_43 : vector<512x1xf32>
    %add3A_120 = arith.addf %add3A_119, %sub3A_95 : vector<512x1xf32>
    %mul3A_121 = arith.mulf %slice3A_8, %add3A_120 : vector<512x1xf32>
    %reduce_sum3A_122 = vector.shape_cast %mul3A_121 : vector<512x1xf32> to vector<1x512x1xf32>
    %reduce_sum3A_123 = arith.constant dense<0.000000e+00> : vector<1xf32>
    %reduce_sum3A_124 = vector.multi_reduction <add>, %reduce_sum3A_122, %reduce_sum3A_123 [1, 2] : vector<1x512x1xf32> to vector<1xf32>
    %reduce_sum3A_125 = vector.shape_cast %reduce_sum3A_124 : vector<1xf32> to vector<1x1x1xf32>
    %reduce_sum3A_126 = vector.extract %reduce_sum3A_125[0, 0, 0] : f32 from vector<1x1x1xf32>
    %mul3A_127 = arith.constant 5.000000e-01 : f32
    %mul3A_128 = arith.mulf %mul3A_127, %reduce_sum3A_118 : f32
    %sub3A_129 = arith.subf %reduce_sum3A_126, %mul3A_128 : f32
    %get3A_130 = arith.constant 0 : index
    %get3A_131 = arith.constant 0 : index
    %get3A_132 = vector.load %arg2[%get3A_130, %get3A_131] : memref<1x1xf32, #tpu.memory_space<vmem>>, vector<1x1xf32>
    %div3A = arith.constant 1.600000e+01 : f32
    %div3A_133 = arith.divf %sub3A_129, %div3A : f32
    %reshape3A = vector.broadcast %div3A_133 : f32 to vector<1x1xf32>
    %add3A_134 = arith.addf %get3A_132, %reshape3A : vector<1x1xf32>
    %swap3A = arith.constant 0 : index
    %swap3A_135 = arith.constant 0 : index
    %swap3A_136 = vector.load %arg3[%swap3A, %swap3A_135] : memref<1x1xf32, #tpu.memory_space<vmem>>, vector<1x1xf32>
    tpu.vector_store %arg3[%swap3A, %swap3A_135], %add3A_134 {strides = array<i32>} : memref<1x1xf32, #tpu.memory_space<vmem>>, vector<1x1xf32>,
    return
  }
}

</mosaic_0001>

<sc_bundles>
// kernel: kernel.7.cloned.1.call-start
scs
__scs_entry_jumppad:
0x0: {  	(pc) =	sbr.rel $0x88, $3  }
0x1: {  	(tag) =	ssettag $0x0;
	lr =	simm.s32 $0x1  }
0x2: {  	[smem:$0x3F9E] =	sst lr;
	_ =	strace $0xD0000000  }
0x3: {  	_ = 	snop  }
0x4: {  	_ = 	snop  }
0x5: {  	_ = 	snop  }
0x6: {  	_ = 	snop  }
0x7: {  	_ = 	snop  }
__scs_overlays_trampoline_lowered:
0x8: {  	[smem:$0x3FAD] =	sst s0  }
0x9: {  	[smem:$0x3FAE] =	sst s1  }
0xa: {  	[smem:$0x3FAF] =	sst s2  }
0xb: {  	[smem:$0x3FB0] =	sst s3  }
0xc: {  	[smem:$0x3FB1] =	sst s4  }
0xd: {  	[smem:$0x3FB2] =	sst s5  }
0xe: {  	[smem:$0x3FB3] =	sst s6  }
0xf: {  	[smem:$0x3FB4] =	sst s7  }
0x10: {  	[smem:$0x3FB5] =	sst s8  }
0x11: {  	[smem:$0x3FB6] =	sst s9;
	s0 =	simm.s32 @!p0 $0x0  }
0x12: {  	s1 =	sld [smem:$0x3F9C];
	s0 =	simm.s32 @p0 $0x1  }
0x13: {  	[smem:$0x3FB7] =	sst s0;
	s0 =	simm.s32 @!p1 $0x0  }
0x14: {  	s2 =	sld [smem:$0x3F9B];
	s0 =	simm.s32 @p1 $0x1  }
0x15: {  	[smem:$0x3FB8] =	sst s0;
	s0 =	simm.s32 @!p2 $0x0  }
0x16: {  	s3 =	sld [smem:$0x3FDB];
	s0 =	simm.s32 @p2 $0x1  }
0x17: {  	s4 =	simm.s32 $0x1BF5;
	[smem:$0x3FBA] =	sst s0  }
0x18: {  	s0 =	sld [smem:$0x3F9D];
	_ =	swait.ge [sflag:s4], $0x0  }
0x19: {  	s7 =	sld [smem:$0x3F9E]  }
0x1a: {  	s8 =	sadd.s32 $0xFFFFE003, lr  }
0x1b: {  	s9 =	sadd.s32 $0xFFFFFEF7, lr;
	s5 =	simm.s32 $0xFFFFFFFF;
	p2 =	slt.u32 s8, $0xFFFFF086  }
0x1c: {  	p1 =	slt.u32 s9, $0xF7A;
	s5 =	simm.s32 @!p2 $0x0  }
0x1d: {  	s5 =	simm.s32 @p1 $0x1;
	p0 =	seq.s32 s7, s2  }
0x1e: {  	s7 =	smul.u32 @!p0 $0xF7A, s2;
	p2 =	seq.s32 @!p0 s5, $0x0  }
0x1f: {  	s9 =	smul.u32 $0xF7A, s1;
	s8 =	simm.s32 @!p0 $0x1BF5;
	p2 =	por !p2, p0  }
0x20: {  	[sflag:s8] =	ssyncset.s32 @!p0 $0xFFFFF086;
	s6 =	sadd.s32 @!p0 s3, s7;
	s7 =	simm.s32 @!p0 $0x108  }
0x21: {  	s3 =	sadd.s32 s3, s9;
	s6 =	sadd.s32 @!p0 $0x88, s6;
	s7 =	simm.s32 @p2 $0x1082  }
0x22: {  	[simem:s7], [sflag:s8] =	dma.local @!p0 [hbm:s6], $0xF7A  }
0x23: {  	s9 =	sor.u32 $0xD0000000, s2;
	s6 =	simm.s32 $0x108;
	_ =	swait.ge @!p0 [sflag:s8], $0x0  }
0x24: {  	s3 =	sadd.s32 $0x88, s3;
	s6 =	simm.s32 @!p1 $0x1082;
	[sflag:s4] =	ssyncset.s32 $0xFFFFF086  }
0x25: {  	[simem:s6], [sflag:s4] =	dma.local [hbm:s3], $0xF7A  }
0x26: {  	[smem:$0x3F9E] =	sst s1;
	(tag) =	ssettag s2;
	_ =	strace s9  }
0x27: {  	s1 =	sld [smem:$0x3FAE]  }
0x28: {  	s2 =	sld [smem:$0x3FAF]  }
0x29: {  	s4 =	sld [smem:$0x3FB1]  }
0x2a: {  	p0 =	seq.s32 s5, $0x0;
	s5 =	sld [smem:$0x3FB2]  }
0x2b: {  	s6 =	sld [smem:$0x3FB3]  }
0x2c: {  	s7 =	sld [smem:$0x3FB4]  }
0x2d: {  	s3 =	simm.s32 $0x108;
	s8 =	sld [smem:$0x3FB5]  }
0x2e: {  	s3 =	simm.s32 @!p0 $0x1082;
	s9 =	sld [smem:$0x3FB6]  }
0x2f: {  	lr =	sadd.s32 s0, s3;
	s0 =	sld [smem:$0x3FAD]  }
0x30: {  	s3 =	sld [smem:$0x3FB0]  }
0x31: {  	[smem:$0x3FB9] =	sst s10  }
0x32: {  	s10 =	sld [smem:$0x3FB7];
	_ =	sdelay $0x3  }
0x33: {  	p0 =	seq.s32 s10, $0x1;
	s10 =	sld [smem:$0x3FB9];
	_ =	sdelay $0x3  }
0x34: {  	[smem:$0x3FB9] =	sst s10  }
0x35: {  	s10 =	sld [smem:$0x3FB8];
	_ =	sdelay $0x3  }
0x36: {  	p1 =	seq.s32 s10, $0x1;
	s10 =	sld [smem:$0x3FB9];
	_ =	sdelay $0x3  }
0x37: {  	[smem:$0x3FB9] =	sst s10  }
0x38: {  	s10 =	sld [smem:$0x3FBA]  }
0x39: {  	_ = 	snop;
	(pc) =	sbr.ind lr, $3  }
0x3a: {  	_ = 	snop  }
0x3b: {  	_ = 	snop  }
0x3c: {  	p2 =	seq.s32 s10, $0x1;
	s10 =	sld [smem:$0x3FB9]  }
0x3d: {  	_ =	shalt  }
0x3e: {  	_ =	shalt  }
0x3f: {  	_ =	shalt  }
0x40: {  	_ =	shalt  }
0x41: {  	_ =	shalt  }
0x42: {  	_ =	shalt  }
0x43: {  	_ =	shalt  }
0x44: {  	_ =	shalt  }
0x45: {  	_ =	shalt  }
0x46: {  	_ =	shalt  }
0x47: {  	_ =	shalt  }
0x48: {  	_ =	shalt  }
0x49: {  	_ =	shalt  }
0x4a: {  	_ =	shalt  }
0x4b: {  	_ =	shalt  }
0x4c: {  	_ =	shalt  }
0x4d: {  	_ =	shalt  }
0x4e: {  	_ =	shalt  }
0x4f: {  	_ =	shalt  }
0x50: {  	_ =	shalt  }
0x51: {  	_ =	shalt  }
0x52: {  	_ =	shalt  }
0x53: {  	_ =	shalt  }
0x54: {  	_ =	shalt  }
0x55: {  	_ =	shalt  }
0x56: {  	_ =	shalt  }
0x57: {  	_ =	shalt  }
0x58: {  	_ =	shalt  }
0x59: {  	_ =	shalt  }
0x5a: {  	_ =	shalt  }
0x5b: {  	_ =	shalt  }
0x5c: {  	_ =	shalt  }
0x5d: {  	_ =	shalt  }
0x5e: {  	_ =	shalt  }
0x5f: {  	_ =	shalt  }
0x60: {  	_ =	shalt  }
0x61: {  	_ =	shalt  }
0x62: {  	_ =	shalt  }
0x63: {  	_ =	shalt  }
0x64: {  	_ =	shalt  }
0x65: {  	_ =	shalt  }
0x66: {  	_ =	shalt  }
0x67: {  	_ =	shalt  }
0x68: {  	_ =	shalt  }
0x69: {  	_ =	shalt  }
0x6a: {  	_ =	shalt  }
0x6b: {  	_ =	shalt  }
0x6c: {  	_ =	shalt  }
0x6d: {  	_ =	shalt  }
0x6e: {  	_ =	shalt  }
0x6f: {  	_ =	shalt  }
0x70: {  	_ =	shalt  }
0x71: {  	_ =	shalt  }
0x72: {  	_ =	shalt  }
0x73: {  	_ =	shalt  }
0x74: {  	_ =	shalt  }
0x75: {  	_ =	shalt  }
0x76: {  	_ =	shalt  }
0x77: {  	_ =	shalt  }
0x78: {  	_ =	shalt  }
0x79: {  	_ =	shalt  }
0x7a: {  	_ =	shalt  }
0x7b: {  	_ =	shalt  }
0x7c: {  	_ =	shalt  }
0x7d: {  	_ =	shalt  }
0x7e: {  	_ =	shalt  }
0x7f: {  	_ =	shalt  }
0x80: {  	_ =	shalt  }
0x81: {  	_ =	shalt  }
0x82: {  	_ =	shalt  }
0x83: {  	_ =	shalt  }
0x84: {  	_ =	shalt  }
0x85: {  	_ =	shalt  }
0x86: {  	_ =	shalt  }
0x87: {  	_ =	shalt  }
.Lfunc_end0:
.L_simem_size_0:
called_computation_lowered:
.L_overlay_start_0:
0x88: {  	s2 =	sld [smem:$0x3FD9]  }
0x89: {  	s3 =	sld [smem:$0x3FFE];
	_ =	sdelay $0x1  }
0x8a: {  	s1 =	srdreg.scid  }
0x8b: {  	s0 =	sand.u32 $0x1, s1  }
0x8c: {  	s16 =	sshll.u32 s0, $0xA;
	s2 =	sadd.s32 s3, s2  }
0x8d: {  	s2 =	sadd.s32 s2, s16  }
0x8e: {  	[smem:$0x3FC5] =	sst s2  }
0x8f: {  	_ = 	snop  }
0x90: {  	(tm) =	ssettm $0x1  }
0x91: {  	s17 =	sld [smem:$0x3FFB];
	_ =	sdelay $0x3  }
0x92: {  	_ =	strace s17  }
0x93: {  	s2 =	sld [smem:$0x3FFC];
	_ =	sdelay $0x3  }
0x94: {  	_ =	strace s2  }
0x95: {  	s2 =	sld [smem:$0x3FFD];
	_ =	sdelay $0x3  }
0x96: {  	_ =	strace s2  }
0x97: {  	_ =	strace $0x8FFFFFFF  }
0x98: {  	s18 =	sld [smem:$0x3FDB];
	_ =	sdelay $0x1  }
0x99: {  	s19 =	simm.s32 $_scs_section_size  }
0x9a: {  	s4 =	simm.s32 $_size__tile_overlayer_lowered;
	s5 =	simm.s32 $_tile_overlayer_lowered  }
0x9b: {  	s22 =	simm.s32 $0x1BFF;
	s21 =	sshll.u32 s5, $0x1;
	s2 =	sadd.s32 s19, s18  }
0x9c: {  	s6 =	simm.s32 $0x0;
	s20 =	sshll.u32 s4, $0x1;
	s4 =	sadd.s32 s21, s2  }
0x9d: {  	[timem:s6], [sflag:s22] =	dma.local [hbm:s4], s20  }
0x9e: {  	_ =	swait.ge [sflag:s22], s20  }
0x9f: {  	s3 =	ssub.s32 $0x0, s20;
	[sflag:s22] =	ssyncset.done $0x0  }
0xa0: {  	[sflag:s22] =	ssyncadd.s32 s3;
	_ =	sdelay $0x1  }
0xa1: {  	s23 =	simm.s32 $0x1B8B  }
0xa2: {  	_ =	swait.ge [sflag:s23], $0x1  }
0xa3: {  	[sflag:s23] =	ssyncset.done $0x0  }
0xa4: {  	s25 =	simm.s32 $0x1B8E;
	s24 =	sld [smem:$0x3FFE];
	[sflag:s23] =	ssyncadd.s32 $0xFFFFFFFF  }
0xa5: {  	s26 =	simm.s32 $execute0_lowered;
	[smem:$0x3FD2] =	sst s25  }
0xa6: {  	s4 =	sshll.u32 s26, $0x1;
	_ =	strace $0x80000046;
	[dreg:$0x1] =	wrdreg $0xFFFFFFFF  }
0xa7: {  	s28 =	simm.s32 $_size_execute0_lowered;
	s2 =	sadd.s32 s2, s4;
	[dreg:$0x0] =	wrdreg $0x0  }
0xa8: {  	s4 =	sshll.u32 s28, $0x1;
	[dreg:$0x2] =	wrdreg s2  }
0xa9: {  	[dreg:$0x3] =	wrdreg s4  }
0xaa: {  	[dreg:$0x4] =	wrdreg $0xC0  }
0xab: {  	_ =	task [dreg:s6], $0x5FFFF  }
0xac: {  	[dreg:$0x1] =	wrdreg $0xFFFFFFFF  }
0xad: {  	[dreg:$0x0] =	wrdreg $0x60  }
0xae: {  	[dreg:$0x2] =	wrdreg s24  }
0xaf: {  	[dreg:$0x3] =	wrdreg $0x9  }
0xb0: {  	_ =	task.clear_ibuf [dreg:s6], $0x4FFFF;
	_ =	strace $0x90000046  }
0xb1: {  	s29 =	simm.s32 $0x9;
	_ =	strace $0x80000048  }
0xb2: {  	_ =	swait.ge [sflag:s29], $0x1  }
0xb3: {  	[sflag:s29] =	ssyncadd.s32 $0xFFFFFFFF  }
0xb4: {  	_ =	strace $0x90000048  }
0xb5: {  	_ =	sfence  }
0xb6: {  	s30 =	sld [smem:$0x0];
	_ =	sdelay $0x2  }
0xb7: {  	s31 =	sshll.u32 s1, $0xD;
	s1 =	sshrl.u32 s1, $0x2  }
0xb8: {  	s3 =	sand.u32 $0x4000, s31;
	s1 =	sadd.s32 s1, s30  }
0xb9: {  	s0 =	sor.u32 s3, s0;
	s1 =	sshll.u32 s1, $0x11  }
0xba: {  	s0 =	sor.u32 s1, s0  }
0xbb: {  	s0 =	sadd.s32 $0x8F2B, s0  }
0xbc: {  	[sflag:s0] =	ssyncadd.remote.s32 $0x1  }
0xbd: {  	_ =	sfence.sel $0xFFFF  }
0xbe: {  	[dreg:$0x0] =	wrdreg $0xFFFFFFFF;
	(pc) =	sbr.abs _section_cstart, $3  }
0xbf: {  	[dreg:$0x1] =	wrdreg $0xFFFFFFFF  }
0xc0: {  	_ =	task.clear_ibuf [dreg:s6], $0x2FFFF;
	_ =	strace $0x9FFFFFFF  }
0xc1: {  	(tm) =	ssettm $0x7FFFFFFF  }
tec
execute0_lowered:
.L_overlay_start_1:
0x0: {  	(tag) =	ssettag $0x1  }
0x1: {  	s1 =	srdreg.scid;
	s0 =	stileid.u32  }
0x2: {  	s7 =	sand.u32 $0x1, s1;
	s31 =	sshll.u32 s0, $0x1  }
0x3: {  	s5 =	rddreg [dreg:$0x0];
	s2 =	simm.s32 $0x0;
	s4 =	sor.u32 s7, s31  }
0x4: {  	s17 =	simm.s32 $0x2;
	s18 =	simm.s32 $0x80;
	s3 =	smul.u32 $0x2C000, s4  }
0x5: {  	s19 =	simm.s32 $0x800;
	s20 =	simm.s32 $0x880;
	s1 =	rddreg [dreg:$0x1]  }
0x6: {  	s21 =	simm.s32 $0x1;
	[smem:$0x7FF] =	sst s2;
	s3 =	sshrl.u32 s3, $0x3  }
0x7: {  	_ =	strace $0x80000047;
	s14 =	ssub.s32 $0x2, s7;
	s15 =	sadd.s32 s3, s5  }
0x8: {  	s6 =	sshll.u32 s4, $0x8;
	s3 =	sadd.s32 $0x402A00, s5;
	s4 =	sadd.s32 $0x600A00, s15  }
0x9: {  	s11 =	sadd.s32 s6, s5;
	s5 =	sadd.s32 $0x601200, s15;
	s6 =	sadd.s32 $0x601A00, s15  }
0xa: {  	s16 =	sshrl.u32 s14, $0x1;
	s7 =	sadd.s32 $0x602200, s15;
	s8 =	sadd.s32 $0x602A00, s15  }
0xb: {  	s16 =	ssub.s32 s14, s16;
	s9 =	sadd.s32 $0x603200, s15;
	s10 =	sadd.s32 $0x603A00, s15  }
0xc: {  	s11 =	sadd.s32 $0x4A00, s11;
	s12 =	sadd.s32 $0x604200, s15;
	s13 =	sadd.s32 $0x604A00, s15  }
0xd: {  	s16 =	smax.u32 s16, $0x1;
	s14 =	sadd.s32 $0x605200, s15;
	s15 =	sadd.s32 $0x605A00, s15  }
.LBB2_1:
0xe: {  	[tilespmem:s2], [sflag:$0x2] =	stream.linear.gather [hbm4b:s11+s2], $0x580, $0x38;
	[tilespmem:$0x4880] =	vst v63  }
0xf: {  	_ =	swait.ge [sflag:s17], $0x580  }
0x10: {  	[sflag:s17] =	ssyncset.done $0x0  }
0x11: {  	[sflag:s17] =	ssyncadd.s32 $0xFFFFFA80  }
0x12: {  	v0 =	vld [tilespmem:$0x0]  }
0x13: {  	v1 =	vld [tilespmem:$0x10]  }
0x14: {  	v2 =	vld [tilespmem:$0x20]  }
0x15: {  	v3 =	vld [tilespmem:$0x30]  }
0x16: {  	v4 =	vld [tilespmem:$0x40]  }
0x17: {  	v5 =	vld [tilespmem:$0x50];
	v0 =	vshra.s32 v0, $0x7  }
0x18: {  	v20 =	vld [tilespmem:$0x60];
	v19 =	vshra.s32 v1, $0x7;
	[tilespmem:$0x800] =	vst v0  }
0x19: {  	v22 =	vld [tilespmem:$0x70];
	v21 =	vshra.s32 v2, $0x7;
	[tilespmem:$0x810] =	vst v19  }
0x1a: {  	v23 =	vshra.s32 v3, $0x7;
	[tilespmem:$0x820] =	vst v21  }
0x1b: {  	v24 =	vshra.s32 v4, $0x7;
	[tilespmem:$0x830] =	vst v23  }
0x1c: {  	v25 =	vshra.s32 v5, $0x7;
	[tilespmem:$0x840] =	vst v24  }
0x1d: {  	v26 =	vshra.s32 v20, $0x7;
	[tilespmem:$0x850] =	vst v25  }
0x1e: {  	v27 =	vshra.s32 v22, $0x7;
	[tilespmem:$0x860] =	vst v26  }
0x1f: {  	[tilespmem:$0x870] =	vst v27  }
0x20: {  	[tilespmem:s20], [sflag:$0x1] =	stream.indirect.gather [hbm4b:s3+s18], $0x80, s19, s18, $0xb8;
	[tilespmem:$0x4880] =	vst v63  }
0x21: {  	_ =	swait.ge [sflag:s21], $0x4000  }
0x22: {  	[sflag:s21] =	ssyncset.done $0x0  }
0x23: {  	[sflag:s21] =	ssyncadd.s32 $0xFFFFC000  }
0x24: {  	[hbm4b:s4+s2] =	stream.linear.scatter [tilespmem:s20], [sflag:$0x2], $0x4000, $0x38;
	[tilespmem:$0x4880] =	vst v63  }
0x25: {  	_ =	swait.ge [sflag:s17], $0x4000  }
0x26: {  	[sflag:s17] =	ssyncset.done $0x0  }
0x27: {  	[sflag:s17] =	ssyncadd.s32 $0xFFFFC000  }
0x28: {  	v28 =	vld [tilespmem:$0x80]  }
0x29: {  	v29 =	vld [tilespmem:$0x90]  }
0x2a: {  	v30 =	vld [tilespmem:$0xA0]  }
0x2b: {  	v31 =	vld [tilespmem:$0xB0]  }
0x2c: {  	v32 =	vld [tilespmem:$0xC0]  }
0x2d: {  	v33 =	vld [tilespmem:$0xD0];
	v0 =	vshra.s32 v28, $0x7  }
0x2e: {  	v35 =	vld [tilespmem:$0xE0];
	v34 =	vshra.s32 v29, $0x7;
	[tilespmem:$0x800] =	vst v0  }
0x2f: {  	v37 =	vld [tilespmem:$0xF0];
	v36 =	vshra.s32 v30, $0x7;
	[tilespmem:$0x810] =	vst v34  }
0x30: {  	v38 =	vshra.s32 v31, $0x7;
	[tilespmem:$0x820] =	vst v36  }
0x31: {  	v39 =	vshra.s32 v32, $0x7;
	[tilespmem:$0x830] =	vst v38  }
0x32: {  	v40 =	vshra.s32 v33, $0x7;
	[tilespmem:$0x840] =	vst v39  }
0x33: {  	v41 =	vshra.s32 v35, $0x7;
	[tilespmem:$0x850] =	vst v40  }
0x34: {  	v42 =	vshra.s32 v37, $0x7;
	[tilespmem:$0x860] =	vst v41  }
0x35: {  	[tilespmem:$0x870] =	vst v42  }
0x36: {  	[tilespmem:s20], [sflag:$0x1] =	stream.indirect.gather [hbm4b:s3+s18], $0x80, s19, s18, $0xb8;
	[tilespmem:$0x4880] =	vst v63  }
0x37: {  	_ =	swait.ge [sflag:s21], $0x4000  }
0x38: {  	[sflag:s21] =	ssyncset.done $0x0  }
0x39: {  	[sflag:s21] =	ssyncadd.s32 $0xFFFFC000  }
0x3a: {  	[hbm4b:s5+s2] =	stream.linear.scatter [tilespmem:s20], [sflag:$0x2], $0x4000, $0x38;
	[tilespmem:$0x4880] =	vst v63  }
0x3b: {  	_ =	swait.ge [sflag:s17], $0x4000  }
0x3c: {  	[sflag:s17] =	ssyncset.done $0x0  }
0x3d: {  	[sflag:s17] =	ssyncadd.s32 $0xFFFFC000  }
0x3e: {  	v43 =	vld [tilespmem:$0x100]  }
0x3f: {  	v44 =	vld [tilespmem:$0x110]  }
0x40: {  	v45 =	vld [tilespmem:$0x120]  }
0x41: {  	v46 =	vld [tilespmem:$0x130]  }
0x42: {  	v47 =	vld [tilespmem:$0x140]  }
0x43: {  	v48 =	vld [tilespmem:$0x150];
	v0 =	vshra.s32 v43, $0x7  }
0x44: {  	v50 =	vld [tilespmem:$0x160];
	v49 =	vshra.s32 v44, $0x7;
	[tilespmem:$0x800] =	vst v0  }
0x45: {  	v52 =	vld [tilespmem:$0x170];
	v51 =	vshra.s32 v45, $0x7;
	[tilespmem:$0x810] =	vst v49  }
0x46: {  	v53 =	vshra.s32 v46, $0x7;
	[tilespmem:$0x820] =	vst v51  }
0x47: {  	v54 =	vshra.s32 v47, $0x7;
	[tilespmem:$0x830] =	vst v53  }
0x48: {  	v55 =	vshra.s32 v48, $0x7;
	[tilespmem:$0x840] =	vst v54  }
0x49: {  	v56 =	vshra.s32 v50, $0x7;
	[tilespmem:$0x850] =	vst v55  }
0x4a: {  	v57 =	vshra.s32 v52, $0x7;
	[tilespmem:$0x860] =	vst v56  }
0x4b: {  	[tilespmem:$0x870] =	vst v57  }
0x4c: {  	[tilespmem:s20], [sflag:$0x1] =	stream.indirect.gather [hbm4b:s3+s18], $0x80, s19, s18, $0xb8;
	[tilespmem:$0x4880] =	vst v63  }
0x4d: {  	_ =	swait.ge [sflag:s21], $0x4000  }
0x4e: {  	[sflag:s21] =	ssyncset.done $0x0  }
0x4f: {  	[sflag:s21] =	ssyncadd.s32 $0xFFFFC000  }
0x50: {  	[hbm4b:s6+s2] =	stream.linear.scatter [tilespmem:s20], [sflag:$0x2], $0x4000, $0x38;
	[tilespmem:$0x4880] =	vst v63  }
0x51: {  	_ =	swait.ge [sflag:s17], $0x4000  }
0x52: {  	[sflag:s17] =	ssyncset.done $0x0  }
0x53: {  	[sflag:s17] =	ssyncadd.s32 $0xFFFFC000  }
0x54: {  	v58 =	vld [tilespmem:$0x180]  }
0x55: {  	v59 =	vld [tilespmem:$0x190]  }
0x56: {  	v60 =	vld [tilespmem:$0x1A0]  }
0x57: {  	v61 =	vld [tilespmem:$0x1B0]  }
0x58: {  	v62 =	vld [tilespmem:$0x1C0]  }
0x59: {  	v63 =	vld [tilespmem:$0x1D0];
	v0 =	vshra.s32 v58, $0x7  }
0x5a: {  	v7 =	vld [tilespmem:$0x1E0];
	v6 =	vshra.s32 v59, $0x7;
	[tilespmem:$0x800] =	vst v0  }
0x5b: {  	v9 =	vld [tilespmem:$0x1F0];
	v8 =	vshra.s32 v60, $0x7;
	[tilespmem:$0x810] =	vst v6  }
0x5c: {  	v10 =	vshra.s32 v61, $0x7;
	[tilespmem:$0x820] =	vst v8  }
0x5d: {  	v11 =	vshra.s32 v62, $0x7;
	[tilespmem:$0x830] =	vst v10  }
0x5e: {  	v12 =	vshra.s32 v63, $0x7;
	[tilespmem:$0x840] =	vst v11  }
0x5f: {  	v13 =	vshra.s32 v7, $0x7;
	[tilespmem:$0x850] =	vst v12  }
0x60: {  	v14 =	vshra.s32 v9, $0x7;
	[tilespmem:$0x860] =	vst v13  }
0x61: {  	[tilespmem:$0x870] =	vst v14  }
0x62: {  	[tilespmem:s20], [sflag:$0x1] =	stream.indirect.gather [hbm4b:s3+s18], $0x80, s19, s18, $0xb8;
	[tilespmem:$0x4880] =	vst v63  }
0x63: {  	_ =	swait.ge [sflag:s21], $0x4000  }
0x64: {  	[sflag:s21] =	ssyncset.done $0x0  }
0x65: {  	[sflag:s21] =	ssyncadd.s32 $0xFFFFC000  }
0x66: {  	[hbm4b:s7+s2] =	stream.linear.scatter [tilespmem:s20], [sflag:$0x2], $0x4000, $0x38;
	[tilespmem:$0x4880] =	vst v63  }
0x67: {  	_ =	swait.ge [sflag:s17], $0x4000  }
0x68: {  	[sflag:s17] =	ssyncset.done $0x0  }
0x69: {  	[sflag:s17] =	ssyncadd.s32 $0xFFFFC000  }
0x6a: {  	v15 =	vld [tilespmem:$0x200]  }
0x6b: {  	v16 =	vld [tilespmem:$0x210]  }
0x6c: {  	v17 =	vld [tilespmem:$0x220]  }
0x6d: {  	v18 =	vld [tilespmem:$0x230]  }
0x6e: {  	v19 =	vld [tilespmem:$0x240]  }
0x6f: {  	v20 =	vld [tilespmem:$0x250];
	v0 =	vshra.s32 v15, $0x7  }
0x70: {  	v22 =	vld [tilespmem:$0x260];
	v21 =	vshra.s32 v16, $0x7;
	[tilespmem:$0x800] =	vst v0  }
0x71: {  	v24 =	vld [tilespmem:$0x270];
	v23 =	vshra.s32 v17, $0x7;
	[tilespmem:$0x810] =	vst v21  }
0x72: {  	v25 =	vshra.s32 v18, $0x7;
	[tilespmem:$0x820] =	vst v23  }
0x73: {  	v26 =	vshra.s32 v19, $0x7;
	[tilespmem:$0x830] =	vst v25  }
0x74: {  	v27 =	vshra.s32 v20, $0x7;
	[tilespmem:$0x840] =	vst v26  }
0x75: {  	v28 =	vshra.s32 v22, $0x7;
	[tilespmem:$0x850] =	vst v27  }
0x76: {  	v29 =	vshra.s32 v24, $0x7;
	[tilespmem:$0x860] =	vst v28  }
0x77: {  	[tilespmem:$0x870] =	vst v29  }
0x78: {  	[tilespmem:s20], [sflag:$0x1] =	stream.indirect.gather [hbm4b:s3+s18], $0x80, s19, s18, $0xb8;
	[tilespmem:$0x4880] =	vst v63  }
0x79: {  	_ =	swait.ge [sflag:s21], $0x4000  }
0x7a: {  	[sflag:s21] =	ssyncset.done $0x0  }
0x7b: {  	[sflag:s21] =	ssyncadd.s32 $0xFFFFC000  }
0x7c: {  	[hbm4b:s8+s2] =	stream.linear.scatter [tilespmem:s20], [sflag:$0x2], $0x4000, $0x38;
	[tilespmem:$0x4880] =	vst v63  }
0x7d: {  	_ =	swait.ge [sflag:s17], $0x4000  }
0x7e: {  	[sflag:s17] =	ssyncset.done $0x0  }
0x7f: {  	[sflag:s17] =	ssyncadd.s32 $0xFFFFC000  }
0x80: {  	v30 =	vld [tilespmem:$0x280]  }
0x81: {  	v31 =	vld [tilespmem:$0x290]  }
0x82: {  	v32 =	vld [tilespmem:$0x2A0]  }
0x83: {  	v33 =	vld [tilespmem:$0x2B0]  }
0x84: {  	v34 =	vld [tilespmem:$0x2C0]  }
0x85: {  	v35 =	vld [tilespmem:$0x2D0];
	v0 =	vshra.s32 v30, $0x7  }
0x86: {  	v37 =	vld [tilespmem:$0x2E0];
	v36 =	vshra.s32 v31, $0x7;
	[tilespmem:$0x800] =	vst v0  }
0x87: {  	v39 =	vld [tilespmem:$0x2F0];
	v38 =	vshra.s32 v32, $0x7;
	[tilespmem:$0x810] =	vst v36  }
0x88: {  	v40 =	vshra.s32 v33, $0x7;
	[tilespmem:$0x820] =	vst v38  }
0x89: {  	v41 =	vshra.s32 v34, $0x7;
	[tilespmem:$0x830] =	vst v40  }
0x8a: {  	v42 =	vshra.s32 v35, $0x7;
	[tilespmem:$0x840] =	vst v41  }
0x8b: {  	v43 =	vshra.s32 v37, $0x7;
	[tilespmem:$0x850] =	vst v42  }
0x8c: {  	v44 =	vshra.s32 v39, $0x7;
	[tilespmem:$0x860] =	vst v43  }
0x8d: {  	[tilespmem:$0x870] =	vst v44  }
0x8e: {  	[tilespmem:s20], [sflag:$0x1] =	stream.indirect.gather [hbm4b:s3+s18], $0x80, s19, s18, $0xb8;
	[tilespmem:$0x4880] =	vst v63  }
0x8f: {  	_ =	swait.ge [sflag:s21], $0x4000  }
0x90: {  	[sflag:s21] =	ssyncset.done $0x0  }
0x91: {  	[sflag:s21] =	ssyncadd.s32 $0xFFFFC000  }
0x92: {  	[hbm4b:s9+s2] =	stream.linear.scatter [tilespmem:s20], [sflag:$0x2], $0x4000, $0x38;
	[tilespmem:$0x4880] =	vst v63  }
0x93: {  	_ =	swait.ge [sflag:s17], $0x4000  }
0x94: {  	[sflag:s17] =	ssyncset.done $0x0  }
0x95: {  	[sflag:s17] =	ssyncadd.s32 $0xFFFFC000  }
0x96: {  	v45 =	vld [tilespmem:$0x300]  }
0x97: {  	v46 =	vld [tilespmem:$0x310]  }
0x98: {  	v47 =	vld [tilespmem:$0x320]  }
0x99: {  	v48 =	vld [tilespmem:$0x330]  }
0x9a: {  	v49 =	vld [tilespmem:$0x340]  }
0x9b: {  	v50 =	vld [tilespmem:$0x350];
	v0 =	vshra.s32 v45, $0x7  }
0x9c: {  	v52 =	vld [tilespmem:$0x360];
	v51 =	vshra.s32 v46, $0x7;
	[tilespmem:$0x800] =	vst v0  }
0x9d: {  	v54 =	vld [tilespmem:$0x370];
	v53 =	vshra.s32 v47, $0x7;
	[tilespmem:$0x810] =	vst v51  }
0x9e: {  	v55 =	vshra.s32 v48, $0x7;
	[tilespmem:$0x820] =	vst v53  }
0x9f: {  	v56 =	vshra.s32 v49, $0x7;
	[tilespmem:$0x830] =	vst v55  }
0xa0: {  	v57 =	vshra.s32 v50, $0x7;
	[tilespmem:$0x840] =	vst v56  }
0xa1: {  	v58 =	vshra.s32 v52, $0x7;
	[tilespmem:$0x850] =	vst v57  }
0xa2: {  	v59 =	vshra.s32 v54, $0x7;
	[tilespmem:$0x860] =	vst v58  }
0xa3: {  	[tilespmem:$0x870] =	vst v59  }
0xa4: {  	[tilespmem:s20], [sflag:$0x1] =	stream.indirect.gather [hbm4b:s3+s18], $0x80, s19, s18, $0xb8;
	[tilespmem:$0x4880] =	vst v63  }
0xa5: {  	_ =	swait.ge [sflag:s21], $0x4000  }
0xa6: {  	[sflag:s21] =	ssyncset.done $0x0  }
0xa7: {  	[sflag:s21] =	ssyncadd.s32 $0xFFFFC000  }
0xa8: {  	[hbm4b:s10+s2] =	stream.linear.scatter [tilespmem:s20], [sflag:$0x2], $0x4000, $0x38;
	[tilespmem:$0x4880] =	vst v63  }
0xa9: {  	_ =	swait.ge [sflag:s17], $0x4000  }
0xaa: {  	[sflag:s17] =	ssyncset.done $0x0  }
0xab: {  	[sflag:s17] =	ssyncadd.s32 $0xFFFFC000  }
0xac: {  	v60 =	vld [tilespmem:$0x380]  }
0xad: {  	v61 =	vld [tilespmem:$0x390]  }
0xae: {  	v62 =	vld [tilespmem:$0x3A0]  }
0xaf: {  	v63 =	vld [tilespmem:$0x3B0]  }
0xb0: {  	v8 =	vld [tilespmem:$0x3C0]  }
0xb1: {  	v9 =	vld [tilespmem:$0x3D0];
	v0 =	vshra.s32 v60, $0x7  }
0xb2: {  	v11 =	vld [tilespmem:$0x3E0];
	v10 =	vshra.s32 v61, $0x7;
	[tilespmem:$0x800] =	vst v0  }
0xb3: {  	v13 =	vld [tilespmem:$0x3F0];
	v12 =	vshra.s32 v62, $0x7;
	[tilespmem:$0x810] =	vst v10  }
0xb4: {  	v14 =	vshra.s32 v63, $0x7;
	[tilespmem:$0x820] =	vst v12  }
0xb5: {  	v15 =	vshra.s32 v8, $0x7;
	[tilespmem:$0x830] =	vst v14  }
0xb6: {  	v16 =	vshra.s32 v9, $0x7;
	[tilespmem:$0x840] =	vst v15  }
0xb7: {  	v17 =	vshra.s32 v11, $0x7;
	[tilespmem:$0x850] =	vst v16  }
0xb8: {  	v18 =	vshra.s32 v13, $0x7;
	[tilespmem:$0x860] =	vst v17  }
0xb9: {  	[tilespmem:$0x870] =	vst v18  }
0xba: {  	[tilespmem:s20], [sflag:$0x1] =	stream.indirect.gather [hbm4b:s3+s18], $0x80, s19, s18, $0xb8;
	[tilespmem:$0x4880] =	vst v63  }
0xbb: {  	_ =	swait.ge [sflag:s21], $0x4000  }
0xbc: {  	[sflag:s21] =	ssyncset.done $0x0  }
0xbd: {  	[sflag:s21] =	ssyncadd.s32 $0xFFFFC000  }
0xbe: {  	[hbm4b:s12+s2] =	stream.linear.scatter [tilespmem:s20], [sflag:$0x2], $0x4000, $0x38;
	[tilespmem:$0x4880] =	vst v63  }
0xbf: {  	_ =	swait.ge [sflag:s17], $0x4000  }
0xc0: {  	[sflag:s17] =	ssyncset.done $0x0  }
0xc1: {  	[sflag:s17] =	ssyncadd.s32 $0xFFFFC000  }
0xc2: {  	v19 =	vld [tilespmem:$0x400]  }
0xc3: {  	v20 =	vld [tilespmem:$0x410]  }
0xc4: {  	v21 =	vld [tilespmem:$0x420]  }
0xc5: {  	v22 =	vld [tilespmem:$0x430]  }
0xc6: {  	v23 =	vld [tilespmem:$0x440]  }
0xc7: {  	v24 =	vld [tilespmem:$0x450];
	v0 =	vshra.s32 v19, $0x7  }
0xc8: {  	v26 =	vld [tilespmem:$0x460];
	v25 =	vshra.s32 v20, $0x7;
	[tilespmem:$0x800] =	vst v0  }
0xc9: {  	v28 =	vld [tilespmem:$0x470];
	v27 =	vshra.s32 v21, $0x7;
	[tilespmem:$0x810] =	vst v25  }
0xca: {  	v29 =	vshra.s32 v22, $0x7;
	[tilespmem:$0x820] =	vst v27  }
0xcb: {  	v30 =	vshra.s32 v23, $0x7;
	[tilespmem:$0x830] =	vst v29  }
0xcc: {  	v31 =	vshra.s32 v24, $0x7;
	[tilespmem:$0x840] =	vst v30  }
0xcd: {  	v32 =	vshra.s32 v26, $0x7;
	[tilespmem:$0x850] =	vst v31  }
0xce: {  	v33 =	vshra.s32 v28, $0x7;
	[tilespmem:$0x860] =	vst v32  }
0xcf: {  	[tilespmem:$0x870] =	vst v33  }
0xd0: {  	[tilespmem:s20], [sflag:$0x1] =	stream.indirect.gather [hbm4b:s3+s18], $0x80, s19, s18, $0xb8;
	[tilespmem:$0x4880] =	vst v63  }
0xd1: {  	_ =	swait.ge [sflag:s21], $0x4000  }
0xd2: {  	[sflag:s21] =	ssyncset.done $0x0  }
0xd3: {  	[sflag:s21] =	ssyncadd.s32 $0xFFFFC000  }
0xd4: {  	[hbm4b:s13+s2] =	stream.linear.scatter [tilespmem:s20], [sflag:$0x2], $0x4000, $0x38;
	[tilespmem:$0x4880] =	vst v63  }
0xd5: {  	_ =	swait.ge [sflag:s17], $0x4000  }
0xd6: {  	[sflag:s17] =	ssyncset.done $0x0  }
0xd7: {  	[sflag:s17] =	ssyncadd.s32 $0xFFFFC000  }
0xd8: {  	v34 =	vld [tilespmem:$0x480]  }
0xd9: {  	v35 =	vld [tilespmem:$0x490]  }
0xda: {  	v36 =	vld [tilespmem:$0x4A0]  }
0xdb: {  	v37 =	vld [tilespmem:$0x4B0]  }
0xdc: {  	v38 =	vld [tilespmem:$0x4C0]  }
0xdd: {  	v39 =	vld [tilespmem:$0x4D0];
	v0 =	vshra.s32 v34, $0x7  }
0xde: {  	v41 =	vld [tilespmem:$0x4E0];
	v40 =	vshra.s32 v35, $0x7;
	[tilespmem:$0x800] =	vst v0  }
0xdf: {  	v43 =	vld [tilespmem:$0x4F0];
	v42 =	vshra.s32 v36, $0x7;
	[tilespmem:$0x810] =	vst v40  }
0xe0: {  	v44 =	vshra.s32 v37, $0x7;
	[tilespmem:$0x820] =	vst v42  }
0xe1: {  	v45 =	vshra.s32 v38, $0x7;
	[tilespmem:$0x830] =	vst v44  }
0xe2: {  	v46 =	vshra.s32 v39, $0x7;
	[tilespmem:$0x840] =	vst v45  }
0xe3: {  	v47 =	vshra.s32 v41, $0x7;
	[tilespmem:$0x850] =	vst v46  }
0xe4: {  	v48 =	vshra.s32 v43, $0x7;
	[tilespmem:$0x860] =	vst v47  }
0xe5: {  	[tilespmem:$0x870] =	vst v48  }
0xe6: {  	[tilespmem:s20], [sflag:$0x1] =	stream.indirect.gather [hbm4b:s3+s18], $0x80, s19, s18, $0xb8;
	[tilespmem:$0x4880] =	vst v63  }
0xe7: {  	_ =	swait.ge [sflag:s21], $0x4000  }
0xe8: {  	[sflag:s21] =	ssyncset.done $0x0  }
0xe9: {  	[sflag:s21] =	ssyncadd.s32 $0xFFFFC000  }
0xea: {  	[hbm4b:s14+s2] =	stream.linear.scatter [tilespmem:s20], [sflag:$0x2], $0x4000, $0x38;
	[tilespmem:$0x4880] =	vst v63  }
0xeb: {  	_ =	swait.ge [sflag:s17], $0x4000  }
0xec: {  	[sflag:s17] =	ssyncset.done $0x0  }
0xed: {  	[sflag:s17] =	ssyncadd.s32 $0xFFFFC000  }
0xee: {  	v49 =	vld [tilespmem:$0x500]  }
0xef: {  	v50 =	vld [tilespmem:$0x510]  }
0xf0: {  	v51 =	vld [tilespmem:$0x520]  }
0xf1: {  	v52 =	vld [tilespmem:$0x530]  }
0xf2: {  	v53 =	vld [tilespmem:$0x540]  }
0xf3: {  	v54 =	vld [tilespmem:$0x550];
	v0 =	vshra.s32 v49, $0x7  }
0xf4: {  	v56 =	vld [tilespmem:$0x560];
	v55 =	vshra.s32 v50, $0x7;
	[tilespmem:$0x800] =	vst v0  }
0xf5: {  	v58 =	vld [tilespmem:$0x570];
	v57 =	vshra.s32 v51, $0x7;
	[tilespmem:$0x810] =	vst v55  }
0xf6: {  	v59 =	vshra.s32 v52, $0x7;
	[tilespmem:$0x820] =	vst v57  }
0xf7: {  	v60 =	vshra.s32 v53, $0x7;
	[tilespmem:$0x830] =	vst v59  }
0xf8: {  	v61 =	vshra.s32 v54, $0x7;
	[tilespmem:$0x840] =	vst v60  }
0xf9: {  	v62 =	vshra.s32 v56, $0x7;
	[tilespmem:$0x850] =	vst v61  }
0xfa: {  	v63 =	vshra.s32 v58, $0x7;
	[tilespmem:$0x860] =	vst v62  }
0xfb: {  	[tilespmem:$0x870] =	vst v63  }
0xfc: {  	[tilespmem:s20], [sflag:$0x1] =	stream.indirect.gather [hbm4b:s3+s18], $0x80, s19, s18, $0xb8;
	[tilespmem:$0x4880] =	vst v63  }
0xfd: {  	_ =	swait.ge [sflag:s21], $0x4000  }
0xfe: {  	p0 =	sne.s32 s16, $0x1;
	[sflag:s21] =	ssyncset.done $0x0  }
.Ltmp0:
0xff: {  	[sflag:s21] =	ssyncadd.s32 $0xFFFFC000;
	(pc) =	sbr.rel @p0 .LBB2_1-.Ltmp0, $4  }
0x100: {  	[hbm4b:s15+s2] =	stream.linear.scatter [tilespmem:s20], [sflag:$0x2], $0x4000, $0x38;
	[tilespmem:$0x4880] =	vst v63  }
0x101: {  	_ =	swait.ge [sflag:s17], $0x4000  }
0x102: {  	[sflag:s17] =	ssyncset.done $0x0  }
0x103: {  	s16 =	sadd.s32 $0xFFFFFFFF, s16;
	[sflag:s17] =	ssyncadd.s32 $0xFFFFC000  }
0x104: {  	_ =	sfence.sel $0x180000  }
0x105: {  	[bflag:$0x0] =	sbarrier.arrive $0xFFFF  }
0x106: {  	p0 =	sne.s32 s0, $0x0;
	_ =	strace $0x90000047  }
0x107: {  	s0 =	sadd.s32 @!p0 $0x100000, s1;
	[bflag:$0x2] =	sbarrier.arrive $0xFFFF  }
0x108: {  	[sflag:s0] =	ssyncadd.tile.s32 @!p0 $0x1;
	_ =	shalt  }
.Lfunc_end2:
_tile_overlayer_lowered:
.L_overlay_start_2:
0x109: {  	(tag) =	ssettag $0x2  }
0x10a: {  	s0 =	rddreg [dreg:$0x0];
	s2 =	stileid.u32  }
0x10b: {  	s1 =	rddreg [dreg:$0x1];
	p0 =	sne.s32 s2, $0x0  }
0x10c: {  	s3 =	rddreg [dreg:$0x2];
	[bflag:$0x3] =	sbarrier.arrive $0xFFFF;
	s2 =	simm.s32 @!p0 $0x1C02  }
0x10d: {  	[timem:s3], [sflag:s2] =	dma.local @!p0 [hbm:s0], s1  }
0x10e: {  	s0 =	simm.s32 @!p0 $0x2  }
0x10f: {  	_ =	swait.ge @!p0 [sflag:s0], s1  }
0x110: {  	s1 =	ssub.s32 @!p0 $0x0, s1;
	[sflag:s0] =	ssyncset.done @!p0 $0x0  }
0x111: {  	[sflag:s0] =	ssyncadd.s32 @!p0 s1  }
0x112: {  	[bflag:$0x3] =	sbarrier.arrive $0xFFFF  }
0x113: {  	_ =	shalt  }

</sc_bundles>
